<compile_context>
chip_gen: v7x
topology: tpu7x:2x2x1
jax: 0.10.2.dev20260603
libtpu: 0.0.44.dev20260713+nightly
codegen_flags: <defaults>
</compile_context>

<pallas_src>
import functools

import jax
import jax.numpy as jnp
from jax import lax
from jax.experimental import pallas as pl
from jax.experimental.pallas import tpu as pltpu
from jax.experimental.pallas import tpu_sc as plsc

N_NODES = 10000
N_PAD = 10240
IN_DIM = 128
HIDDEN_DIM = 64
OUT_DIM = 2
OUT_PAD = 8
N_EDGES = 320000

NC = 2
NS = 16
NW = NC * NS
CHUNK = 128
NBUF = 6
N_CHUNKS = 84
E_PAD = NW * N_CHUNKS * CHUNK
ROWS_PER_TILE = N_PAD // NS

_mesh = plsc.VectorSubcoreMesh(core_axis_name="c", subcore_axis_name="s")
_sc_params = pltpu.CompilerParams(use_tc_tiling_on_sc=False)


@functools.partial(
    pl.kernel,
    mesh=_mesh,
    out_type=jax.ShapeDtypeStruct((NC, N_PAD), jnp.float32),
    compiler_params=_sc_params,
    scratch_types=[
        pltpu.VMEM((N_CHUNKS, CHUNK), jnp.int32),
        pltpu.VMEM((CHUNK,), jnp.float32),
        pltpu.VMEM_SHARED((N_PAD,), jnp.float32),
        pltpu.SemaphoreType.DMA,
    ],
)
def _deg_kernel(dst_hbm, zeros_hbm, out_hbm, dst_v, ones_v, acc_sh, sem):
    cid = lax.axis_index("c")
    sid = lax.axis_index("s")
    wid = cid * NS + sid
    row0 = sid * ROWS_PER_TILE

    pltpu.sync_copy(zeros_hbm.at[pl.ds(row0, ROWS_PER_TILE)],
                    acc_sh.at[pl.ds(row0, ROWS_PER_TILE)])
    pltpu.sync_copy(dst_hbm.at[wid], dst_v)
    for i in range(CHUNK // 16):
        ones_v[pl.ds(i * 16, 16)] = jnp.ones((16,), jnp.float32)
    plsc.subcore_barrier()

    def fire(j, carry):
        pltpu.async_copy(ones_v, acc_sh.at[dst_v.at[j]], sem, add=True)
        return carry

    lax.fori_loop(0, N_CHUNKS, fire, 0)

    def drain(j, carry):
        pltpu.make_async_copy(ones_v, acc_sh.at[dst_v.at[0]], sem).wait()
        return carry

    lax.fori_loop(0, N_CHUNKS, drain, 0)
    plsc.subcore_barrier()
    pltpu.sync_copy(acc_sh.at[pl.ds(row0, ROWS_PER_TILE)],
                    out_hbm.at[cid, pl.ds(row0, ROWS_PER_TILE)])


def _make_agg_kernel(width):
    @functools.partial(
        pl.kernel,
        mesh=_mesh,
        out_type=jax.ShapeDtypeStruct((NC, N_PAD, width), jnp.float32),
        compiler_params=_sc_params,
        scratch_types=[
            pltpu.VMEM((N_CHUNKS, CHUNK), jnp.int32),
            pltpu.VMEM((N_CHUNKS, CHUNK), jnp.int32),
            pltpu.VMEM((NBUF, CHUNK, width), jnp.float32),
            pltpu.VMEM_SHARED((N_PAD, width), jnp.float32),
        ] + [pltpu.SemaphoreType.DMA] * (2 * NBUF),
    )
    def agg(y_hbm, src_hbm, dst_hbm, zeros_hbm, out_hbm,
            src_v, dst_v, rows_v, acc_sh, *sems):
        cid = lax.axis_index("c")
        sid = lax.axis_index("s")
        wid = cid * NS + sid
        row0 = sid * ROWS_PER_TILE
        sg = sems[:NBUF]
        ss = sems[NBUF:]

        pltpu.sync_copy(zeros_hbm.at[pl.ds(row0, ROWS_PER_TILE)],
                        acc_sh.at[pl.ds(row0, ROWS_PER_TILE)])
        pltpu.sync_copy(src_hbm.at[wid], src_v)
        pltpu.sync_copy(dst_hbm.at[wid], dst_v)
        plsc.subcore_barrier()

        for b in range(NBUF):
            pltpu.async_copy(y_hbm.at[src_v.at[b]], rows_v.at[b], sg[b])

        def body(i, carry):
            j = NBUF * i
            for b in range(NBUF):
                pltpu.make_async_copy(y_hbm.at[src_v.at[j + b]],
                                      rows_v.at[b], sg[b]).wait()
                pltpu.async_copy(rows_v.at[b], acc_sh.at[dst_v.at[j + b]],
                                 ss[b], add=True)
            for b in range(NBUF):
                pltpu.make_async_copy(rows_v.at[b], acc_sh.at[dst_v.at[j + b]],
                                      ss[b]).wait()
                pltpu.async_copy(y_hbm.at[src_v.at[j + NBUF + b]],
                                 rows_v.at[b], sg[b])
            return carry

        lax.fori_loop(0, (N_CHUNKS - NBUF) // NBUF, body, 0)

        for b in range(NBUF):
            j = N_CHUNKS - NBUF + b
            pltpu.make_async_copy(y_hbm.at[src_v.at[j]],
                                  rows_v.at[b], sg[b]).wait()
            pltpu.async_copy(rows_v.at[b], acc_sh.at[dst_v.at[j]],
                             ss[b], add=True)
        for b in range(NBUF):
            j = N_CHUNKS - NBUF + b
            pltpu.make_async_copy(rows_v.at[b], acc_sh.at[dst_v.at[j]],
                                  ss[b]).wait()

        plsc.subcore_barrier()
        pltpu.sync_copy(acc_sh.at[pl.ds(row0, ROWS_PER_TILE)],
                        out_hbm.at[cid, pl.ds(row0, ROWS_PER_TILE)])

    return agg


_agg64 = _make_agg_kernel(HIDDEN_DIM)
_agg8 = _make_agg_kernel(OUT_PAD)


_BR = 1000
_BR2 = 1024


def _k2_body(x_ref, w1_ref, degp_ref, y1_ref):
    h = jnp.dot(x_ref[...], w1_ref[...], preferred_element_type=jnp.float32)
    d = lax.rsqrt(degp_ref[0] + degp_ref[1])
    y1_ref[...] = h * d


def _k4_body(aggp_ref, degp_ref, w2_ref, b1_ref, y2_ref):
    d = lax.rsqrt(degp_ref[0] + degp_ref[1])
    s = aggp_ref[0] + aggp_ref[1]
    out1 = jnp.maximum(d * s + b1_ref[...], 0.0)
    h2 = jnp.dot(out1, w2_ref[...], preferred_element_type=jnp.float32)
    y2_ref[...] = h2 * d


def _k6_body(aggp_ref, degp_ref, b2_ref, out_ref):
    d = lax.rsqrt(degp_ref[0] + degp_ref[1])
    s = aggp_ref[0] + aggp_ref[1]
    r = d * s + b2_ref[...]
    out_ref[...] = r[:, :OUT_DIM]


def kernel(x, edge_index, W1, b1, W2, b2):
    src = edge_index[0].astype(jnp.int32)
    dst = edge_index[1].astype(jnp.int32)
    n_dummy_w = N_CHUNKS * CHUNK - N_EDGES // NW - N_PAD // NW
    loop = jnp.arange(N_PAD, dtype=jnp.int32).reshape(NW, N_PAD // NW)
    dummy_src = jnp.broadcast_to(
        ((jnp.arange(n_dummy_w, dtype=jnp.int32) * 16) % N_NODES)[None, :],
        (NW, n_dummy_w))
    dummy_dst = jnp.broadcast_to(
        N_NODES + (jnp.arange(n_dummy_w, dtype=jnp.int32)
                   % (N_PAD - N_NODES))[None, :], (NW, n_dummy_w))
    src3 = jnp.concatenate(
        [src.reshape(NW, N_EDGES // NW), loop, dummy_src],
        axis=1).reshape(NW, N_CHUNKS, CHUNK)
    dst3 = jnp.concatenate(
        [dst.reshape(NW, N_EDGES // NW), loop, dummy_dst],
        axis=1).reshape(NW, N_CHUNKS, CHUNK)
    xp = jnp.pad(x, ((0, N_PAD - N_NODES), (0, 0)))

    z1 = jnp.zeros((N_PAD,), jnp.float32)
    z64 = jnp.zeros((N_PAD, HIDDEN_DIM), jnp.float32)
    z8 = jnp.zeros((N_PAD, OUT_PAD), jnp.float32)
    w2p = jnp.pad(W2, ((0, 0), (0, OUT_PAD - OUT_DIM)))
    b2p = jnp.pad(b2, (0, OUT_PAD - OUT_DIM)).reshape(1, OUT_PAD)

    degp = _deg_kernel(dst3, z1)
    degp3 = degp.reshape(NC, N_PAD, 1)

    y1 = pl.pallas_call(
        _k2_body,
        grid=(N_PAD // _BR2,),
        in_specs=[
            pl.BlockSpec((_BR2, IN_DIM), lambda i: (i, 0)),
            pl.BlockSpec((IN_DIM, HIDDEN_DIM), lambda i: (0, 0)),
            pl.BlockSpec((NC, _BR2, 1), lambda i: (0, i, 0)),
        ],
        out_specs=pl.BlockSpec((_BR2, HIDDEN_DIM), lambda i: (i, 0)),
        out_shape=jax.ShapeDtypeStruct((N_PAD, HIDDEN_DIM), jnp.float32),
    )(xp, W1, degp3)

    aggp1 = _agg64(y1, src3, dst3, z64)

    y2 = pl.pallas_call(
        _k4_body,
        grid=(N_PAD // _BR2,),
        in_specs=[
            pl.BlockSpec((NC, _BR2, HIDDEN_DIM), lambda i: (0, i, 0)),
            pl.BlockSpec((NC, _BR2, 1), lambda i: (0, i, 0)),
            pl.BlockSpec((HIDDEN_DIM, OUT_PAD), lambda i: (0, 0)),
            pl.BlockSpec((1, HIDDEN_DIM), lambda i: (0, 0)),
        ],
        out_specs=pl.BlockSpec((_BR2, OUT_PAD), lambda i: (i, 0)),
        out_shape=jax.ShapeDtypeStruct((N_PAD, OUT_PAD), jnp.float32),
    )(aggp1, degp3, w2p, b1.reshape(1, HIDDEN_DIM))

    aggp2 = _agg8(y2, src3, dst3, z8)

    out = pl.pallas_call(
        _k6_body,
        grid=(N_NODES // _BR,),
        in_specs=[
            pl.BlockSpec((NC, _BR, OUT_PAD), lambda i: (0, i, 0)),
            pl.BlockSpec((NC, _BR, 1), lambda i: (0, i, 0)),
            pl.BlockSpec((1, OUT_PAD), lambda i: (0, 0)),
        ],
        out_specs=pl.BlockSpec((_BR, OUT_DIM), lambda i: (i, 0)),
        out_shape=jax.ShapeDtypeStruct((N_NODES, OUT_DIM), jnp.float32),
    )(aggp2, degp3, b2p)

    return out

# --- scband reference (transcript-rebuilt; emitter-appended) ---
"""Pipeline reference for scband-gcn-80092550136416 (READ-ONLY COPY).

The authoritative reference and input builder live on the scoring server;
editing this copy changes nothing except your own understanding.
"""

import jax, jax.numpy as jnp
import numpy as np

N_NODES = 10000
IN_DIM = 128
HIDDEN_DIM = 64
OUT_DIM = 2
N_EDGES = 320000


def setup_inputs(seed: int = 0) -> dict:
    key = jax.random.key(seed)
    k1, k2, k3, k4, k5, k6 = jax.random.split(key, 6)
    x = jax.random.normal(k1, (N_NODES, IN_DIM), dtype=jnp.float32)
    edge_index = jax.random.randint(k2, (2, N_EDGES), 0, N_NODES, dtype=jnp.int64)
    # Glorot-style init for GCN layer weights
    W1 = jax.random.normal(k3, (IN_DIM, HIDDEN_DIM), dtype=jnp.float32) * (1.0 / np.sqrt(IN_DIM))
    b1 = jnp.zeros((HIDDEN_DIM,), dtype=jnp.float32)
    W2 = jax.random.normal(k4, (HIDDEN_DIM, OUT_DIM), dtype=jnp.float32) * (1.0 / np.sqrt(HIDDEN_DIM))
    b2 = jnp.zeros((OUT_DIM,), dtype=jnp.float32)
    return {"x": x, "edge_index": edge_index, "W1": W1, "b1": b1, "W2": W2, "b2": b2}


def gcn_conv(x, edge_index, W, b, num_nodes):
    # GCNConv: x' = D^{-1/2} (A + I) D^{-1/2} X W + b  (with self-loops)
    src = edge_index[0]
    dst = edge_index[1]
    loop = jnp.arange(num_nodes, dtype=edge_index.dtype)
    src = jnp.concatenate([src, loop])
    dst = jnp.concatenate([dst, loop])
    deg = jnp.zeros((num_nodes,), dtype=x.dtype).at[dst].add(1.0)
    deg_inv_sqrt = jnp.where(deg > 0, 1.0 / jnp.sqrt(deg), 0.0)
    norm = deg_inv_sqrt[src] * deg_inv_sqrt[dst]
    h = x @ W
    msg = h[src] * norm[:, None]
    out = jnp.zeros((num_nodes, W.shape[1]), dtype=x.dtype).at[dst].add(msg)
    return out + b


def reference(x, edge_index, W1, b1, W2, b2):
    num_nodes = x.shape[0]
    h = gcn_conv(x, edge_index, W1, b1, num_nodes)
    h = jax.nn.relu(h)
    # dropout is identity in eval mode
    out = gcn_conv(h, edge_index, W2, b2, num_nodes)
    return out

if __name__ == "__main__":
    import jax
    _d = setup_inputs()
    print(jax.jit(kernel)(*tuple(_d.values())))

</pallas_src>

<mosaic_0001>
#map = affine_map<(d0, d1) -> (0, 0, 0)>
#map1 = affine_map<(d0, d1) -> (0)>
#map2 = affine_map<(d0, d1) -> (0, 0)>
module attributes {stable_mosaic.version = 14 : i64} {
  func.func @_deg_kernel(%arg0: i32, %arg1: i32, %arg2: memref<32x84x128xi32, #tpu.memory_space<hbm>>, %arg3: memref<10240xf32, #tpu.memory_space<hbm>>, %arg4: memref<2x10240xf32, #tpu.memory_space<hbm>>, %arg5: memref<84x128xi32, #tpu.memory_space<vmem>>, %arg6: memref<128xf32, #tpu.memory_space<vmem>>, %arg7: memref<10240xf32, #tpu.memory_space<vmem_shared>>, %arg8: memref<!tpu.dma_semaphore, #tpu.memory_space<semaphore_mem>>) attributes {dimension_semantics = [#tpu.dimension_semantics<core_parallel>, #tpu.dimension_semantics<subcore_parallel>], iteration_bounds = array<i64: 2, 16>, scalar_prefetch = 0 : i64, scratch_operands = 4 : i64, tpu.core_type = #tpu.core_type<sc_vector_subcore>, window_params = [{transform_indices = #map}, {transform_indices = #map1}, {transform_indices = #map2}]} {
    %mul3A = arith.constant 16 : i32
    %mul3A_0 = arith.muli %arg0, %mul3A : i32
    %add3A = arith.addi %mul3A_0, %arg1 : i32
    %mul3A_1 = arith.constant 640 : i32
    %mul3A_2 = arith.muli %arg1, %mul3A_1 : i32
    "tpu.region"() ({
      %run_scoped3A = tpu.sem_alloc : memref<!tpu.dma_semaphore, #tpu.memory_space<semaphore_mem>>
      %dma_start3A = tpu.memref_slice %arg7[%mul3A_2] : memref<10240xf32, #tpu.memory_space<vmem_shared>> -> memref<640xf32, #tpu.memory_space<vmem_shared>>
      %dma_start3A_61 = tpu.memref_slice %arg3[%mul3A_2] : memref<10240xf32, #tpu.memory_space<hbm>> -> memref<640xf32, #tpu.memory_space<hbm>>
      tpu.enqueue_dma source(%dma_start3A_61 : memref<640xf32, #tpu.memory_space<hbm>>) target(%dma_start3A : memref<640xf32, #tpu.memory_space<vmem_shared>>) target_semaphore(%run_scoped3A : memref<!tpu.dma_semaphore, #tpu.memory_space<semaphore_mem>>)
      %dma_wait3A = tpu.memref_slice %arg7[%mul3A_2] : memref<10240xf32, #tpu.memory_space<vmem_shared>> -> memref<640xf32, #tpu.memory_space<vmem_shared>>
      %dma_wait3A_62 = tpu.memref_slice %arg3[%mul3A_2] : memref<10240xf32, #tpu.memory_space<hbm>> -> memref<640xf32, #tpu.memory_space<hbm>>
      tpu.wait_dma2 semaphore(%run_scoped3A : memref<!tpu.dma_semaphore, #tpu.memory_space<semaphore_mem>>) src(%dma_wait3A_62 : memref<640xf32, #tpu.memory_space<hbm>>) dst(%dma_wait3A : memref<640xf32, #tpu.memory_space<vmem_shared>>)
      tpu.yield
    }) : () -> ()
    "tpu.region"() ({
      %run_scoped3A = tpu.sem_alloc : memref<!tpu.dma_semaphore, #tpu.memory_space<semaphore_mem>>
      %dma_start3A = arith.constant 0 : i32
      %dma_start3A_61 = arith.constant 0 : i32
      %dma_start3A_62 = tpu.memref_slice %arg2[%add3A, %dma_start3A, %dma_start3A_61] : memref<32x84x128xi32, #tpu.memory_space<hbm>> -> memref<1x84x128xi32, #tpu.memory_space<hbm>>
      %dma_start3A_63 = tpu.memref_squeeze %dma_start3A_62 : memref<1x84x128xi32, #tpu.memory_space<hbm>> -> memref<84x128xi32, #tpu.memory_space<hbm>>
      %dma_start3A_64 = arith.constant 0 : i32
      %dma_start3A_65 = arith.constant 0 : i32
      %dma_start3A_66 = tpu.memref_slice %arg2[%add3A, %dma_start3A_64, %dma_start3A_65] : memref<32x84x128xi32, #tpu.memory_space<hbm>> -> memref<1x84x128xi32, #tpu.memory_space<hbm>>
      %dma_start3A_67 = tpu.memref_squeeze %dma_start3A_66 : memref<1x84x128xi32, #tpu.memory_space<hbm>> -> memref<84x128xi32, #tpu.memory_space<hbm>>
      tpu.enqueue_dma source(%dma_start3A_67 : memref<84x128xi32, #tpu.memory_space<hbm>>) target(%arg5 : memref<84x128xi32, #tpu.memory_space<vmem>>) target_semaphore(%run_scoped3A : memref<!tpu.dma_semaphore, #tpu.memory_space<semaphore_mem>>)
      %dma_wait3A = arith.constant 0 : i32
      %dma_wait3A_68 = arith.constant 0 : i32
      %dma_wait3A_69 = tpu.memref_slice %arg2[%add3A, %dma_wait3A, %dma_wait3A_68] : memref<32x84x128xi32, #tpu.memory_space<hbm>> -> memref<1x84x128xi32, #tpu.memory_space<hbm>>
      %dma_wait3A_70 = tpu.memref_squeeze %dma_wait3A_69 : memref<1x84x128xi32, #tpu.memory_space<hbm>> -> memref<84x128xi32, #tpu.memory_space<hbm>>
      %dma_wait3A_71 = arith.constant 0 : i32
      %dma_wait3A_72 = arith.constant 0 : i32
      %dma_wait3A_73 = tpu.memref_slice %arg2[%add3A, %dma_wait3A_71, %dma_wait3A_72] : memref<32x84x128xi32, #tpu.memory_space<hbm>> -> memref<1x84x128xi32, #tpu.memory_space<hbm>>
      %dma_wait3A_74 = tpu.memref_squeeze %dma_wait3A_73 : memref<1x84x128xi32, #tpu.memory_space<hbm>> -> memref<84x128xi32, #tpu.memory_space<hbm>>
      tpu.wait_dma2 semaphore(%run_scoped3A : memref<!tpu.dma_semaphore, #tpu.memory_space<semaphore_mem>>) src(%dma_wait3A_74 : memref<84x128xi32, #tpu.memory_space<hbm>>) dst(%arg5 : memref<84x128xi32, #tpu.memory_space<vmem>>)
      tpu.yield
    }) : () -> ()
    %broadcast_in_dim3A = arith.constant 1.000000e+00 : f32
    %broadcast_in_dim3A_3 = vector.broadcast %broadcast_in_dim3A : f32 to vector<16xf32>
    %swap3A = arith.constant 0 : index
    %swap3A_4 = tpu.vector_load %arg6[%swap3A] {strides = array<i32>} : memref<128xf32, #tpu.memory_space<vmem>>, vector<16xf32>,
    %swap3A_5 = vector.shape_cast %swap3A_4 : vector<16xf32> to vector<16xf32>
    %swap3A_6 = vector.shape_cast %broadcast_in_dim3A_3 : vector<16xf32> to vector<16xf32>
    tpu.vector_store %arg6[%swap3A], %swap3A_6 {strides = array<i32>} : memref<128xf32, #tpu.memory_space<vmem>>, vector<16xf32>,
    %broadcast_in_dim3A_7 = arith.constant 1.000000e+00 : f32
    %broadcast_in_dim3A_8 = vector.broadcast %broadcast_in_dim3A_7 : f32 to vector<16xf32>
    %swap3A_9 = arith.constant 16 : index
    %swap3A_10 = tpu.vector_load %arg6[%swap3A_9] {strides = array<i32>} : memref<128xf32, #tpu.memory_space<vmem>>, vector<16xf32>,
    %swap3A_11 = vector.shape_cast %swap3A_10 : vector<16xf32> to vector<16xf32>
    %swap3A_12 = vector.shape_cast %broadcast_in_dim3A_8 : vector<16xf32> to vector<16xf32>
    tpu.vector_store %arg6[%swap3A_9], %swap3A_12 {strides = array<i32>} : memref<128xf32, #tpu.memory_space<vmem>>, vector<16xf32>,
    %broadcast_in_dim3A_13 = arith.constant 1.000000e+00 : f32
    %broadcast_in_dim3A_14 = vector.broadcast %broadcast_in_dim3A_13 : f32 to vector<16xf32>
    %swap3A_15 = arith.constant 32 : index
    %swap3A_16 = tpu.vector_load %arg6[%swap3A_15] {strides = array<i32>} : memref<128xf32, #tpu.memory_space<vmem>>, vector<16xf32>,
    %swap3A_17 = vector.shape_cast %swap3A_16 : vector<16xf32> to vector<16xf32>
    %swap3A_18 = vector.shape_cast %broadcast_in_dim3A_14 : vector<16xf32> to vector<16xf32>
    tpu.vector_store %arg6[%swap3A_15], %swap3A_18 {strides = array<i32>} : memref<128xf32, #tpu.memory_space<vmem>>, vector<16xf32>,
    %broadcast_in_dim3A_19 = arith.constant 1.000000e+00 : f32
    %broadcast_in_dim3A_20 = vector.broadcast %broadcast_in_dim3A_19 : f32 to vector<16xf32>
    %swap3A_21 = arith.constant 48 : index
    %swap3A_22 = tpu.vector_load %arg6[%swap3A_21] {strides = array<i32>} : memref<128xf32, #tpu.memory_space<vmem>>, vector<16xf32>,
    %swap3A_23 = vector.shape_cast %swap3A_22 : vector<16xf32> to vector<16xf32>
    %swap3A_24 = vector.shape_cast %broadcast_in_dim3A_20 : vector<16xf32> to vector<16xf32>
    tpu.vector_store %arg6[%swap3A_21], %swap3A_24 {strides = array<i32>} : memref<128xf32, #tpu.memory_space<vmem>>, vector<16xf32>,
    %broadcast_in_dim3A_25 = arith.constant 1.000000e+00 : f32
    %broadcast_in_dim3A_26 = vector.broadcast %broadcast_in_dim3A_25 : f32 to vector<16xf32>
    %swap3A_27 = arith.constant 64 : index
    %swap3A_28 = tpu.vector_load %arg6[%swap3A_27] {strides = array<i32>} : memref<128xf32, #tpu.memory_space<vmem>>, vector<16xf32>,
    %swap3A_29 = vector.shape_cast %swap3A_28 : vector<16xf32> to vector<16xf32>
    %swap3A_30 = vector.shape_cast %broadcast_in_dim3A_26 : vector<16xf32> to vector<16xf32>
    tpu.vector_store %arg6[%swap3A_27], %swap3A_30 {strides = array<i32>} : memref<128xf32, #tpu.memory_space<vmem>>, vector<16xf32>,
    %broadcast_in_dim3A_31 = arith.constant 1.000000e+00 : f32
    %broadcast_in_dim3A_32 = vector.broadcast %broadcast_in_dim3A_31 : f32 to vector<16xf32>
    %swap3A_33 = arith.constant 80 : index
    %swap3A_34 = tpu.vector_load %arg6[%swap3A_33] {strides = array<i32>} : memref<128xf32, #tpu.memory_space<vmem>>, vector<16xf32>,
    %swap3A_35 = vector.shape_cast %swap3A_34 : vector<16xf32> to vector<16xf32>
    %swap3A_36 = vector.shape_cast %broadcast_in_dim3A_32 : vector<16xf32> to vector<16xf32>
    tpu.vector_store %arg6[%swap3A_33], %swap3A_36 {strides = array<i32>} : memref<128xf32, #tpu.memory_space<vmem>>, vector<16xf32>,
    %broadcast_in_dim3A_37 = arith.constant 1.000000e+00 : f32
    %broadcast_in_dim3A_38 = vector.broadcast %broadcast_in_dim3A_37 : f32 to vector<16xf32>
    %swap3A_39 = arith.constant 96 : index
    %swap3A_40 = tpu.vector_load %arg6[%swap3A_39] {strides = array<i32>} : memref<128xf32, #tpu.memory_space<vmem>>, vector<16xf32>,
    %swap3A_41 = vector.shape_cast %swap3A_40 : vector<16xf32> to vector<16xf32>
    %swap3A_42 = vector.shape_cast %broadcast_in_dim3A_38 : vector<16xf32> to vector<16xf32>
    tpu.vector_store %arg6[%swap3A_39], %swap3A_42 {strides = array<i32>} : memref<128xf32, #tpu.memory_space<vmem>>, vector<16xf32>,
    %broadcast_in_dim3A_43 = arith.constant 1.000000e+00 : f32
    %broadcast_in_dim3A_44 = vector.broadcast %broadcast_in_dim3A_43 : f32 to vector<16xf32>
    %swap3A_45 = arith.constant 112 : index
    %swap3A_46 = tpu.vector_load %arg6[%swap3A_45] {strides = array<i32>} : memref<128xf32, #tpu.memory_space<vmem>>, vector<16xf32>,
    %swap3A_47 = vector.shape_cast %swap3A_46 : vector<16xf32> to vector<16xf32>
    %swap3A_48 = vector.shape_cast %broadcast_in_dim3A_44 : vector<16xf32> to vector<16xf32>
    tpu.vector_store %arg6[%swap3A_45], %swap3A_48 {strides = array<i32>} : memref<128xf32, #tpu.memory_space<vmem>>, vector<16xf32>,
    %barrier3A = arith.constant 0 : index
    tpu.barrier barrier_id(%barrier3A)
    %scan3A = arith.constant 0 : i32
    %scan3A_49 = arith.constant 0 : i32
    %scan3A_50 = arith.constant 84 : i32
    %scan3A_51 = arith.addi %scan3A_49, %scan3A_50 : i32
    %scan3A_52 = arith.constant 1 : i32
    scf.for %scan3A_61 = %scan3A_49 to %scan3A_51 step %scan3A_52  : i32 {
      %dma_start3A = arith.constant 0 : i32
      %dma_start3A_62 = tpu.memref_slice %arg5[%scan3A_61, %dma_start3A] : memref<84x128xi32, #tpu.memory_space<vmem>> -> memref<1x128xi32, #tpu.memory_space<vmem>>
      %dma_start3A_63 = tpu.memref_squeeze %dma_start3A_62 : memref<1x128xi32, #tpu.memory_space<vmem>> -> memref<128xi32, #tpu.memory_space<vmem>>
      %dma_start3A_64 = arith.constant 0 : i32
      %dma_start3A_65 = tpu.memref_slice %arg7[%dma_start3A_64] : memref<10240xf32, #tpu.memory_space<vmem_shared>> -> memref<10240xf32, #tpu.memory_space<vmem_shared>>
      tpu.enqueue_indirect_dma source(%arg6 : memref<128xf32, #tpu.memory_space<vmem>>) target(%dma_start3A_65 : memref<10240xf32, #tpu.memory_space<vmem_shared>>) offsets(%dma_start3A_63 : memref<128xi32, #tpu.memory_space<vmem>>) semaphore(%arg8 : memref<!tpu.dma_semaphore, #tpu.memory_space<semaphore_mem>>) {add = true}
    }
    %scan3A_53 = arith.constant 84 : i32
    %scan3A_54 = arith.constant 0 : i32
    %scan3A_55 = arith.constant 0 : i32
    %scan3A_56 = arith.constant 84 : i32
    %scan3A_57 = arith.addi %scan3A_55, %scan3A_56 : i32
    %scan3A_58 = arith.constant 1 : i32
    scf.for %scan3A_61 = %scan3A_55 to %scan3A_57 step %scan3A_58  : i32 {
      %dma_wait3A = arith.constant 0 : i32
      %dma_wait3A_62 = arith.constant 0 : i32
      %dma_wait3A_63 = tpu.memref_slice %arg5[%dma_wait3A, %dma_wait3A_62] : memref<84x128xi32, #tpu.memory_space<vmem>> -> memref<1x128xi32, #tpu.memory_space<vmem>>
      %dma_wait3A_64 = tpu.memref_squeeze %dma_wait3A_63 : memref<1x128xi32, #tpu.memory_space<vmem>> -> memref<128xi32, #tpu.memory_space<vmem>>
      %dma_wait3A_65 = arith.constant 0 : i32
      %dma_wait3A_66 = tpu.memref_slice %arg7[%dma_wait3A_65] : memref<10240xf32, #tpu.memory_space<vmem_shared>> -> memref<10240xf32, #tpu.memory_space<vmem_shared>>
      tpu.wait_indirect_dma semaphore(%arg8 : memref<!tpu.dma_semaphore, #tpu.memory_space<semaphore_mem>>) src(%arg6 : memref<128xf32, #tpu.memory_space<vmem>>) dst(%dma_wait3A_66 : memref<10240xf32, #tpu.memory_space<vmem_shared>>)
    }
    %scan3A_59 = arith.constant 84 : i32
    %barrier3A_60 = arith.constant 0 : index
    tpu.barrier barrier_id(%barrier3A_60)
    "tpu.region"() ({
      %run_scoped3A = tpu.sem_alloc : memref<!tpu.dma_semaphore, #tpu.memory_space<semaphore_mem>>
      %dma_start3A = tpu.memref_slice %arg4[%arg0, %mul3A_2] : memref<2x10240xf32, #tpu.memory_space<hbm>> -> memref<1x640xf32, #tpu.memory_space<hbm>>
      %dma_start3A_61 = tpu.memref_squeeze %dma_start3A : memref<1x640xf32, #tpu.memory_space<hbm>> -> memref<640xf32, #tpu.memory_space<hbm>>
      %dma_start3A_62 = tpu.memref_slice %arg7[%mul3A_2] : memref<10240xf32, #tpu.memory_space<vmem_shared>> -> memref<640xf32, #tpu.memory_space<vmem_shared>>
      tpu.enqueue_dma source(%dma_start3A_62 : memref<640xf32, #tpu.memory_space<vmem_shared>>) target(%dma_start3A_61 : memref<640xf32, #tpu.memory_space<hbm>>) target_semaphore(%run_scoped3A : memref<!tpu.dma_semaphore, #tpu.memory_space<semaphore_mem>>)
      %dma_wait3A = tpu.memref_slice %arg4[%arg0, %mul3A_2] : memref<2x10240xf32, #tpu.memory_space<hbm>> -> memref<1x640xf32, #tpu.memory_space<hbm>>
      %dma_wait3A_63 = tpu.memref_squeeze %dma_wait3A : memref<1x640xf32, #tpu.memory_space<hbm>> -> memref<640xf32, #tpu.memory_space<hbm>>
      %dma_wait3A_64 = tpu.memref_slice %arg7[%mul3A_2] : memref<10240xf32, #tpu.memory_space<vmem_shared>> -> memref<640xf32, #tpu.memory_space<vmem_shared>>
      tpu.wait_dma2 semaphore(%run_scoped3A : memref<!tpu.dma_semaphore, #tpu.memory_space<semaphore_mem>>) src(%dma_wait3A_64 : memref<640xf32, #tpu.memory_space<vmem_shared>>) dst(%dma_wait3A_63 : memref<640xf32, #tpu.memory_space<hbm>>)
      tpu.yield
    }) : () -> ()
    return
  }
}

#map = affine_map<(d0, d1) -> (0, 0)>
#map1 = affine_map<(d0, d1) -> (0, 0, 0)>
module attributes {stable_mosaic.version = 14 : i64} {
  func.func @agg(%arg0: i32, %arg1: i32, %arg2: memref<10240x8xf32, #tpu.memory_space<hbm>>, %arg3: memref<32x84x128xi32, #tpu.memory_space<hbm>>, %arg4: memref<32x84x128xi32, #tpu.memory_space<hbm>>, %arg5: memref<10240x8xf32, #tpu.memory_space<hbm>>, %arg6: memref<2x10240x8xf32, #tpu.memory_space<hbm>>, %arg7: memref<84x128xi32, #tpu.memory_space<vmem>>, %arg8: memref<84x128xi32, #tpu.memory_space<vmem>>, %arg9: memref<6x128x8xf32, #tpu.memory_space<vmem>>, %arg10: memref<10240x8xf32, #tpu.memory_space<vmem_shared>>, %arg11: memref<!tpu.dma_semaphore, #tpu.memory_space<semaphore_mem>>, %arg12: memref<!tpu.dma_semaphore, #tpu.memory_space<semaphore_mem>>, %arg13: memref<!tpu.dma_semaphore, #tpu.memory_space<semaphore_mem>>, %arg14: memref<!tpu.dma_semaphore, #tpu.memory_space<semaphore_mem>>, %arg15: memref<!tpu.dma_semaphore, #tpu.memory_space<semaphore_mem>>, %arg16: memref<!tpu.dma_semaphore, #tpu.memory_space<semaphore_mem>>, %arg17: memref<!tpu.dma_semaphore, #tpu.memory_space<semaphore_mem>>, %arg18: memref<!tpu.dma_semaphore, #tpu.memory_space<semaphore_mem>>, %arg19: memref<!tpu.dma_semaphore, #tpu.memory_space<semaphore_mem>>, %arg20: memref<!tpu.dma_semaphore, #tpu.memory_space<semaphore_mem>>, %arg21: memref<!tpu.dma_semaphore, #tpu.memory_space<semaphore_mem>>, %arg22: memref<!tpu.dma_semaphore, #tpu.memory_space<semaphore_mem>>) attributes {dimension_semantics = [#tpu.dimension_semantics<core_parallel>, #tpu.dimension_semantics<subcore_parallel>], iteration_bounds = array<i64: 2, 16>, scalar_prefetch = 0 : i64, scratch_operands = 16 : i64, tpu.core_type = #tpu.core_type<sc_vector_subcore>, window_params = [{transform_indices = #map}, {transform_indices = #map1}, {transform_indices = #map1}, {transform_indices = #map}, {transform_indices = #map1}]} {
    %mul3A = arith.constant 16 : i32
    %mul3A_0 = arith.muli %arg0, %mul3A : i32
    %add3A = arith.addi %mul3A_0, %arg1 : i32
    %mul3A_1 = arith.constant 640 : i32
    %mul3A_2 = arith.muli %arg1, %mul3A_1 : i32
    "tpu.region"() ({
      %run_scoped3A = tpu.sem_alloc : memref<!tpu.dma_semaphore, #tpu.memory_space<semaphore_mem>>
      %dma_start3A_295 = arith.constant 0 : i32
      %dma_start3A_296 = tpu.memref_slice %arg10[%mul3A_2, %dma_start3A_295] : memref<10240x8xf32, #tpu.memory_space<vmem_shared>> -> memref<640x8xf32, #tpu.memory_space<vmem_shared>>
      %dma_start3A_297 = arith.constant 0 : i32
      %dma_start3A_298 = tpu.memref_slice %arg5[%mul3A_2, %dma_start3A_297] : memref<10240x8xf32, #tpu.memory_space<hbm>> -> memref<640x8xf32, #tpu.memory_space<hbm>>
      tpu.enqueue_dma source(%dma_start3A_298 : memref<640x8xf32, #tpu.memory_space<hbm>>) target(%dma_start3A_296 : memref<640x8xf32, #tpu.memory_space<vmem_shared>>) target_semaphore(%run_scoped3A : memref<!tpu.dma_semaphore, #tpu.memory_space<semaphore_mem>>)
      %dma_wait3A_299 = arith.constant 0 : i32
      %dma_wait3A_300 = tpu.memref_slice %arg10[%mul3A_2, %dma_wait3A_299] : memref<10240x8xf32, #tpu.memory_space<vmem_shared>> -> memref<640x8xf32, #tpu.memory_space<vmem_shared>>
      %dma_wait3A_301 = arith.constant 0 : i32
      %dma_wait3A_302 = tpu.memref_slice %arg5[%mul3A_2, %dma_wait3A_301] : memref<10240x8xf32, #tpu.memory_space<hbm>> -> memref<640x8xf32, #tpu.memory_space<hbm>>
      tpu.wait_dma2 semaphore(%run_scoped3A : memref<!tpu.dma_semaphore, #tpu.memory_space<semaphore_mem>>) src(%dma_wait3A_302 : memref<640x8xf32, #tpu.memory_space<hbm>>) dst(%dma_wait3A_300 : memref<640x8xf32, #tpu.memory_space<vmem_shared>>)
      tpu.yield
    }) : () -> ()
    "tpu.region"() ({
      %run_scoped3A = tpu.sem_alloc : memref<!tpu.dma_semaphore, #tpu.memory_space<semaphore_mem>>
      %dma_start3A_295 = arith.constant 0 : i32
      %dma_start3A_296 = arith.constant 0 : i32
      %dma_start3A_297 = tpu.memref_slice %arg3[%add3A, %dma_start3A_295, %dma_start3A_296] : memref<32x84x128xi32, #tpu.memory_space<hbm>> -> memref<1x84x128xi32, #tpu.memory_space<hbm>>
      %dma_start3A_298 = tpu.memref_squeeze %dma_start3A_297 : memref<1x84x128xi32, #tpu.memory_space<hbm>> -> memref<84x128xi32, #tpu.memory_space<hbm>>
      %dma_start3A_299 = arith.constant 0 : i32
      %dma_start3A_300 = arith.constant 0 : i32
      %dma_start3A_301 = tpu.memref_slice %arg3[%add3A, %dma_start3A_299, %dma_start3A_300] : memref<32x84x128xi32, #tpu.memory_space<hbm>> -> memref<1x84x128xi32, #tpu.memory_space<hbm>>
      %dma_start3A_302 = tpu.memref_squeeze %dma_start3A_301 : memref<1x84x128xi32, #tpu.memory_space<hbm>> -> memref<84x128xi32, #tpu.memory_space<hbm>>
      tpu.enqueue_dma source(%dma_start3A_302 : memref<84x128xi32, #tpu.memory_space<hbm>>) target(%arg7 : memref<84x128xi32, #tpu.memory_space<vmem>>) target_semaphore(%run_scoped3A : memref<!tpu.dma_semaphore, #tpu.memory_space<semaphore_mem>>)
      %dma_wait3A_303 = arith.constant 0 : i32
      %dma_wait3A_304 = arith.constant 0 : i32
      %dma_wait3A_305 = tpu.memref_slice %arg3[%add3A, %dma_wait3A_303, %dma_wait3A_304] : memref<32x84x128xi32, #tpu.memory_space<hbm>> -> memref<1x84x128xi32, #tpu.memory_space<hbm>>
      %dma_wait3A_306 = tpu.memref_squeeze %dma_wait3A_305 : memref<1x84x128xi32, #tpu.memory_space<hbm>> -> memref<84x128xi32, #tpu.memory_space<hbm>>
      %dma_wait3A_307 = arith.constant 0 : i32
      %dma_wait3A_308 = arith.constant 0 : i32
      %dma_wait3A_309 = tpu.memref_slice %arg3[%add3A, %dma_wait3A_307, %dma_wait3A_308] : memref<32x84x128xi32, #tpu.memory_space<hbm>> -> memref<1x84x128xi32, #tpu.memory_space<hbm>>
      %dma_wait3A_310 = tpu.memref_squeeze %dma_wait3A_309 : memref<1x84x128xi32, #tpu.memory_space<hbm>> -> memref<84x128xi32, #tpu.memory_space<hbm>>
      tpu.wait_dma2 semaphore(%run_scoped3A : memref<!tpu.dma_semaphore, #tpu.memory_space<semaphore_mem>>) src(%dma_wait3A_310 : memref<84x128xi32, #tpu.memory_space<hbm>>) dst(%arg7 : memref<84x128xi32, #tpu.memory_space<vmem>>)
      tpu.yield
    }) : () -> ()
    "tpu.region"() ({
      %run_scoped3A = tpu.sem_alloc : memref<!tpu.dma_semaphore, #tpu.memory_space<semaphore_mem>>
      %dma_start3A_295 = arith.constant 0 : i32
      %dma_start3A_296 = arith.constant 0 : i32
      %dma_start3A_297 = tpu.memref_slice %arg4[%add3A, %dma_start3A_295, %dma_start3A_296] : memref<32x84x128xi32, #tpu.memory_space<hbm>> -> memref<1x84x128xi32, #tpu.memory_space<hbm>>
      %dma_start3A_298 = tpu.memref_squeeze %dma_start3A_297 : memref<1x84x128xi32, #tpu.memory_space<hbm>> -> memref<84x128xi32, #tpu.memory_space<hbm>>
      %dma_start3A_299 = arith.constant 0 : i32
      %dma_start3A_300 = arith.constant 0 : i32
      %dma_start3A_301 = tpu.memref_slice %arg4[%add3A, %dma_start3A_299, %dma_start3A_300] : memref<32x84x128xi32, #tpu.memory_space<hbm>> -> memref<1x84x128xi32, #tpu.memory_space<hbm>>
      %dma_start3A_302 = tpu.memref_squeeze %dma_start3A_301 : memref<1x84x128xi32, #tpu.memory_space<hbm>> -> memref<84x128xi32, #tpu.memory_space<hbm>>
      tpu.enqueue_dma source(%dma_start3A_302 : memref<84x128xi32, #tpu.memory_space<hbm>>) target(%arg8 : memref<84x128xi32, #tpu.memory_space<vmem>>) target_semaphore(%run_scoped3A : memref<!tpu.dma_semaphore, #tpu.memory_space<semaphore_mem>>)
      %dma_wait3A_303 = arith.constant 0 : i32
      %dma_wait3A_304 = arith.constant 0 : i32
      %dma_wait3A_305 = tpu.memref_slice %arg4[%add3A, %dma_wait3A_303, %dma_wait3A_304] : memref<32x84x128xi32, #tpu.memory_space<hbm>> -> memref<1x84x128xi32, #tpu.memory_space<hbm>>
      %dma_wait3A_306 = tpu.memref_squeeze %dma_wait3A_305 : memref<1x84x128xi32, #tpu.memory_space<hbm>> -> memref<84x128xi32, #tpu.memory_space<hbm>>
      %dma_wait3A_307 = arith.constant 0 : i32
      %dma_wait3A_308 = arith.constant 0 : i32
      %dma_wait3A_309 = tpu.memref_slice %arg4[%add3A, %dma_wait3A_307, %dma_wait3A_308] : memref<32x84x128xi32, #tpu.memory_space<hbm>> -> memref<1x84x128xi32, #tpu.memory_space<hbm>>
      %dma_wait3A_310 = tpu.memref_squeeze %dma_wait3A_309 : memref<1x84x128xi32, #tpu.memory_space<hbm>> -> memref<84x128xi32, #tpu.memory_space<hbm>>
      tpu.wait_dma2 semaphore(%run_scoped3A : memref<!tpu.dma_semaphore, #tpu.memory_space<semaphore_mem>>) src(%dma_wait3A_310 : memref<84x128xi32, #tpu.memory_space<hbm>>) dst(%arg8 : memref<84x128xi32, #tpu.memory_space<vmem>>)
      tpu.yield
    }) : () -> ()
    %barrier3A = arith.constant 0 : index
    tpu.barrier barrier_id(%barrier3A)
    %dma_start3A = arith.constant 0 : i32
    %dma_start3A_3 = arith.constant 0 : i32
    %dma_start3A_4 = arith.constant 0 : i32
    %dma_start3A_5 = arith.constant 0 : i32
    %dma_start3A_6 = tpu.memref_slice %arg9[%dma_start3A_3, %dma_start3A_4, %dma_start3A_5] : memref<6x128x8xf32, #tpu.memory_space<vmem>> -> memref<1x128x8xf32, #tpu.memory_space<vmem>>
    %dma_start3A_7 = tpu.memref_squeeze %dma_start3A_6 : memref<1x128x8xf32, #tpu.memory_space<vmem>> -> memref<128x8xf32, #tpu.memory_space<vmem>>
    %dma_start3A_8 = arith.constant 0 : i32
    %dma_start3A_9 = tpu.memref_slice %arg7[%dma_start3A, %dma_start3A_8] : memref<84x128xi32, #tpu.memory_space<vmem>> -> memref<1x128xi32, #tpu.memory_space<vmem>>
    %dma_start3A_10 = tpu.memref_squeeze %dma_start3A_9 : memref<1x128xi32, #tpu.memory_space<vmem>> -> memref<128xi32, #tpu.memory_space<vmem>>
    %dma_start3A_11 = arith.constant 0 : i32
    %dma_start3A_12 = arith.constant 0 : i32
    %dma_start3A_13 = tpu.memref_slice %arg2[%dma_start3A_11, %dma_start3A_12] : memref<10240x8xf32, #tpu.memory_space<hbm>> -> memref<10240x8xf32, #tpu.memory_space<hbm>>
    tpu.enqueue_indirect_dma source(%dma_start3A_13 : memref<10240x8xf32, #tpu.memory_space<hbm>>) target(%dma_start3A_7 : memref<128x8xf32, #tpu.memory_space<vmem>>) offsets(%dma_start3A_10 : memref<128xi32, #tpu.memory_space<vmem>>) semaphore(%arg11 : memref<!tpu.dma_semaphore, #tpu.memory_space<semaphore_mem>>)
    %dma_start3A_14 = arith.constant 1 : i32
    %dma_start3A_15 = arith.constant 1 : i32
    %dma_start3A_16 = arith.constant 0 : i32
    %dma_start3A_17 = arith.constant 0 : i32
    %dma_start3A_18 = tpu.memref_slice %arg9[%dma_start3A_15, %dma_start3A_16, %dma_start3A_17] : memref<6x128x8xf32, #tpu.memory_space<vmem>> -> memref<1x128x8xf32, #tpu.memory_space<vmem>>
    %dma_start3A_19 = tpu.memref_squeeze %dma_start3A_18 : memref<1x128x8xf32, #tpu.memory_space<vmem>> -> memref<128x8xf32, #tpu.memory_space<vmem>>
    %dma_start3A_20 = arith.constant 0 : i32
    %dma_start3A_21 = tpu.memref_slice %arg7[%dma_start3A_14, %dma_start3A_20] : memref<84x128xi32, #tpu.memory_space<vmem>> -> memref<1x128xi32, #tpu.memory_space<vmem>>
    %dma_start3A_22 = tpu.memref_squeeze %dma_start3A_21 : memref<1x128xi32, #tpu.memory_space<vmem>> -> memref<128xi32, #tpu.memory_space<vmem>>
    %dma_start3A_23 = arith.constant 0 : i32
    %dma_start3A_24 = arith.constant 0 : i32
    %dma_start3A_25 = tpu.memref_slice %arg2[%dma_start3A_23, %dma_start3A_24] : memref<10240x8xf32, #tpu.memory_space<hbm>> -> memref<10240x8xf32, #tpu.memory_space<hbm>>
    tpu.enqueue_indirect_dma source(%dma_start3A_25 : memref<10240x8xf32, #tpu.memory_space<hbm>>) target(%dma_start3A_19 : memref<128x8xf32, #tpu.memory_space<vmem>>) offsets(%dma_start3A_22 : memref<128xi32, #tpu.memory_space<vmem>>) semaphore(%arg12 : memref<!tpu.dma_semaphore, #tpu.memory_space<semaphore_mem>>)
    %dma_start3A_26 = arith.constant 2 : i32
    %dma_start3A_27 = arith.constant 2 : i32
    %dma_start3A_28 = arith.constant 0 : i32
    %dma_start3A_29 = arith.constant 0 : i32
    %dma_start3A_30 = tpu.memref_slice %arg9[%dma_start3A_27, %dma_start3A_28, %dma_start3A_29] : memref<6x128x8xf32, #tpu.memory_space<vmem>> -> memref<1x128x8xf32, #tpu.memory_space<vmem>>
    %dma_start3A_31 = tpu.memref_squeeze %dma_start3A_30 : memref<1x128x8xf32, #tpu.memory_space<vmem>> -> memref<128x8xf32, #tpu.memory_space<vmem>>
    %dma_start3A_32 = arith.constant 0 : i32
    %dma_start3A_33 = tpu.memref_slice %arg7[%dma_start3A_26, %dma_start3A_32] : memref<84x128xi32, #tpu.memory_space<vmem>> -> memref<1x128xi32, #tpu.memory_space<vmem>>
    %dma_start3A_34 = tpu.memref_squeeze %dma_start3A_33 : memref<1x128xi32, #tpu.memory_space<vmem>> -> memref<128xi32, #tpu.memory_space<vmem>>
    %dma_start3A_35 = arith.constant 0 : i32
    %dma_start3A_36 = arith.constant 0 : i32
    %dma_start3A_37 = tpu.memref_slice %arg2[%dma_start3A_35, %dma_start3A_36] : memref<10240x8xf32, #tpu.memory_space<hbm>> -> memref<10240x8xf32, #tpu.memory_space<hbm>>
    tpu.enqueue_indirect_dma source(%dma_start3A_37 : memref<10240x8xf32, #tpu.memory_space<hbm>>) target(%dma_start3A_31 : memref<128x8xf32, #tpu.memory_space<vmem>>) offsets(%dma_start3A_34 : memref<128xi32, #tpu.memory_space<vmem>>) semaphore(%arg13 : memref<!tpu.dma_semaphore, #tpu.memory_space<semaphore_mem>>)
    %dma_start3A_38 = arith.constant 3 : i32
    %dma_start3A_39 = arith.constant 3 : i32
    %dma_start3A_40 = arith.constant 0 : i32
    %dma_start3A_41 = arith.constant 0 : i32
    %dma_start3A_42 = tpu.memref_slice %arg9[%dma_start3A_39, %dma_start3A_40, %dma_start3A_41] : memref<6x128x8xf32, #tpu.memory_space<vmem>> -> memref<1x128x8xf32, #tpu.memory_space<vmem>>
    %dma_start3A_43 = tpu.memref_squeeze %dma_start3A_42 : memref<1x128x8xf32, #tpu.memory_space<vmem>> -> memref<128x8xf32, #tpu.memory_space<vmem>>
    %dma_start3A_44 = arith.constant 0 : i32
    %dma_start3A_45 = tpu.memref_slice %arg7[%dma_start3A_38, %dma_start3A_44] : memref<84x128xi32, #tpu.memory_space<vmem>> -> memref<1x128xi32, #tpu.memory_space<vmem>>
    %dma_start3A_46 = tpu.memref_squeeze %dma_start3A_45 : memref<1x128xi32, #tpu.memory_space<vmem>> -> memref<128xi32, #tpu.memory_space<vmem>>
    %dma_start3A_47 = arith.constant 0 : i32
    %dma_start3A_48 = arith.constant 0 : i32
    %dma_start3A_49 = tpu.memref_slice %arg2[%dma_start3A_47, %dma_start3A_48] : memref<10240x8xf32, #tpu.memory_space<hbm>> -> memref<10240x8xf32, #tpu.memory_space<hbm>>
    tpu.enqueue_indirect_dma source(%dma_start3A_49 : memref<10240x8xf32, #tpu.memory_space<hbm>>) target(%dma_start3A_43 : memref<128x8xf32, #tpu.memory_space<vmem>>) offsets(%dma_start3A_46 : memref<128xi32, #tpu.memory_space<vmem>>) semaphore(%arg14 : memref<!tpu.dma_semaphore, #tpu.memory_space<semaphore_mem>>)
    %dma_start3A_50 = arith.constant 4 : i32
    %dma_start3A_51 = arith.constant 4 : i32
    %dma_start3A_52 = arith.constant 0 : i32
    %dma_start3A_53 = arith.constant 0 : i32
    %dma_start3A_54 = tpu.memref_slice %arg9[%dma_start3A_51, %dma_start3A_52, %dma_start3A_53] : memref<6x128x8xf32, #tpu.memory_space<vmem>> -> memref<1x128x8xf32, #tpu.memory_space<vmem>>
    %dma_start3A_55 = tpu.memref_squeeze %dma_start3A_54 : memref<1x128x8xf32, #tpu.memory_space<vmem>> -> memref<128x8xf32, #tpu.memory_space<vmem>>
    %dma_start3A_56 = arith.constant 0 : i32
    %dma_start3A_57 = tpu.memref_slice %arg7[%dma_start3A_50, %dma_start3A_56] : memref<84x128xi32, #tpu.memory_space<vmem>> -> memref<1x128xi32, #tpu.memory_space<vmem>>
    %dma_start3A_58 = tpu.memref_squeeze %dma_start3A_57 : memref<1x128xi32, #tpu.memory_space<vmem>> -> memref<128xi32, #tpu.memory_space<vmem>>
    %dma_start3A_59 = arith.constant 0 : i32
    %dma_start3A_60 = arith.constant 0 : i32
    %dma_start3A_61 = tpu.memref_slice %arg2[%dma_start3A_59, %dma_start3A_60] : memref<10240x8xf32, #tpu.memory_space<hbm>> -> memref<10240x8xf32, #tpu.memory_space<hbm>>
    tpu.enqueue_indirect_dma source(%dma_start3A_61 : memref<10240x8xf32, #tpu.memory_space<hbm>>) target(%dma_start3A_55 : memref<128x8xf32, #tpu.memory_space<vmem>>) offsets(%dma_start3A_58 : memref<128xi32, #tpu.memory_space<vmem>>) semaphore(%arg15 : memref<!tpu.dma_semaphore, #tpu.memory_space<semaphore_mem>>)
    %dma_start3A_62 = arith.constant 5 : i32
    %dma_start3A_63 = arith.constant 5 : i32
    %dma_start3A_64 = arith.constant 0 : i32
    %dma_start3A_65 = arith.constant 0 : i32
    %dma_start3A_66 = tpu.memref_slice %arg9[%dma_start3A_63, %dma_start3A_64, %dma_start3A_65] : memref<6x128x8xf32, #tpu.memory_space<vmem>> -> memref<1x128x8xf32, #tpu.memory_space<vmem>>
    %dma_start3A_67 = tpu.memref_squeeze %dma_start3A_66 : memref<1x128x8xf32, #tpu.memory_space<vmem>> -> memref<128x8xf32, #tpu.memory_space<vmem>>
    %dma_start3A_68 = arith.constant 0 : i32
    %dma_start3A_69 = tpu.memref_slice %arg7[%dma_start3A_62, %dma_start3A_68] : memref<84x128xi32, #tpu.memory_space<vmem>> -> memref<1x128xi32, #tpu.memory_space<vmem>>
    %dma_start3A_70 = tpu.memref_squeeze %dma_start3A_69 : memref<1x128xi32, #tpu.memory_space<vmem>> -> memref<128xi32, #tpu.memory_space<vmem>>
    %dma_start3A_71 = arith.constant 0 : i32
    %dma_start3A_72 = arith.constant 0 : i32
    %dma_start3A_73 = tpu.memref_slice %arg2[%dma_start3A_71, %dma_start3A_72] : memref<10240x8xf32, #tpu.memory_space<hbm>> -> memref<10240x8xf32, #tpu.memory_space<hbm>>
    tpu.enqueue_indirect_dma source(%dma_start3A_73 : memref<10240x8xf32, #tpu.memory_space<hbm>>) target(%dma_start3A_67 : memref<128x8xf32, #tpu.memory_space<vmem>>) offsets(%dma_start3A_70 : memref<128xi32, #tpu.memory_space<vmem>>) semaphore(%arg16 : memref<!tpu.dma_semaphore, #tpu.memory_space<semaphore_mem>>)
    %scan3A = arith.constant 0 : i32
    %scan3A_74 = arith.constant 0 : i32
    %scan3A_75 = arith.constant 13 : i32
    %scan3A_76 = arith.addi %scan3A_74, %scan3A_75 : i32
    %scan3A_77 = arith.constant 1 : i32
    scf.for %scan3A_295 = %scan3A_74 to %scan3A_76 step %scan3A_77  : i32 {
      %mul3A_296 = arith.constant 6 : i32
      %mul3A_297 = arith.muli %mul3A_296, %scan3A_295 : i32
      %add3A_298 = arith.constant 0 : i32
      %add3A_299 = arith.addi %mul3A_297, %add3A_298 : i32
      %dma_wait3A_300 = arith.constant 0 : i32
      %dma_wait3A_301 = arith.constant 0 : i32
      %dma_wait3A_302 = arith.constant 0 : i32
      %dma_wait3A_303 = tpu.memref_slice %arg9[%dma_wait3A_300, %dma_wait3A_301, %dma_wait3A_302] : memref<6x128x8xf32, #tpu.memory_space<vmem>> -> memref<1x128x8xf32, #tpu.memory_space<vmem>>
      %dma_wait3A_304 = tpu.memref_squeeze %dma_wait3A_303 : memref<1x128x8xf32, #tpu.memory_space<vmem>> -> memref<128x8xf32, #tpu.memory_space<vmem>>
      %dma_wait3A_305 = arith.constant 0 : i32
      %dma_wait3A_306 = tpu.memref_slice %arg7[%add3A_299, %dma_wait3A_305] : memref<84x128xi32, #tpu.memory_space<vmem>> -> memref<1x128xi32, #tpu.memory_space<vmem>>
      %dma_wait3A_307 = tpu.memref_squeeze %dma_wait3A_306 : memref<1x128xi32, #tpu.memory_space<vmem>> -> memref<128xi32, #tpu.memory_space<vmem>>
      %dma_wait3A_308 = arith.constant 0 : i32
      %dma_wait3A_309 = arith.constant 0 : i32
      %dma_wait3A_310 = tpu.memref_slice %arg2[%dma_wait3A_308, %dma_wait3A_309] : memref<10240x8xf32, #tpu.memory_space<hbm>> -> memref<10240x8xf32, #tpu.memory_space<hbm>>
      tpu.wait_indirect_dma semaphore(%arg11 : memref<!tpu.dma_semaphore, #tpu.memory_space<semaphore_mem>>) src(%dma_wait3A_310 : memref<10240x8xf32, #tpu.memory_space<hbm>>) dst(%dma_wait3A_304 : memref<128x8xf32, #tpu.memory_space<vmem>>)
      %add3A_311 = arith.constant 0 : i32
      %add3A_312 = arith.addi %mul3A_297, %add3A_311 : i32
      %dma_start3A_313 = arith.constant 0 : i32
      %dma_start3A_314 = arith.constant 0 : i32
      %dma_start3A_315 = arith.constant 0 : i32
      %dma_start3A_316 = tpu.memref_slice %arg9[%dma_start3A_313, %dma_start3A_314, %dma_start3A_315] : memref<6x128x8xf32, #tpu.memory_space<vmem>> -> memref<1x128x8xf32, #tpu.memory_space<vmem>>
      %dma_start3A_317 = tpu.memref_squeeze %dma_start3A_316 : memref<1x128x8xf32, #tpu.memory_space<vmem>> -> memref<128x8xf32, #tpu.memory_space<vmem>>
      %dma_start3A_318 = arith.constant 0 : i32
      %dma_start3A_319 = tpu.memref_slice %arg8[%add3A_312, %dma_start3A_318] : memref<84x128xi32, #tpu.memory_space<vmem>> -> memref<1x128xi32, #tpu.memory_space<vmem>>
      %dma_start3A_320 = tpu.memref_squeeze %dma_start3A_319 : memref<1x128xi32, #tpu.memory_space<vmem>> -> memref<128xi32, #tpu.memory_space<vmem>>
      %dma_start3A_321 = arith.constant 0 : i32
      %dma_start3A_322 = arith.constant 0 : i32
      %dma_start3A_323 = tpu.memref_slice %arg10[%dma_start3A_321, %dma_start3A_322] : memref<10240x8xf32, #tpu.memory_space<vmem_shared>> -> memref<10240x8xf32, #tpu.memory_space<vmem_shared>>
      tpu.enqueue_indirect_dma source(%dma_start3A_317 : memref<128x8xf32, #tpu.memory_space<vmem>>) target(%dma_start3A_323 : memref<10240x8xf32, #tpu.memory_space<vmem_shared>>) offsets(%dma_start3A_320 : memref<128xi32, #tpu.memory_space<vmem>>) semaphore(%arg17 : memref<!tpu.dma_semaphore, #tpu.memory_space<semaphore_mem>>) {add = true}
      %add3A_324 = arith.constant 1 : i32
      %add3A_325 = arith.addi %mul3A_297, %add3A_324 : i32
      %dma_wait3A_326 = arith.constant 1 : i32
      %dma_wait3A_327 = arith.constant 0 : i32
      %dma_wait3A_328 = arith.constant 0 : i32
      %dma_wait3A_329 = tpu.memref_slice %arg9[%dma_wait3A_326, %dma_wait3A_327, %dma_wait3A_328] : memref<6x128x8xf32, #tpu.memory_space<vmem>> -> memref<1x128x8xf32, #tpu.memory_space<vmem>>
      %dma_wait3A_330 = tpu.memref_squeeze %dma_wait3A_329 : memref<1x128x8xf32, #tpu.memory_space<vmem>> -> memref<128x8xf32, #tpu.memory_space<vmem>>
      %dma_wait3A_331 = arith.constant 0 : i32
      %dma_wait3A_332 = tpu.memref_slice %arg7[%add3A_325, %dma_wait3A_331] : memref<84x128xi32, #tpu.memory_space<vmem>> -> memref<1x128xi32, #tpu.memory_space<vmem>>
      %dma_wait3A_333 = tpu.memref_squeeze %dma_wait3A_332 : memref<1x128xi32, #tpu.memory_space<vmem>> -> memref<128xi32, #tpu.memory_space<vmem>>
      %dma_wait3A_334 = arith.constant 0 : i32
      %dma_wait3A_335 = arith.constant 0 : i32
      %dma_wait3A_336 = tpu.memref_slice %arg2[%dma_wait3A_334, %dma_wait3A_335] : memref<10240x8xf32, #tpu.memory_space<hbm>> -> memref<10240x8xf32, #tpu.memory_space<hbm>>
      tpu.wait_indirect_dma semaphore(%arg12 : memref<!tpu.dma_semaphore, #tpu.memory_space<semaphore_mem>>) src(%dma_wait3A_336 : memref<10240x8xf32, #tpu.memory_space<hbm>>) dst(%dma_wait3A_330 : memref<128x8xf32, #tpu.memory_space<vmem>>)
      %add3A_337 = arith.constant 1 : i32
      %add3A_338 = arith.addi %mul3A_297, %add3A_337 : i32
      %dma_start3A_339 = arith.constant 1 : i32
      %dma_start3A_340 = arith.constant 0 : i32
      %dma_start3A_341 = arith.constant 0 : i32
      %dma_start3A_342 = tpu.memref_slice %arg9[%dma_start3A_339, %dma_start3A_340, %dma_start3A_341] : memref<6x128x8xf32, #tpu.memory_space<vmem>> -> memref<1x128x8xf32, #tpu.memory_space<vmem>>
      %dma_start3A_343 = tpu.memref_squeeze %dma_start3A_342 : memref<1x128x8xf32, #tpu.memory_space<vmem>> -> memref<128x8xf32, #tpu.memory_space<vmem>>
      %dma_start3A_344 = arith.constant 0 : i32
      %dma_start3A_345 = tpu.memref_slice %arg8[%add3A_338, %dma_start3A_344] : memref<84x128xi32, #tpu.memory_space<vmem>> -> memref<1x128xi32, #tpu.memory_space<vmem>>
      %dma_start3A_346 = tpu.memref_squeeze %dma_start3A_345 : memref<1x128xi32, #tpu.memory_space<vmem>> -> memref<128xi32, #tpu.memory_space<vmem>>
      %dma_start3A_347 = arith.constant 0 : i32
      %dma_start3A_348 = arith.constant 0 : i32
      %dma_start3A_349 = tpu.memref_slice %arg10[%dma_start3A_347, %dma_start3A_348] : memref<10240x8xf32, #tpu.memory_space<vmem_shared>> -> memref<10240x8xf32, #tpu.memory_space<vmem_shared>>
      tpu.enqueue_indirect_dma source(%dma_start3A_343 : memref<128x8xf32, #tpu.memory_space<vmem>>) target(%dma_start3A_349 : memref<10240x8xf32, #tpu.memory_space<vmem_shared>>) offsets(%dma_start3A_346 : memref<128xi32, #tpu.memory_space<vmem>>) semaphore(%arg18 : memref<!tpu.dma_semaphore, #tpu.memory_space<semaphore_mem>>) {add = true}
      %add3A_350 = arith.constant 2 : i32
      %add3A_351 = arith.addi %mul3A_297, %add3A_350 : i32
      %dma_wait3A_352 = arith.constant 2 : i32
      %dma_wait3A_353 = arith.constant 0 : i32
      %dma_wait3A_354 = arith.constant 0 : i32
      %dma_wait3A_355 = tpu.memref_slice %arg9[%dma_wait3A_352, %dma_wait3A_353, %dma_wait3A_354] : memref<6x128x8xf32, #tpu.memory_space<vmem>> -> memref<1x128x8xf32, #tpu.memory_space<vmem>>
      %dma_wait3A_356 = tpu.memref_squeeze %dma_wait3A_355 : memref<1x128x8xf32, #tpu.memory_space<vmem>> -> memref<128x8xf32, #tpu.memory_space<vmem>>
      %dma_wait3A_357 = arith.constant 0 : i32
      %dma_wait3A_358 = tpu.memref_slice %arg7[%add3A_351, %dma_wait3A_357] : memref<84x128xi32, #tpu.memory_space<vmem>> -> memref<1x128xi32, #tpu.memory_space<vmem>>
      %dma_wait3A_359 = tpu.memref_squeeze %dma_wait3A_358 : memref<1x128xi32, #tpu.memory_space<vmem>> -> memref<128xi32, #tpu.memory_space<vmem>>
      %dma_wait3A_360 = arith.constant 0 : i32
      %dma_wait3A_361 = arith.constant 0 : i32
      %dma_wait3A_362 = tpu.memref_slice %arg2[%dma_wait3A_360, %dma_wait3A_361] : memref<10240x8xf32, #tpu.memory_space<hbm>> -> memref<10240x8xf32, #tpu.memory_space<hbm>>
      tpu.wait_indirect_dma semaphore(%arg13 : memref<!tpu.dma_semaphore, #tpu.memory_space<semaphore_mem>>) src(%dma_wait3A_362 : memref<10240x8xf32, #tpu.memory_space<hbm>>) dst(%dma_wait3A_356 : memref<128x8xf32, #tpu.memory_space<vmem>>)
      %add3A_363 = arith.constant 2 : i32
      %add3A_364 = arith.addi %mul3A_297, %add3A_363 : i32
      %dma_start3A_365 = arith.constant 2 : i32
      %dma_start3A_366 = arith.constant 0 : i32
      %dma_start3A_367 = arith.constant 0 : i32
      %dma_start3A_368 = tpu.memref_slice %arg9[%dma_start3A_365, %dma_start3A_366, %dma_start3A_367] : memref<6x128x8xf32, #tpu.memory_space<vmem>> -> memref<1x128x8xf32, #tpu.memory_space<vmem>>
      %dma_start3A_369 = tpu.memref_squeeze %dma_start3A_368 : memref<1x128x8xf32, #tpu.memory_space<vmem>> -> memref<128x8xf32, #tpu.memory_space<vmem>>
      %dma_start3A_370 = arith.constant 0 : i32
      %dma_start3A_371 = tpu.memref_slice %arg8[%add3A_364, %dma_start3A_370] : memref<84x128xi32, #tpu.memory_space<vmem>> -> memref<1x128xi32, #tpu.memory_space<vmem>>
      %dma_start3A_372 = tpu.memref_squeeze %dma_start3A_371 : memref<1x128xi32, #tpu.memory_space<vmem>> -> memref<128xi32, #tpu.memory_space<vmem>>
      %dma_start3A_373 = arith.constant 0 : i32
      %dma_start3A_374 = arith.constant 0 : i32
      %dma_start3A_375 = tpu.memref_slice %arg10[%dma_start3A_373, %dma_start3A_374] : memref<10240x8xf32, #tpu.memory_space<vmem_shared>> -> memref<10240x8xf32, #tpu.memory_space<vmem_shared>>
      tpu.enqueue_indirect_dma source(%dma_start3A_369 : memref<128x8xf32, #tpu.memory_space<vmem>>) target(%dma_start3A_375 : memref<10240x8xf32, #tpu.memory_space<vmem_shared>>) offsets(%dma_start3A_372 : memref<128xi32, #tpu.memory_space<vmem>>) semaphore(%arg19 : memref<!tpu.dma_semaphore, #tpu.memory_space<semaphore_mem>>) {add = true}
      %add3A_376 = arith.constant 3 : i32
      %add3A_377 = arith.addi %mul3A_297, %add3A_376 : i32
      %dma_wait3A_378 = arith.constant 3 : i32
      %dma_wait3A_379 = arith.constant 0 : i32
      %dma_wait3A_380 = arith.constant 0 : i32
      %dma_wait3A_381 = tpu.memref_slice %arg9[%dma_wait3A_378, %dma_wait3A_379, %dma_wait3A_380] : memref<6x128x8xf32, #tpu.memory_space<vmem>> -> memref<1x128x8xf32, #tpu.memory_space<vmem>>
      %dma_wait3A_382 = tpu.memref_squeeze %dma_wait3A_381 : memref<1x128x8xf32, #tpu.memory_space<vmem>> -> memref<128x8xf32, #tpu.memory_space<vmem>>
      %dma_wait3A_383 = arith.constant 0 : i32
      %dma_wait3A_384 = tpu.memref_slice %arg7[%add3A_377, %dma_wait3A_383] : memref<84x128xi32, #tpu.memory_space<vmem>> -> memref<1x128xi32, #tpu.memory_space<vmem>>
      %dma_wait3A_385 = tpu.memref_squeeze %dma_wait3A_384 : memref<1x128xi32, #tpu.memory_space<vmem>> -> memref<128xi32, #tpu.memory_space<vmem>>
      %dma_wait3A_386 = arith.constant 0 : i32
      %dma_wait3A_387 = arith.constant 0 : i32
      %dma_wait3A_388 = tpu.memref_slice %arg2[%dma_wait3A_386, %dma_wait3A_387] : memref<10240x8xf32, #tpu.memory_space<hbm>> -> memref<10240x8xf32, #tpu.memory_space<hbm>>
      tpu.wait_indirect_dma semaphore(%arg14 : memref<!tpu.dma_semaphore, #tpu.memory_space<semaphore_mem>>) src(%dma_wait3A_388 : memref<10240x8xf32, #tpu.memory_space<hbm>>) dst(%dma_wait3A_382 : memref<128x8xf32, #tpu.memory_space<vmem>>)
      %add3A_389 = arith.constant 3 : i32
      %add3A_390 = arith.addi %mul3A_297, %add3A_389 : i32
      %dma_start3A_391 = arith.constant 3 : i32
      %dma_start3A_392 = arith.constant 0 : i32
      %dma_start3A_393 = arith.constant 0 : i32
      %dma_start3A_394 = tpu.memref_slice %arg9[%dma_start3A_391, %dma_start3A_392, %dma_start3A_393] : memref<6x128x8xf32, #tpu.memory_space<vmem>> -> memref<1x128x8xf32, #tpu.memory_space<vmem>>
      %dma_start3A_395 = tpu.memref_squeeze %dma_start3A_394 : memref<1x128x8xf32, #tpu.memory_space<vmem>> -> memref<128x8xf32, #tpu.memory_space<vmem>>
      %dma_start3A_396 = arith.constant 0 : i32
      %dma_start3A_397 = tpu.memref_slice %arg8[%add3A_390, %dma_start3A_396] : memref<84x128xi32, #tpu.memory_space<vmem>> -> memref<1x128xi32, #tpu.memory_space<vmem>>
      %dma_start3A_398 = tpu.memref_squeeze %dma_start3A_397 : memref<1x128xi32, #tpu.memory_space<vmem>> -> memref<128xi32, #tpu.memory_space<vmem>>
      %dma_start3A_399 = arith.constant 0 : i32
      %dma_start3A_400 = arith.constant 0 : i32
      %dma_start3A_401 = tpu.memref_slice %arg10[%dma_start3A_399, %dma_start3A_400] : memref<10240x8xf32, #tpu.memory_space<vmem_shared>> -> memref<10240x8xf32, #tpu.memory_space<vmem_shared>>
      tpu.enqueue_indirect_dma source(%dma_start3A_395 : memref<128x8xf32, #tpu.memory_space<vmem>>) target(%dma_start3A_401 : memref<10240x8xf32, #tpu.memory_space<vmem_shared>>) offsets(%dma_start3A_398 : memref<128xi32, #tpu.memory_space<vmem>>) semaphore(%arg20 : memref<!tpu.dma_semaphore, #tpu.memory_space<semaphore_mem>>) {add = true}
      %add3A_402 = arith.constant 4 : i32
      %add3A_403 = arith.addi %mul3A_297, %add3A_402 : i32
      %dma_wait3A_404 = arith.constant 4 : i32
      %dma_wait3A_405 = arith.constant 0 : i32
      %dma_wait3A_406 = arith.constant 0 : i32
      %dma_wait3A_407 = tpu.memref_slice %arg9[%dma_wait3A_404, %dma_wait3A_405, %dma_wait3A_406] : memref<6x128x8xf32, #tpu.memory_space<vmem>> -> memref<1x128x8xf32, #tpu.memory_space<vmem>>
      %dma_wait3A_408 = tpu.memref_squeeze %dma_wait3A_407 : memref<1x128x8xf32, #tpu.memory_space<vmem>> -> memref<128x8xf32, #tpu.memory_space<vmem>>
      %dma_wait3A_409 = arith.constant 0 : i32
      %dma_wait3A_410 = tpu.memref_slice %arg7[%add3A_403, %dma_wait3A_409] : memref<84x128xi32, #tpu.memory_space<vmem>> -> memref<1x128xi32, #tpu.memory_space<vmem>>
      %dma_wait3A_411 = tpu.memref_squeeze %dma_wait3A_410 : memref<1x128xi32, #tpu.memory_space<vmem>> -> memref<128xi32, #tpu.memory_space<vmem>>
      %dma_wait3A_412 = arith.constant 0 : i32
      %dma_wait3A_413 = arith.constant 0 : i32
      %dma_wait3A_414 = tpu.memref_slice %arg2[%dma_wait3A_412, %dma_wait3A_413] : memref<10240x8xf32, #tpu.memory_space<hbm>> -> memref<10240x8xf32, #tpu.memory_space<hbm>>
      tpu.wait_indirect_dma semaphore(%arg15 : memref<!tpu.dma_semaphore, #tpu.memory_space<semaphore_mem>>) src(%dma_wait3A_414 : memref<10240x8xf32, #tpu.memory_space<hbm>>) dst(%dma_wait3A_408 : memref<128x8xf32, #tpu.memory_space<vmem>>)
      %add3A_415 = arith.constant 4 : i32
      %add3A_416 = arith.addi %mul3A_297, %add3A_415 : i32
      %dma_start3A_417 = arith.constant 4 : i32
      %dma_start3A_418 = arith.constant 0 : i32
      %dma_start3A_419 = arith.constant 0 : i32
      %dma_start3A_420 = tpu.memref_slice %arg9[%dma_start3A_417, %dma_start3A_418, %dma_start3A_419] : memref<6x128x8xf32, #tpu.memory_space<vmem>> -> memref<1x128x8xf32, #tpu.memory_space<vmem>>
      %dma_start3A_421 = tpu.memref_squeeze %dma_start3A_420 : memref<1x128x8xf32, #tpu.memory_space<vmem>> -> memref<128x8xf32, #tpu.memory_space<vmem>>
      %dma_start3A_422 = arith.constant 0 : i32
      %dma_start3A_423 = tpu.memref_slice %arg8[%add3A_416, %dma_start3A_422] : memref<84x128xi32, #tpu.memory_space<vmem>> -> memref<1x128xi32, #tpu.memory_space<vmem>>
      %dma_start3A_424 = tpu.memref_squeeze %dma_start3A_423 : memref<1x128xi32, #tpu.memory_space<vmem>> -> memref<128xi32, #tpu.memory_space<vmem>>
      %dma_start3A_425 = arith.constant 0 : i32
      %dma_start3A_426 = arith.constant 0 : i32
      %dma_start3A_427 = tpu.memref_slice %arg10[%dma_start3A_425, %dma_start3A_426] : memref<10240x8xf32, #tpu.memory_space<vmem_shared>> -> memref<10240x8xf32, #tpu.memory_space<vmem_shared>>
      tpu.enqueue_indirect_dma source(%dma_start3A_421 : memref<128x8xf32, #tpu.memory_space<vmem>>) target(%dma_start3A_427 : memref<10240x8xf32, #tpu.memory_space<vmem_shared>>) offsets(%dma_start3A_424 : memref<128xi32, #tpu.memory_space<vmem>>) semaphore(%arg21 : memref<!tpu.dma_semaphore, #tpu.memory_space<semaphore_mem>>) {add = true}
      %add3A_428 = arith.constant 5 : i32
      %add3A_429 = arith.addi %mul3A_297, %add3A_428 : i32
      %dma_wait3A_430 = arith.constant 5 : i32
      %dma_wait3A_431 = arith.constant 0 : i32
      %dma_wait3A_432 = arith.constant 0 : i32
      %dma_wait3A_433 = tpu.memref_slice %arg9[%dma_wait3A_430, %dma_wait3A_431, %dma_wait3A_432] : memref<6x128x8xf32, #tpu.memory_space<vmem>> -> memref<1x128x8xf32, #tpu.memory_space<vmem>>
      %dma_wait3A_434 = tpu.memref_squeeze %dma_wait3A_433 : memref<1x128x8xf32, #tpu.memory_space<vmem>> -> memref<128x8xf32, #tpu.memory_space<vmem>>
      %dma_wait3A_435 = arith.constant 0 : i32
      %dma_wait3A_436 = tpu.memref_slice %arg7[%add3A_429, %dma_wait3A_435] : memref<84x128xi32, #tpu.memory_space<vmem>> -> memref<1x128xi32, #tpu.memory_space<vmem>>
      %dma_wait3A_437 = tpu.memref_squeeze %dma_wait3A_436 : memref<1x128xi32, #tpu.memory_space<vmem>> -> memref<128xi32, #tpu.memory_space<vmem>>
      %dma_wait3A_438 = arith.constant 0 : i32
      %dma_wait3A_439 = arith.constant 0 : i32
      %dma_wait3A_440 = tpu.memref_slice %arg2[%dma_wait3A_438, %dma_wait3A_439] : memref<10240x8xf32, #tpu.memory_space<hbm>> -> memref<10240x8xf32, #tpu.memory_space<hbm>>
      tpu.wait_indirect_dma semaphore(%arg16 : memref<!tpu.dma_semaphore, #tpu.memory_space<semaphore_mem>>) src(%dma_wait3A_440 : memref<10240x8xf32, #tpu.memory_space<hbm>>) dst(%dma_wait3A_434 : memref<128x8xf32, #tpu.memory_space<vmem>>)
      %add3A_441 = arith.constant 5 : i32
      %add3A_442 = arith.addi %mul3A_297, %add3A_441 : i32
      %dma_start3A_443 = arith.constant 5 : i32
      %dma_start3A_444 = arith.constant 0 : i32
      %dma_start3A_445 = arith.constant 0 : i32
      %dma_start3A_446 = tpu.memref_slice %arg9[%dma_start3A_443, %dma_start3A_444, %dma_start3A_445] : memref<6x128x8xf32, #tpu.memory_space<vmem>> -> memref<1x128x8xf32, #tpu.memory_space<vmem>>
      %dma_start3A_447 = tpu.memref_squeeze %dma_start3A_446 : memref<1x128x8xf32, #tpu.memory_space<vmem>> -> memref<128x8xf32, #tpu.memory_space<vmem>>
      %dma_start3A_448 = arith.constant 0 : i32
      %dma_start3A_449 = tpu.memref_slice %arg8[%add3A_442, %dma_start3A_448] : memref<84x128xi32, #tpu.memory_space<vmem>> -> memref<1x128xi32, #tpu.memory_space<vmem>>
      %dma_start3A_450 = tpu.memref_squeeze %dma_start3A_449 : memref<1x128xi32, #tpu.memory_space<vmem>> -> memref<128xi32, #tpu.memory_space<vmem>>
      %dma_start3A_451 = arith.constant 0 : i32
      %dma_start3A_452 = arith.constant 0 : i32
      %dma_start3A_453 = tpu.memref_slice %arg10[%dma_start3A_451, %dma_start3A_452] : memref<10240x8xf32, #tpu.memory_space<vmem_shared>> -> memref<10240x8xf32, #tpu.memory_space<vmem_shared>>
      tpu.enqueue_indirect_dma source(%dma_start3A_447 : memref<128x8xf32, #tpu.memory_space<vmem>>) target(%dma_start3A_453 : memref<10240x8xf32, #tpu.memory_space<vmem_shared>>) offsets(%dma_start3A_450 : memref<128xi32, #tpu.memory_space<vmem>>) semaphore(%arg22 : memref<!tpu.dma_semaphore, #tpu.memory_space<semaphore_mem>>) {add = true}
      %add3A_454 = arith.constant 0 : i32
      %add3A_455 = arith.addi %mul3A_297, %add3A_454 : i32
      %dma_wait3A_456 = arith.constant 0 : i32
      %dma_wait3A_457 = arith.constant 0 : i32
      %dma_wait3A_458 = arith.constant 0 : i32
      %dma_wait3A_459 = tpu.memref_slice %arg9[%dma_wait3A_456, %dma_wait3A_457, %dma_wait3A_458] : memref<6x128x8xf32, #tpu.memory_space<vmem>> -> memref<1x128x8xf32, #tpu.memory_space<vmem>>
      %dma_wait3A_460 = tpu.memref_squeeze %dma_wait3A_459 : memref<1x128x8xf32, #tpu.memory_space<vmem>> -> memref<128x8xf32, #tpu.memory_space<vmem>>
      %dma_wait3A_461 = arith.constant 0 : i32
      %dma_wait3A_462 = tpu.memref_slice %arg8[%add3A_455, %dma_wait3A_461] : memref<84x128xi32, #tpu.memory_space<vmem>> -> memref<1x128xi32, #tpu.memory_space<vmem>>
      %dma_wait3A_463 = tpu.memref_squeeze %dma_wait3A_462 : memref<1x128xi32, #tpu.memory_space<vmem>> -> memref<128xi32, #tpu.memory_space<vmem>>
      %dma_wait3A_464 = arith.constant 0 : i32
      %dma_wait3A_465 = arith.constant 0 : i32
      %dma_wait3A_466 = tpu.memref_slice %arg10[%dma_wait3A_464, %dma_wait3A_465] : memref<10240x8xf32, #tpu.memory_space<vmem_shared>> -> memref<10240x8xf32, #tpu.memory_space<vmem_shared>>
      tpu.wait_indirect_dma semaphore(%arg17 : memref<!tpu.dma_semaphore, #tpu.memory_space<semaphore_mem>>) src(%dma_wait3A_460 : memref<128x8xf32, #tpu.memory_space<vmem>>) dst(%dma_wait3A_466 : memref<10240x8xf32, #tpu.memory_space<vmem_shared>>)
      %add3A_467 = arith.constant 6 : i32
      %add3A_468 = arith.addi %mul3A_297, %add3A_467 : i32
      %add3A_469 = arith.constant 0 : i32
      %add3A_470 = arith.addi %add3A_468, %add3A_469 : i32
      %dma_start3A_471 = arith.constant 0 : i32
      %dma_start3A_472 = arith.constant 0 : i32
      %dma_start3A_473 = arith.constant 0 : i32
      %dma_start3A_474 = tpu.memref_slice %arg9[%dma_start3A_471, %dma_start3A_472, %dma_start3A_473] : memref<6x128x8xf32, #tpu.memory_space<vmem>> -> memref<1x128x8xf32, #tpu.memory_space<vmem>>
      %dma_start3A_475 = tpu.memref_squeeze %dma_start3A_474 : memref<1x128x8xf32, #tpu.memory_space<vmem>> -> memref<128x8xf32, #tpu.memory_space<vmem>>
      %dma_start3A_476 = arith.constant 0 : i32
      %dma_start3A_477 = tpu.memref_slice %arg7[%add3A_470, %dma_start3A_476] : memref<84x128xi32, #tpu.memory_space<vmem>> -> memref<1x128xi32, #tpu.memory_space<vmem>>
      %dma_start3A_478 = tpu.memref_squeeze %dma_start3A_477 : memref<1x128xi32, #tpu.memory_space<vmem>> -> memref<128xi32, #tpu.memory_space<vmem>>
      %dma_start3A_479 = arith.constant 0 : i32
      %dma_start3A_480 = arith.constant 0 : i32
      %dma_start3A_481 = tpu.memref_slice %arg2[%dma_start3A_479, %dma_start3A_480] : memref<10240x8xf32, #tpu.memory_space<hbm>> -> memref<10240x8xf32, #tpu.memory_space<hbm>>
      tpu.enqueue_indirect_dma source(%dma_start3A_481 : memref<10240x8xf32, #tpu.memory_space<hbm>>) target(%dma_start3A_475 : memref<128x8xf32, #tpu.memory_space<vmem>>) offsets(%dma_start3A_478 : memref<128xi32, #tpu.memory_space<vmem>>) semaphore(%arg11 : memref<!tpu.dma_semaphore, #tpu.memory_space<semaphore_mem>>)
      %add3A_482 = arith.constant 1 : i32
      %add3A_483 = arith.addi %mul3A_297, %add3A_482 : i32
      %dma_wait3A_484 = arith.constant 1 : i32
      %dma_wait3A_485 = arith.constant 0 : i32
      %dma_wait3A_486 = arith.constant 0 : i32
      %dma_wait3A_487 = tpu.memref_slice %arg9[%dma_wait3A_484, %dma_wait3A_485, %dma_wait3A_486] : memref<6x128x8xf32, #tpu.memory_space<vmem>> -> memref<1x128x8xf32, #tpu.memory_space<vmem>>
      %dma_wait3A_488 = tpu.memref_squeeze %dma_wait3A_487 : memref<1x128x8xf32, #tpu.memory_space<vmem>> -> memref<128x8xf32, #tpu.memory_space<vmem>>
      %dma_wait3A_489 = arith.constant 0 : i32
      %dma_wait3A_490 = tpu.memref_slice %arg8[%add3A_483, %dma_wait3A_489] : memref<84x128xi32, #tpu.memory_space<vmem>> -> memref<1x128xi32, #tpu.memory_space<vmem>>
      %dma_wait3A_491 = tpu.memref_squeeze %dma_wait3A_490 : memref<1x128xi32, #tpu.memory_space<vmem>> -> memref<128xi32, #tpu.memory_space<vmem>>
      %dma_wait3A_492 = arith.constant 0 : i32
      %dma_wait3A_493 = arith.constant 0 : i32
      %dma_wait3A_494 = tpu.memref_slice %arg10[%dma_wait3A_492, %dma_wait3A_493] : memref<10240x8xf32, #tpu.memory_space<vmem_shared>> -> memref<10240x8xf32, #tpu.memory_space<vmem_shared>>
      tpu.wait_indirect_dma semaphore(%arg18 : memref<!tpu.dma_semaphore, #tpu.memory_space<semaphore_mem>>) src(%dma_wait3A_488 : memref<128x8xf32, #tpu.memory_space<vmem>>) dst(%dma_wait3A_494 : memref<10240x8xf32, #tpu.memory_space<vmem_shared>>)
      %add3A_495 = arith.constant 6 : i32
      %add3A_496 = arith.addi %mul3A_297, %add3A_495 : i32
      %add3A_497 = arith.constant 1 : i32
      %add3A_498 = arith.addi %add3A_496, %add3A_497 : i32
      %dma_start3A_499 = arith.constant 1 : i32
      %dma_start3A_500 = arith.constant 0 : i32
      %dma_start3A_501 = arith.constant 0 : i32
      %dma_start3A_502 = tpu.memref_slice %arg9[%dma_start3A_499, %dma_start3A_500, %dma_start3A_501] : memref<6x128x8xf32, #tpu.memory_space<vmem>> -> memref<1x128x8xf32, #tpu.memory_space<vmem>>
      %dma_start3A_503 = tpu.memref_squeeze %dma_start3A_502 : memref<1x128x8xf32, #tpu.memory_space<vmem>> -> memref<128x8xf32, #tpu.memory_space<vmem>>
      %dma_start3A_504 = arith.constant 0 : i32
      %dma_start3A_505 = tpu.memref_slice %arg7[%add3A_498, %dma_start3A_504] : memref<84x128xi32, #tpu.memory_space<vmem>> -> memref<1x128xi32, #tpu.memory_space<vmem>>
      %dma_start3A_506 = tpu.memref_squeeze %dma_start3A_505 : memref<1x128xi32, #tpu.memory_space<vmem>> -> memref<128xi32, #tpu.memory_space<vmem>>
      %dma_start3A_507 = arith.constant 0 : i32
      %dma_start3A_508 = arith.constant 0 : i32
      %dma_start3A_509 = tpu.memref_slice %arg2[%dma_start3A_507, %dma_start3A_508] : memref<10240x8xf32, #tpu.memory_space<hbm>> -> memref<10240x8xf32, #tpu.memory_space<hbm>>
      tpu.enqueue_indirect_dma source(%dma_start3A_509 : memref<10240x8xf32, #tpu.memory_space<hbm>>) target(%dma_start3A_503 : memref<128x8xf32, #tpu.memory_space<vmem>>) offsets(%dma_start3A_506 : memref<128xi32, #tpu.memory_space<vmem>>) semaphore(%arg12 : memref<!tpu.dma_semaphore, #tpu.memory_space<semaphore_mem>>)
      %add3A_510 = arith.constant 2 : i32
      %add3A_511 = arith.addi %mul3A_297, %add3A_510 : i32
      %dma_wait3A_512 = arith.constant 2 : i32
      %dma_wait3A_513 = arith.constant 0 : i32
      %dma_wait3A_514 = arith.constant 0 : i32
      %dma_wait3A_515 = tpu.memref_slice %arg9[%dma_wait3A_512, %dma_wait3A_513, %dma_wait3A_514] : memref<6x128x8xf32, #tpu.memory_space<vmem>> -> memref<1x128x8xf32, #tpu.memory_space<vmem>>
      %dma_wait3A_516 = tpu.memref_squeeze %dma_wait3A_515 : memref<1x128x8xf32, #tpu.memory_space<vmem>> -> memref<128x8xf32, #tpu.memory_space<vmem>>
      %dma_wait3A_517 = arith.constant 0 : i32
      %dma_wait3A_518 = tpu.memref_slice %arg8[%add3A_511, %dma_wait3A_517] : memref<84x128xi32, #tpu.memory_space<vmem>> -> memref<1x128xi32, #tpu.memory_space<vmem>>
      %dma_wait3A_519 = tpu.memref_squeeze %dma_wait3A_518 : memref<1x128xi32, #tpu.memory_space<vmem>> -> memref<128xi32, #tpu.memory_space<vmem>>
      %dma_wait3A_520 = arith.constant 0 : i32
      %dma_wait3A_521 = arith.constant 0 : i32
      %dma_wait3A_522 = tpu.memref_slice %arg10[%dma_wait3A_520, %dma_wait3A_521] : memref<10240x8xf32, #tpu.memory_space<vmem_shared>> -> memref<10240x8xf32, #tpu.memory_space<vmem_shared>>
      tpu.wait_indirect_dma semaphore(%arg19 : memref<!tpu.dma_semaphore, #tpu.memory_space<semaphore_mem>>) src(%dma_wait3A_516 : memref<128x8xf32, #tpu.memory_space<vmem>>) dst(%dma_wait3A_522 : memref<10240x8xf32, #tpu.memory_space<vmem_shared>>)
      %add3A_523 = arith.constant 6 : i32
      %add3A_524 = arith.addi %mul3A_297, %add3A_523 : i32
      %add3A_525 = arith.constant 2 : i32
      %add3A_526 = arith.addi %add3A_524, %add3A_525 : i32
      %dma_start3A_527 = arith.constant 2 : i32
      %dma_start3A_528 = arith.constant 0 : i32
      %dma_start3A_529 = arith.constant 0 : i32
      %dma_start3A_530 = tpu.memref_slice %arg9[%dma_start3A_527, %dma_start3A_528, %dma_start3A_529] : memref<6x128x8xf32, #tpu.memory_space<vmem>> -> memref<1x128x8xf32, #tpu.memory_space<vmem>>
      %dma_start3A_531 = tpu.memref_squeeze %dma_start3A_530 : memref<1x128x8xf32, #tpu.memory_space<vmem>> -> memref<128x8xf32, #tpu.memory_space<vmem>>
      %dma_start3A_532 = arith.constant 0 : i32
      %dma_start3A_533 = tpu.memref_slice %arg7[%add3A_526, %dma_start3A_532] : memref<84x128xi32, #tpu.memory_space<vmem>> -> memref<1x128xi32, #tpu.memory_space<vmem>>
      %dma_start3A_534 = tpu.memref_squeeze %dma_start3A_533 : memref<1x128xi32, #tpu.memory_space<vmem>> -> memref<128xi32, #tpu.memory_space<vmem>>
      %dma_start3A_535 = arith.constant 0 : i32
      %dma_start3A_536 = arith.constant 0 : i32
      %dma_start3A_537 = tpu.memref_slice %arg2[%dma_start3A_535, %dma_start3A_536] : memref<10240x8xf32, #tpu.memory_space<hbm>> -> memref<10240x8xf32, #tpu.memory_space<hbm>>
      tpu.enqueue_indirect_dma source(%dma_start3A_537 : memref<10240x8xf32, #tpu.memory_space<hbm>>) target(%dma_start3A_531 : memref<128x8xf32, #tpu.memory_space<vmem>>) offsets(%dma_start3A_534 : memref<128xi32, #tpu.memory_space<vmem>>) semaphore(%arg13 : memref<!tpu.dma_semaphore, #tpu.memory_space<semaphore_mem>>)
      %add3A_538 = arith.constant 3 : i32
      %add3A_539 = arith.addi %mul3A_297, %add3A_538 : i32
      %dma_wait3A_540 = arith.constant 3 : i32
      %dma_wait3A_541 = arith.constant 0 : i32
      %dma_wait3A_542 = arith.constant 0 : i32
      %dma_wait3A_543 = tpu.memref_slice %arg9[%dma_wait3A_540, %dma_wait3A_541, %dma_wait3A_542] : memref<6x128x8xf32, #tpu.memory_space<vmem>> -> memref<1x128x8xf32, #tpu.memory_space<vmem>>
      %dma_wait3A_544 = tpu.memref_squeeze %dma_wait3A_543 : memref<1x128x8xf32, #tpu.memory_space<vmem>> -> memref<128x8xf32, #tpu.memory_space<vmem>>
      %dma_wait3A_545 = arith.constant 0 : i32
      %dma_wait3A_546 = tpu.memref_slice %arg8[%add3A_539, %dma_wait3A_545] : memref<84x128xi32, #tpu.memory_space<vmem>> -> memref<1x128xi32, #tpu.memory_space<vmem>>
      %dma_wait3A_547 = tpu.memref_squeeze %dma_wait3A_546 : memref<1x128xi32, #tpu.memory_space<vmem>> -> memref<128xi32, #tpu.memory_space<vmem>>
      %dma_wait3A_548 = arith.constant 0 : i32
      %dma_wait3A_549 = arith.constant 0 : i32
      %dma_wait3A_550 = tpu.memref_slice %arg10[%dma_wait3A_548, %dma_wait3A_549] : memref<10240x8xf32, #tpu.memory_space<vmem_shared>> -> memref<10240x8xf32, #tpu.memory_space<vmem_shared>>
      tpu.wait_indirect_dma semaphore(%arg20 : memref<!tpu.dma_semaphore, #tpu.memory_space<semaphore_mem>>) src(%dma_wait3A_544 : memref<128x8xf32, #tpu.memory_space<vmem>>) dst(%dma_wait3A_550 : memref<10240x8xf32, #tpu.memory_space<vmem_shared>>)
      %add3A_551 = arith.constant 6 : i32
      %add3A_552 = arith.addi %mul3A_297, %add3A_551 : i32
      %add3A_553 = arith.constant 3 : i32
      %add3A_554 = arith.addi %add3A_552, %add3A_553 : i32
      %dma_start3A_555 = arith.constant 3 : i32
      %dma_start3A_556 = arith.constant 0 : i32
      %dma_start3A_557 = arith.constant 0 : i32
      %dma_start3A_558 = tpu.memref_slice %arg9[%dma_start3A_555, %dma_start3A_556, %dma_start3A_557] : memref<6x128x8xf32, #tpu.memory_space<vmem>> -> memref<1x128x8xf32, #tpu.memory_space<vmem>>
      %dma_start3A_559 = tpu.memref_squeeze %dma_start3A_558 : memref<1x128x8xf32, #tpu.memory_space<vmem>> -> memref<128x8xf32, #tpu.memory_space<vmem>>
      %dma_start3A_560 = arith.constant 0 : i32
      %dma_start3A_561 = tpu.memref_slice %arg7[%add3A_554, %dma_start3A_560] : memref<84x128xi32, #tpu.memory_space<vmem>> -> memref<1x128xi32, #tpu.memory_space<vmem>>
      %dma_start3A_562 = tpu.memref_squeeze %dma_start3A_561 : memref<1x128xi32, #tpu.memory_space<vmem>> -> memref<128xi32, #tpu.memory_space<vmem>>
      %dma_start3A_563 = arith.constant 0 : i32
      %dma_start3A_564 = arith.constant 0 : i32
      %dma_start3A_565 = tpu.memref_slice %arg2[%dma_start3A_563, %dma_start3A_564] : memref<10240x8xf32, #tpu.memory_space<hbm>> -> memref<10240x8xf32, #tpu.memory_space<hbm>>
      tpu.enqueue_indirect_dma source(%dma_start3A_565 : memref<10240x8xf32, #tpu.memory_space<hbm>>) target(%dma_start3A_559 : memref<128x8xf32, #tpu.memory_space<vmem>>) offsets(%dma_start3A_562 : memref<128xi32, #tpu.memory_space<vmem>>) semaphore(%arg14 : memref<!tpu.dma_semaphore, #tpu.memory_space<semaphore_mem>>)
      %add3A_566 = arith.constant 4 : i32
      %add3A_567 = arith.addi %mul3A_297, %add3A_566 : i32
      %dma_wait3A_568 = arith.constant 4 : i32
      %dma_wait3A_569 = arith.constant 0 : i32
      %dma_wait3A_570 = arith.constant 0 : i32
      %dma_wait3A_571 = tpu.memref_slice %arg9[%dma_wait3A_568, %dma_wait3A_569, %dma_wait3A_570] : memref<6x128x8xf32, #tpu.memory_space<vmem>> -> memref<1x128x8xf32, #tpu.memory_space<vmem>>
      %dma_wait3A_572 = tpu.memref_squeeze %dma_wait3A_571 : memref<1x128x8xf32, #tpu.memory_space<vmem>> -> memref<128x8xf32, #tpu.memory_space<vmem>>
      %dma_wait3A_573 = arith.constant 0 : i32
      %dma_wait3A_574 = tpu.memref_slice %arg8[%add3A_567, %dma_wait3A_573] : memref<84x128xi32, #tpu.memory_space<vmem>> -> memref<1x128xi32, #tpu.memory_space<vmem>>
      %dma_wait3A_575 = tpu.memref_squeeze %dma_wait3A_574 : memref<1x128xi32, #tpu.memory_space<vmem>> -> memref<128xi32, #tpu.memory_space<vmem>>
      %dma_wait3A_576 = arith.constant 0 : i32
      %dma_wait3A_577 = arith.constant 0 : i32
      %dma_wait3A_578 = tpu.memref_slice %arg10[%dma_wait3A_576, %dma_wait3A_577] : memref<10240x8xf32, #tpu.memory_space<vmem_shared>> -> memref<10240x8xf32, #tpu.memory_space<vmem_shared>>
      tpu.wait_indirect_dma semaphore(%arg21 : memref<!tpu.dma_semaphore, #tpu.memory_space<semaphore_mem>>) src(%dma_wait3A_572 : memref<128x8xf32, #tpu.memory_space<vmem>>) dst(%dma_wait3A_578 : memref<10240x8xf32, #tpu.memory_space<vmem_shared>>)
      %add3A_579 = arith.constant 6 : i32
      %add3A_580 = arith.addi %mul3A_297, %add3A_579 : i32
      %add3A_581 = arith.constant 4 : i32
      %add3A_582 = arith.addi %add3A_580, %add3A_581 : i32
      %dma_start3A_583 = arith.constant 4 : i32
      %dma_start3A_584 = arith.constant 0 : i32
      %dma_start3A_585 = arith.constant 0 : i32
      %dma_start3A_586 = tpu.memref_slice %arg9[%dma_start3A_583, %dma_start3A_584, %dma_start3A_585] : memref<6x128x8xf32, #tpu.memory_space<vmem>> -> memref<1x128x8xf32, #tpu.memory_space<vmem>>
      %dma_start3A_587 = tpu.memref_squeeze %dma_start3A_586 : memref<1x128x8xf32, #tpu.memory_space<vmem>> -> memref<128x8xf32, #tpu.memory_space<vmem>>
      %dma_start3A_588 = arith.constant 0 : i32
      %dma_start3A_589 = tpu.memref_slice %arg7[%add3A_582, %dma_start3A_588] : memref<84x128xi32, #tpu.memory_space<vmem>> -> memref<1x128xi32, #tpu.memory_space<vmem>>
      %dma_start3A_590 = tpu.memref_squeeze %dma_start3A_589 : memref<1x128xi32, #tpu.memory_space<vmem>> -> memref<128xi32, #tpu.memory_space<vmem>>
      %dma_start3A_591 = arith.constant 0 : i32
      %dma_start3A_592 = arith.constant 0 : i32
      %dma_start3A_593 = tpu.memref_slice %arg2[%dma_start3A_591, %dma_start3A_592] : memref<10240x8xf32, #tpu.memory_space<hbm>> -> memref<10240x8xf32, #tpu.memory_space<hbm>>
      tpu.enqueue_indirect_dma source(%dma_start3A_593 : memref<10240x8xf32, #tpu.memory_space<hbm>>) target(%dma_start3A_587 : memref<128x8xf32, #tpu.memory_space<vmem>>) offsets(%dma_start3A_590 : memref<128xi32, #tpu.memory_space<vmem>>) semaphore(%arg15 : memref<!tpu.dma_semaphore, #tpu.memory_space<semaphore_mem>>)
      %add3A_594 = arith.constant 5 : i32
      %add3A_595 = arith.addi %mul3A_297, %add3A_594 : i32
      %dma_wait3A_596 = arith.constant 5 : i32
      %dma_wait3A_597 = arith.constant 0 : i32
      %dma_wait3A_598 = arith.constant 0 : i32
      %dma_wait3A_599 = tpu.memref_slice %arg9[%dma_wait3A_596, %dma_wait3A_597, %dma_wait3A_598] : memref<6x128x8xf32, #tpu.memory_space<vmem>> -> memref<1x128x8xf32, #tpu.memory_space<vmem>>
      %dma_wait3A_600 = tpu.memref_squeeze %dma_wait3A_599 : memref<1x128x8xf32, #tpu.memory_space<vmem>> -> memref<128x8xf32, #tpu.memory_space<vmem>>
      %dma_wait3A_601 = arith.constant 0 : i32
      %dma_wait3A_602 = tpu.memref_slice %arg8[%add3A_595, %dma_wait3A_601] : memref<84x128xi32, #tpu.memory_space<vmem>> -> memref<1x128xi32, #tpu.memory_space<vmem>>
      %dma_wait3A_603 = tpu.memref_squeeze %dma_wait3A_602 : memref<1x128xi32, #tpu.memory_space<vmem>> -> memref<128xi32, #tpu.memory_space<vmem>>
      %dma_wait3A_604 = arith.constant 0 : i32
      %dma_wait3A_605 = arith.constant 0 : i32
      %dma_wait3A_606 = tpu.memref_slice %arg10[%dma_wait3A_604, %dma_wait3A_605] : memref<10240x8xf32, #tpu.memory_space<vmem_shared>> -> memref<10240x8xf32, #tpu.memory_space<vmem_shared>>
      tpu.wait_indirect_dma semaphore(%arg22 : memref<!tpu.dma_semaphore, #tpu.memory_space<semaphore_mem>>) src(%dma_wait3A_600 : memref<128x8xf32, #tpu.memory_space<vmem>>) dst(%dma_wait3A_606 : memref<10240x8xf32, #tpu.memory_space<vmem_shared>>)
      %add3A_607 = arith.constant 6 : i32
      %add3A_608 = arith.addi %mul3A_297, %add3A_607 : i32
      %add3A_609 = arith.constant 5 : i32
      %add3A_610 = arith.addi %add3A_608, %add3A_609 : i32
      %dma_start3A_611 = arith.constant 5 : i32
      %dma_start3A_612 = arith.constant 0 : i32
      %dma_start3A_613 = arith.constant 0 : i32
      %dma_start3A_614 = tpu.memref_slice %arg9[%dma_start3A_611, %dma_start3A_612, %dma_start3A_613] : memref<6x128x8xf32, #tpu.memory_space<vmem>> -> memref<1x128x8xf32, #tpu.memory_space<vmem>>
      %dma_start3A_615 = tpu.memref_squeeze %dma_start3A_614 : memref<1x128x8xf32, #tpu.memory_space<vmem>> -> memref<128x8xf32, #tpu.memory_space<vmem>>
      %dma_start3A_616 = arith.constant 0 : i32
      %dma_start3A_617 = tpu.memref_slice %arg7[%add3A_610, %dma_start3A_616] : memref<84x128xi32, #tpu.memory_space<vmem>> -> memref<1x128xi32, #tpu.memory_space<vmem>>
      %dma_start3A_618 = tpu.memref_squeeze %dma_start3A_617 : memref<1x128xi32, #tpu.memory_space<vmem>> -> memref<128xi32, #tpu.memory_space<vmem>>
      %dma_start3A_619 = arith.constant 0 : i32
      %dma_start3A_620 = arith.constant 0 : i32
      %dma_start3A_621 = tpu.memref_slice %arg2[%dma_start3A_619, %dma_start3A_620] : memref<10240x8xf32, #tpu.memory_space<hbm>> -> memref<10240x8xf32, #tpu.memory_space<hbm>>
      tpu.enqueue_indirect_dma source(%dma_start3A_621 : memref<10240x8xf32, #tpu.memory_space<hbm>>) target(%dma_start3A_615 : memref<128x8xf32, #tpu.memory_space<vmem>>) offsets(%dma_start3A_618 : memref<128xi32, #tpu.memory_space<vmem>>) semaphore(%arg16 : memref<!tpu.dma_semaphore, #tpu.memory_space<semaphore_mem>>)
    }
    %scan3A_78 = arith.constant 13 : i32
    %dma_wait3A = arith.constant 78 : i32
    %dma_wait3A_79 = arith.constant 0 : i32
    %dma_wait3A_80 = arith.constant 0 : i32
    %dma_wait3A_81 = arith.constant 0 : i32
    %dma_wait3A_82 = tpu.memref_slice %arg9[%dma_wait3A_79, %dma_wait3A_80, %dma_wait3A_81] : memref<6x128x8xf32, #tpu.memory_space<vmem>> -> memref<1x128x8xf32, #tpu.memory_space<vmem>>
    %dma_wait3A_83 = tpu.memref_squeeze %dma_wait3A_82 : memref<1x128x8xf32, #tpu.memory_space<vmem>> -> memref<128x8xf32, #tpu.memory_space<vmem>>
    %dma_wait3A_84 = arith.constant 0 : i32
    %dma_wait3A_85 = tpu.memref_slice %arg7[%dma_wait3A, %dma_wait3A_84] : memref<84x128xi32, #tpu.memory_space<vmem>> -> memref<1x128xi32, #tpu.memory_space<vmem>>
    %dma_wait3A_86 = tpu.memref_squeeze %dma_wait3A_85 : memref<1x128xi32, #tpu.memory_space<vmem>> -> memref<128xi32, #tpu.memory_space<vmem>>
    %dma_wait3A_87 = arith.constant 0 : i32
    %dma_wait3A_88 = arith.constant 0 : i32
    %dma_wait3A_89 = tpu.memref_slice %arg2[%dma_wait3A_87, %dma_wait3A_88] : memref<10240x8xf32, #tpu.memory_space<hbm>> -> memref<10240x8xf32, #tpu.memory_space<hbm>>
    tpu.wait_indirect_dma semaphore(%arg11 : memref<!tpu.dma_semaphore, #tpu.memory_space<semaphore_mem>>) src(%dma_wait3A_89 : memref<10240x8xf32, #tpu.memory_space<hbm>>) dst(%dma_wait3A_83 : memref<128x8xf32, #tpu.memory_space<vmem>>)
    %dma_start3A_90 = arith.constant 0 : i32
    %dma_start3A_91 = arith.constant 78 : i32
    %dma_start3A_92 = arith.constant 0 : i32
    %dma_start3A_93 = arith.constant 0 : i32
    %dma_start3A_94 = tpu.memref_slice %arg9[%dma_start3A_90, %dma_start3A_92, %dma_start3A_93] : memref<6x128x8xf32, #tpu.memory_space<vmem>> -> memref<1x128x8xf32, #tpu.memory_space<vmem>>
    %dma_start3A_95 = tpu.memref_squeeze %dma_start3A_94 : memref<1x128x8xf32, #tpu.memory_space<vmem>> -> memref<128x8xf32, #tpu.memory_space<vmem>>
    %dma_start3A_96 = arith.constant 0 : i32
    %dma_start3A_97 = tpu.memref_slice %arg8[%dma_start3A_91, %dma_start3A_96] : memref<84x128xi32, #tpu.memory_space<vmem>> -> memref<1x128xi32, #tpu.memory_space<vmem>>
    %dma_start3A_98 = tpu.memref_squeeze %dma_start3A_97 : memref<1x128xi32, #tpu.memory_space<vmem>> -> memref<128xi32, #tpu.memory_space<vmem>>
    %dma_start3A_99 = arith.constant 0 : i32
    %dma_start3A_100 = arith.constant 0 : i32
    %dma_start3A_101 = tpu.memref_slice %arg10[%dma_start3A_99, %dma_start3A_100] : memref<10240x8xf32, #tpu.memory_space<vmem_shared>> -> memref<10240x8xf32, #tpu.memory_space<vmem_shared>>
    tpu.enqueue_indirect_dma source(%dma_start3A_95 : memref<128x8xf32, #tpu.memory_space<vmem>>) target(%dma_start3A_101 : memref<10240x8xf32, #tpu.memory_space<vmem_shared>>) offsets(%dma_start3A_98 : memref<128xi32, #tpu.memory_space<vmem>>) semaphore(%arg17 : memref<!tpu.dma_semaphore, #tpu.memory_space<semaphore_mem>>) {add = true}
    %dma_wait3A_102 = arith.constant 79 : i32
    %dma_wait3A_103 = arith.constant 1 : i32
    %dma_wait3A_104 = arith.constant 0 : i32
    %dma_wait3A_105 = arith.constant 0 : i32
    %dma_wait3A_106 = tpu.memref_slice %arg9[%dma_wait3A_103, %dma_wait3A_104, %dma_wait3A_105] : memref<6x128x8xf32, #tpu.memory_space<vmem>> -> memref<1x128x8xf32, #tpu.memory_space<vmem>>
    %dma_wait3A_107 = tpu.memref_squeeze %dma_wait3A_106 : memref<1x128x8xf32, #tpu.memory_space<vmem>> -> memref<128x8xf32, #tpu.memory_space<vmem>>
    %dma_wait3A_108 = arith.constant 0 : i32
    %dma_wait3A_109 = tpu.memref_slice %arg7[%dma_wait3A_102, %dma_wait3A_108] : memref<84x128xi32, #tpu.memory_space<vmem>> -> memref<1x128xi32, #tpu.memory_space<vmem>>
    %dma_wait3A_110 = tpu.memref_squeeze %dma_wait3A_109 : memref<1x128xi32, #tpu.memory_space<vmem>> -> memref<128xi32, #tpu.memory_space<vmem>>
    %dma_wait3A_111 = arith.constant 0 : i32
    %dma_wait3A_112 = arith.constant 0 : i32
    %dma_wait3A_113 = tpu.memref_slice %arg2[%dma_wait3A_111, %dma_wait3A_112] : memref<10240x8xf32, #tpu.memory_space<hbm>> -> memref<10240x8xf32, #tpu.memory_space<hbm>>
    tpu.wait_indirect_dma semaphore(%arg12 : memref<!tpu.dma_semaphore, #tpu.memory_space<semaphore_mem>>) src(%dma_wait3A_113 : memref<10240x8xf32, #tpu.memory_space<hbm>>) dst(%dma_wait3A_107 : memref<128x8xf32, #tpu.memory_space<vmem>>)
    %dma_start3A_114 = arith.constant 1 : i32
    %dma_start3A_115 = arith.constant 79 : i32
    %dma_start3A_116 = arith.constant 0 : i32
    %dma_start3A_117 = arith.constant 0 : i32
    %dma_start3A_118 = tpu.memref_slice %arg9[%dma_start3A_114, %dma_start3A_116, %dma_start3A_117] : memref<6x128x8xf32, #tpu.memory_space<vmem>> -> memref<1x128x8xf32, #tpu.memory_space<vmem>>
    %dma_start3A_119 = tpu.memref_squeeze %dma_start3A_118 : memref<1x128x8xf32, #tpu.memory_space<vmem>> -> memref<128x8xf32, #tpu.memory_space<vmem>>
    %dma_start3A_120 = arith.constant 0 : i32
    %dma_start3A_121 = tpu.memref_slice %arg8[%dma_start3A_115, %dma_start3A_120] : memref<84x128xi32, #tpu.memory_space<vmem>> -> memref<1x128xi32, #tpu.memory_space<vmem>>
    %dma_start3A_122 = tpu.memref_squeeze %dma_start3A_121 : memref<1x128xi32, #tpu.memory_space<vmem>> -> memref<128xi32, #tpu.memory_space<vmem>>
    %dma_start3A_123 = arith.constant 0 : i32
    %dma_start3A_124 = arith.constant 0 : i32
    %dma_start3A_125 = tpu.memref_slice %arg10[%dma_start3A_123, %dma_start3A_124] : memref<10240x8xf32, #tpu.memory_space<vmem_shared>> -> memref<10240x8xf32, #tpu.memory_space<vmem_shared>>
    tpu.enqueue_indirect_dma source(%dma_start3A_119 : memref<128x8xf32, #tpu.memory_space<vmem>>) target(%dma_start3A_125 : memref<10240x8xf32, #tpu.memory_space<vmem_shared>>) offsets(%dma_start3A_122 : memref<128xi32, #tpu.memory_space<vmem>>) semaphore(%arg18 : memref<!tpu.dma_semaphore, #tpu.memory_space<semaphore_mem>>) {add = true}
    %dma_wait3A_126 = arith.constant 80 : i32
    %dma_wait3A_127 = arith.constant 2 : i32
    %dma_wait3A_128 = arith.constant 0 : i32
    %dma_wait3A_129 = arith.constant 0 : i32
    %dma_wait3A_130 = tpu.memref_slice %arg9[%dma_wait3A_127, %dma_wait3A_128, %dma_wait3A_129] : memref<6x128x8xf32, #tpu.memory_space<vmem>> -> memref<1x128x8xf32, #tpu.memory_space<vmem>>
    %dma_wait3A_131 = tpu.memref_squeeze %dma_wait3A_130 : memref<1x128x8xf32, #tpu.memory_space<vmem>> -> memref<128x8xf32, #tpu.memory_space<vmem>>
    %dma_wait3A_132 = arith.constant 0 : i32
    %dma_wait3A_133 = tpu.memref_slice %arg7[%dma_wait3A_126, %dma_wait3A_132] : memref<84x128xi32, #tpu.memory_space<vmem>> -> memref<1x128xi32, #tpu.memory_space<vmem>>
    %dma_wait3A_134 = tpu.memref_squeeze %dma_wait3A_133 : memref<1x128xi32, #tpu.memory_space<vmem>> -> memref<128xi32, #tpu.memory_space<vmem>>
    %dma_wait3A_135 = arith.constant 0 : i32
    %dma_wait3A_136 = arith.constant 0 : i32
    %dma_wait3A_137 = tpu.memref_slice %arg2[%dma_wait3A_135, %dma_wait3A_136] : memref<10240x8xf32, #tpu.memory_space<hbm>> -> memref<10240x8xf32, #tpu.memory_space<hbm>>
    tpu.wait_indirect_dma semaphore(%arg13 : memref<!tpu.dma_semaphore, #tpu.memory_space<semaphore_mem>>) src(%dma_wait3A_137 : memref<10240x8xf32, #tpu.memory_space<hbm>>) dst(%dma_wait3A_131 : memref<128x8xf32, #tpu.memory_space<vmem>>)
    %dma_start3A_138 = arith.constant 2 : i32
    %dma_start3A_139 = arith.constant 80 : i32
    %dma_start3A_140 = arith.constant 0 : i32
    %dma_start3A_141 = arith.constant 0 : i32
    %dma_start3A_142 = tpu.memref_slice %arg9[%dma_start3A_138, %dma_start3A_140, %dma_start3A_141] : memref<6x128x8xf32, #tpu.memory_space<vmem>> -> memref<1x128x8xf32, #tpu.memory_space<vmem>>
    %dma_start3A_143 = tpu.memref_squeeze %dma_start3A_142 : memref<1x128x8xf32, #tpu.memory_space<vmem>> -> memref<128x8xf32, #tpu.memory_space<vmem>>
    %dma_start3A_144 = arith.constant 0 : i32
    %dma_start3A_145 = tpu.memref_slice %arg8[%dma_start3A_139, %dma_start3A_144] : memref<84x128xi32, #tpu.memory_space<vmem>> -> memref<1x128xi32, #tpu.memory_space<vmem>>
    %dma_start3A_146 = tpu.memref_squeeze %dma_start3A_145 : memref<1x128xi32, #tpu.memory_space<vmem>> -> memref<128xi32, #tpu.memory_space<vmem>>
    %dma_start3A_147 = arith.constant 0 : i32
    %dma_start3A_148 = arith.constant 0 : i32
    %dma_start3A_149 = tpu.memref_slice %arg10[%dma_start3A_147, %dma_start3A_148] : memref<10240x8xf32, #tpu.memory_space<vmem_shared>> -> memref<10240x8xf32, #tpu.memory_space<vmem_shared>>
    tpu.enqueue_indirect_dma source(%dma_start3A_143 : memref<128x8xf32, #tpu.memory_space<vmem>>) target(%dma_start3A_149 : memref<10240x8xf32, #tpu.memory_space<vmem_shared>>) offsets(%dma_start3A_146 : memref<128xi32, #tpu.memory_space<vmem>>) semaphore(%arg19 : memref<!tpu.dma_semaphore, #tpu.memory_space<semaphore_mem>>) {add = true}
    %dma_wait3A_150 = arith.constant 81 : i32
    %dma_wait3A_151 = arith.constant 3 : i32
    %dma_wait3A_152 = arith.constant 0 : i32
    %dma_wait3A_153 = arith.constant 0 : i32
    %dma_wait3A_154 = tpu.memref_slice %arg9[%dma_wait3A_151, %dma_wait3A_152, %dma_wait3A_153] : memref<6x128x8xf32, #tpu.memory_space<vmem>> -> memref<1x128x8xf32, #tpu.memory_space<vmem>>
    %dma_wait3A_155 = tpu.memref_squeeze %dma_wait3A_154 : memref<1x128x8xf32, #tpu.memory_space<vmem>> -> memref<128x8xf32, #tpu.memory_space<vmem>>
    %dma_wait3A_156 = arith.constant 0 : i32
    %dma_wait3A_157 = tpu.memref_slice %arg7[%dma_wait3A_150, %dma_wait3A_156] : memref<84x128xi32, #tpu.memory_space<vmem>> -> memref<1x128xi32, #tpu.memory_space<vmem>>
    %dma_wait3A_158 = tpu.memref_squeeze %dma_wait3A_157 : memref<1x128xi32, #tpu.memory_space<vmem>> -> memref<128xi32, #tpu.memory_space<vmem>>
    %dma_wait3A_159 = arith.constant 0 : i32
    %dma_wait3A_160 = arith.constant 0 : i32
    %dma_wait3A_161 = tpu.memref_slice %arg2[%dma_wait3A_159, %dma_wait3A_160] : memref<10240x8xf32, #tpu.memory_space<hbm>> -> memref<10240x8xf32, #tpu.memory_space<hbm>>
    tpu.wait_indirect_dma semaphore(%arg14 : memref<!tpu.dma_semaphore, #tpu.memory_space<semaphore_mem>>) src(%dma_wait3A_161 : memref<10240x8xf32, #tpu.memory_space<hbm>>) dst(%dma_wait3A_155 : memref<128x8xf32, #tpu.memory_space<vmem>>)
    %dma_start3A_162 = arith.constant 3 : i32
    %dma_start3A_163 = arith.constant 81 : i32
    %dma_start3A_164 = arith.constant 0 : i32
    %dma_start3A_165 = arith.constant 0 : i32
    %dma_start3A_166 = tpu.memref_slice %arg9[%dma_start3A_162, %dma_start3A_164, %dma_start3A_165] : memref<6x128x8xf32, #tpu.memory_space<vmem>> -> memref<1x128x8xf32, #tpu.memory_space<vmem>>
    %dma_start3A_167 = tpu.memref_squeeze %dma_start3A_166 : memref<1x128x8xf32, #tpu.memory_space<vmem>> -> memref<128x8xf32, #tpu.memory_space<vmem>>
    %dma_start3A_168 = arith.constant 0 : i32
    %dma_start3A_169 = tpu.memref_slice %arg8[%dma_start3A_163, %dma_start3A_168] : memref<84x128xi32, #tpu.memory_space<vmem>> -> memref<1x128xi32, #tpu.memory_space<vmem>>
    %dma_start3A_170 = tpu.memref_squeeze %dma_start3A_169 : memref<1x128xi32, #tpu.memory_space<vmem>> -> memref<128xi32, #tpu.memory_space<vmem>>
    %dma_start3A_171 = arith.constant 0 : i32
    %dma_start3A_172 = arith.constant 0 : i32
    %dma_start3A_173 = tpu.memref_slice %arg10[%dma_start3A_171, %dma_start3A_172] : memref<10240x8xf32, #tpu.memory_space<vmem_shared>> -> memref<10240x8xf32, #tpu.memory_space<vmem_shared>>
    tpu.enqueue_indirect_dma source(%dma_start3A_167 : memref<128x8xf32, #tpu.memory_space<vmem>>) target(%dma_start3A_173 : memref<10240x8xf32, #tpu.memory_space<vmem_shared>>) offsets(%dma_start3A_170 : memref<128xi32, #tpu.memory_space<vmem>>) semaphore(%arg20 : memref<!tpu.dma_semaphore, #tpu.memory_space<semaphore_mem>>) {add = true}
    %dma_wait3A_174 = arith.constant 82 : i32
    %dma_wait3A_175 = arith.constant 4 : i32
    %dma_wait3A_176 = arith.constant 0 : i32
    %dma_wait3A_177 = arith.constant 0 : i32
    %dma_wait3A_178 = tpu.memref_slice %arg9[%dma_wait3A_175, %dma_wait3A_176, %dma_wait3A_177] : memref<6x128x8xf32, #tpu.memory_space<vmem>> -> memref<1x128x8xf32, #tpu.memory_space<vmem>>
    %dma_wait3A_179 = tpu.memref_squeeze %dma_wait3A_178 : memref<1x128x8xf32, #tpu.memory_space<vmem>> -> memref<128x8xf32, #tpu.memory_space<vmem>>
    %dma_wait3A_180 = arith.constant 0 : i32
    %dma_wait3A_181 = tpu.memref_slice %arg7[%dma_wait3A_174, %dma_wait3A_180] : memref<84x128xi32, #tpu.memory_space<vmem>> -> memref<1x128xi32, #tpu.memory_space<vmem>>
    %dma_wait3A_182 = tpu.memref_squeeze %dma_wait3A_181 : memref<1x128xi32, #tpu.memory_space<vmem>> -> memref<128xi32, #tpu.memory_space<vmem>>
    %dma_wait3A_183 = arith.constant 0 : i32
    %dma_wait3A_184 = arith.constant 0 : i32
    %dma_wait3A_185 = tpu.memref_slice %arg2[%dma_wait3A_183, %dma_wait3A_184] : memref<10240x8xf32, #tpu.memory_space<hbm>> -> memref<10240x8xf32, #tpu.memory_space<hbm>>
    tpu.wait_indirect_dma semaphore(%arg15 : memref<!tpu.dma_semaphore, #tpu.memory_space<semaphore_mem>>) src(%dma_wait3A_185 : memref<10240x8xf32, #tpu.memory_space<hbm>>) dst(%dma_wait3A_179 : memref<128x8xf32, #tpu.memory_space<vmem>>)
    %dma_start3A_186 = arith.constant 4 : i32
    %dma_start3A_187 = arith.constant 82 : i32
    %dma_start3A_188 = arith.constant 0 : i32
    %dma_start3A_189 = arith.constant 0 : i32
    %dma_start3A_190 = tpu.memref_slice %arg9[%dma_start3A_186, %dma_start3A_188, %dma_start3A_189] : memref<6x128x8xf32, #tpu.memory_space<vmem>> -> memref<1x128x8xf32, #tpu.memory_space<vmem>>
    %dma_start3A_191 = tpu.memref_squeeze %dma_start3A_190 : memref<1x128x8xf32, #tpu.memory_space<vmem>> -> memref<128x8xf32, #tpu.memory_space<vmem>>
    %dma_start3A_192 = arith.constant 0 : i32
    %dma_start3A_193 = tpu.memref_slice %arg8[%dma_start3A_187, %dma_start3A_192] : memref<84x128xi32, #tpu.memory_space<vmem>> -> memref<1x128xi32, #tpu.memory_space<vmem>>
    %dma_start3A_194 = tpu.memref_squeeze %dma_start3A_193 : memref<1x128xi32, #tpu.memory_space<vmem>> -> memref<128xi32, #tpu.memory_space<vmem>>
    %dma_start3A_195 = arith.constant 0 : i32
    %dma_start3A_196 = arith.constant 0 : i32
    %dma_start3A_197 = tpu.memref_slice %arg10[%dma_start3A_195, %dma_start3A_196] : memref<10240x8xf32, #tpu.memory_space<vmem_shared>> -> memref<10240x8xf32, #tpu.memory_space<vmem_shared>>
    tpu.enqueue_indirect_dma source(%dma_start3A_191 : memref<128x8xf32, #tpu.memory_space<vmem>>) target(%dma_start3A_197 : memref<10240x8xf32, #tpu.memory_space<vmem_shared>>) offsets(%dma_start3A_194 : memref<128xi32, #tpu.memory_space<vmem>>) semaphore(%arg21 : memref<!tpu.dma_semaphore, #tpu.memory_space<semaphore_mem>>) {add = true}
    %dma_wait3A_198 = arith.constant 83 : i32
    %dma_wait3A_199 = arith.constant 5 : i32
    %dma_wait3A_200 = arith.constant 0 : i32
    %dma_wait3A_201 = arith.constant 0 : i32
    %dma_wait3A_202 = tpu.memref_slice %arg9[%dma_wait3A_199, %dma_wait3A_200, %dma_wait3A_201] : memref<6x128x8xf32, #tpu.memory_space<vmem>> -> memref<1x128x8xf32, #tpu.memory_space<vmem>>
    %dma_wait3A_203 = tpu.memref_squeeze %dma_wait3A_202 : memref<1x128x8xf32, #tpu.memory_space<vmem>> -> memref<128x8xf32, #tpu.memory_space<vmem>>
    %dma_wait3A_204 = arith.constant 0 : i32
    %dma_wait3A_205 = tpu.memref_slice %arg7[%dma_wait3A_198, %dma_wait3A_204] : memref<84x128xi32, #tpu.memory_space<vmem>> -> memref<1x128xi32, #tpu.memory_space<vmem>>
    %dma_wait3A_206 = tpu.memref_squeeze %dma_wait3A_205 : memref<1x128xi32, #tpu.memory_space<vmem>> -> memref<128xi32, #tpu.memory_space<vmem>>
    %dma_wait3A_207 = arith.constant 0 : i32
    %dma_wait3A_208 = arith.constant 0 : i32
    %dma_wait3A_209 = tpu.memref_slice %arg2[%dma_wait3A_207, %dma_wait3A_208] : memref<10240x8xf32, #tpu.memory_space<hbm>> -> memref<10240x8xf32, #tpu.memory_space<hbm>>
    tpu.wait_indirect_dma semaphore(%arg16 : memref<!tpu.dma_semaphore, #tpu.memory_space<semaphore_mem>>) src(%dma_wait3A_209 : memref<10240x8xf32, #tpu.memory_space<hbm>>) dst(%dma_wait3A_203 : memref<128x8xf32, #tpu.memory_space<vmem>>)
    %dma_start3A_210 = arith.constant 5 : i32
    %dma_start3A_211 = arith.constant 83 : i32
    %dma_start3A_212 = arith.constant 0 : i32
    %dma_start3A_213 = arith.constant 0 : i32
    %dma_start3A_214 = tpu.memref_slice %arg9[%dma_start3A_210, %dma_start3A_212, %dma_start3A_213] : memref<6x128x8xf32, #tpu.memory_space<vmem>> -> memref<1x128x8xf32, #tpu.memory_space<vmem>>
    %dma_start3A_215 = tpu.memref_squeeze %dma_start3A_214 : memref<1x128x8xf32, #tpu.memory_space<vmem>> -> memref<128x8xf32, #tpu.memory_space<vmem>>
    %dma_start3A_216 = arith.constant 0 : i32
    %dma_start3A_217 = tpu.memref_slice %arg8[%dma_start3A_211, %dma_start3A_216] : memref<84x128xi32, #tpu.memory_space<vmem>> -> memref<1x128xi32, #tpu.memory_space<vmem>>
    %dma_start3A_218 = tpu.memref_squeeze %dma_start3A_217 : memref<1x128xi32, #tpu.memory_space<vmem>> -> memref<128xi32, #tpu.memory_space<vmem>>
    %dma_start3A_219 = arith.constant 0 : i32
    %dma_start3A_220 = arith.constant 0 : i32
    %dma_start3A_221 = tpu.memref_slice %arg10[%dma_start3A_219, %dma_start3A_220] : memref<10240x8xf32, #tpu.memory_space<vmem_shared>> -> memref<10240x8xf32, #tpu.memory_space<vmem_shared>>
    tpu.enqueue_indirect_dma source(%dma_start3A_215 : memref<128x8xf32, #tpu.memory_space<vmem>>) target(%dma_start3A_221 : memref<10240x8xf32, #tpu.memory_space<vmem_shared>>) offsets(%dma_start3A_218 : memref<128xi32, #tpu.memory_space<vmem>>) semaphore(%arg22 : memref<!tpu.dma_semaphore, #tpu.memory_space<semaphore_mem>>) {add = true}
    %dma_wait3A_222 = arith.constant 0 : i32
    %dma_wait3A_223 = arith.constant 78 : i32
    %dma_wait3A_224 = arith.constant 0 : i32
    %dma_wait3A_225 = arith.constant 0 : i32
    %dma_wait3A_226 = tpu.memref_slice %arg9[%dma_wait3A_222, %dma_wait3A_224, %dma_wait3A_225] : memref<6x128x8xf32, #tpu.memory_space<vmem>> -> memref<1x128x8xf32, #tpu.memory_space<vmem>>
    %dma_wait3A_227 = tpu.memref_squeeze %dma_wait3A_226 : memref<1x128x8xf32, #tpu.memory_space<vmem>> -> memref<128x8xf32, #tpu.memory_space<vmem>>
    %dma_wait3A_228 = arith.constant 0 : i32
    %dma_wait3A_229 = tpu.memref_slice %arg8[%dma_wait3A_223, %dma_wait3A_228] : memref<84x128xi32, #tpu.memory_space<vmem>> -> memref<1x128xi32, #tpu.memory_space<vmem>>
    %dma_wait3A_230 = tpu.memref_squeeze %dma_wait3A_229 : memref<1x128xi32, #tpu.memory_space<vmem>> -> memref<128xi32, #tpu.memory_space<vmem>>
    %dma_wait3A_231 = arith.constant 0 : i32
    %dma_wait3A_232 = arith.constant 0 : i32
    %dma_wait3A_233 = tpu.memref_slice %arg10[%dma_wait3A_231, %dma_wait3A_232] : memref<10240x8xf32, #tpu.memory_space<vmem_shared>> -> memref<10240x8xf32, #tpu.memory_space<vmem_shared>>
    tpu.wait_indirect_dma semaphore(%arg17 : memref<!tpu.dma_semaphore, #tpu.memory_space<semaphore_mem>>) src(%dma_wait3A_227 : memref<128x8xf32, #tpu.memory_space<vmem>>) dst(%dma_wait3A_233 : memref<10240x8xf32, #tpu.memory_space<vmem_shared>>)
    %dma_wait3A_234 = arith.constant 1 : i32
    %dma_wait3A_235 = arith.constant 79 : i32
    %dma_wait3A_236 = arith.constant 0 : i32
    %dma_wait3A_237 = arith.constant 0 : i32
    %dma_wait3A_238 = tpu.memref_slice %arg9[%dma_wait3A_234, %dma_wait3A_236, %dma_wait3A_237] : memref<6x128x8xf32, #tpu.memory_space<vmem>> -> memref<1x128x8xf32, #tpu.memory_space<vmem>>
    %dma_wait3A_239 = tpu.memref_squeeze %dma_wait3A_238 : memref<1x128x8xf32, #tpu.memory_space<vmem>> -> memref<128x8xf32, #tpu.memory_space<vmem>>
    %dma_wait3A_240 = arith.constant 0 : i32
    %dma_wait3A_241 = tpu.memref_slice %arg8[%dma_wait3A_235, %dma_wait3A_240] : memref<84x128xi32, #tpu.memory_space<vmem>> -> memref<1x128xi32, #tpu.memory_space<vmem>>
    %dma_wait3A_242 = tpu.memref_squeeze %dma_wait3A_241 : memref<1x128xi32, #tpu.memory_space<vmem>> -> memref<128xi32, #tpu.memory_space<vmem>>
    %dma_wait3A_243 = arith.constant 0 : i32
    %dma_wait3A_244 = arith.constant 0 : i32
    %dma_wait3A_245 = tpu.memref_slice %arg10[%dma_wait3A_243, %dma_wait3A_244] : memref<10240x8xf32, #tpu.memory_space<vmem_shared>> -> memref<10240x8xf32, #tpu.memory_space<vmem_shared>>
    tpu.wait_indirect_dma semaphore(%arg18 : memref<!tpu.dma_semaphore, #tpu.memory_space<semaphore_mem>>) src(%dma_wait3A_239 : memref<128x8xf32, #tpu.memory_space<vmem>>) dst(%dma_wait3A_245 : memref<10240x8xf32, #tpu.memory_space<vmem_shared>>)
    %dma_wait3A_246 = arith.constant 2 : i32
    %dma_wait3A_247 = arith.constant 80 : i32
    %dma_wait3A_248 = arith.constant 0 : i32
    %dma_wait3A_249 = arith.constant 0 : i32
    %dma_wait3A_250 = tpu.memref_slice %arg9[%dma_wait3A_246, %dma_wait3A_248, %dma_wait3A_249] : memref<6x128x8xf32, #tpu.memory_space<vmem>> -> memref<1x128x8xf32, #tpu.memory_space<vmem>>
    %dma_wait3A_251 = tpu.memref_squeeze %dma_wait3A_250 : memref<1x128x8xf32, #tpu.memory_space<vmem>> -> memref<128x8xf32, #tpu.memory_space<vmem>>
    %dma_wait3A_252 = arith.constant 0 : i32
    %dma_wait3A_253 = tpu.memref_slice %arg8[%dma_wait3A_247, %dma_wait3A_252] : memref<84x128xi32, #tpu.memory_space<vmem>> -> memref<1x128xi32, #tpu.memory_space<vmem>>
    %dma_wait3A_254 = tpu.memref_squeeze %dma_wait3A_253 : memref<1x128xi32, #tpu.memory_space<vmem>> -> memref<128xi32, #tpu.memory_space<vmem>>
    %dma_wait3A_255 = arith.constant 0 : i32
    %dma_wait3A_256 = arith.constant 0 : i32
    %dma_wait3A_257 = tpu.memref_slice %arg10[%dma_wait3A_255, %dma_wait3A_256] : memref<10240x8xf32, #tpu.memory_space<vmem_shared>> -> memref<10240x8xf32, #tpu.memory_space<vmem_shared>>
    tpu.wait_indirect_dma semaphore(%arg19 : memref<!tpu.dma_semaphore, #tpu.memory_space<semaphore_mem>>) src(%dma_wait3A_251 : memref<128x8xf32, #tpu.memory_space<vmem>>) dst(%dma_wait3A_257 : memref<10240x8xf32, #tpu.memory_space<vmem_shared>>)
    %dma_wait3A_258 = arith.constant 3 : i32
    %dma_wait3A_259 = arith.constant 81 : i32
    %dma_wait3A_260 = arith.constant 0 : i32
    %dma_wait3A_261 = arith.constant 0 : i32
    %dma_wait3A_262 = tpu.memref_slice %arg9[%dma_wait3A_258, %dma_wait3A_260, %dma_wait3A_261] : memref<6x128x8xf32, #tpu.memory_space<vmem>> -> memref<1x128x8xf32, #tpu.memory_space<vmem>>
    %dma_wait3A_263 = tpu.memref_squeeze %dma_wait3A_262 : memref<1x128x8xf32, #tpu.memory_space<vmem>> -> memref<128x8xf32, #tpu.memory_space<vmem>>
    %dma_wait3A_264 = arith.constant 0 : i32
    %dma_wait3A_265 = tpu.memref_slice %arg8[%dma_wait3A_259, %dma_wait3A_264] : memref<84x128xi32, #tpu.memory_space<vmem>> -> memref<1x128xi32, #tpu.memory_space<vmem>>
    %dma_wait3A_266 = tpu.memref_squeeze %dma_wait3A_265 : memref<1x128xi32, #tpu.memory_space<vmem>> -> memref<128xi32, #tpu.memory_space<vmem>>
    %dma_wait3A_267 = arith.constant 0 : i32
    %dma_wait3A_268 = arith.constant 0 : i32
    %dma_wait3A_269 = tpu.memref_slice %arg10[%dma_wait3A_267, %dma_wait3A_268] : memref<10240x8xf32, #tpu.memory_space<vmem_shared>> -> memref<10240x8xf32, #tpu.memory_space<vmem_shared>>
    tpu.wait_indirect_dma semaphore(%arg20 : memref<!tpu.dma_semaphore, #tpu.memory_space<semaphore_mem>>) src(%dma_wait3A_263 : memref<128x8xf32, #tpu.memory_space<vmem>>) dst(%dma_wait3A_269 : memref<10240x8xf32, #tpu.memory_space<vmem_shared>>)
    %dma_wait3A_270 = arith.constant 4 : i32
    %dma_wait3A_271 = arith.constant 82 : i32
    %dma_wait3A_272 = arith.constant 0 : i32
    %dma_wait3A_273 = arith.constant 0 : i32
    %dma_wait3A_274 = tpu.memref_slice %arg9[%dma_wait3A_270, %dma_wait3A_272, %dma_wait3A_273] : memref<6x128x8xf32, #tpu.memory_space<vmem>> -> memref<1x128x8xf32, #tpu.memory_space<vmem>>
    %dma_wait3A_275 = tpu.memref_squeeze %dma_wait3A_274 : memref<1x128x8xf32, #tpu.memory_space<vmem>> -> memref<128x8xf32, #tpu.memory_space<vmem>>
    %dma_wait3A_276 = arith.constant 0 : i32
    %dma_wait3A_277 = tpu.memref_slice %arg8[%dma_wait3A_271, %dma_wait3A_276] : memref<84x128xi32, #tpu.memory_space<vmem>> -> memref<1x128xi32, #tpu.memory_space<vmem>>
    %dma_wait3A_278 = tpu.memref_squeeze %dma_wait3A_277 : memref<1x128xi32, #tpu.memory_space<vmem>> -> memref<128xi32, #tpu.memory_space<vmem>>
    %dma_wait3A_279 = arith.constant 0 : i32
    %dma_wait3A_280 = arith.constant 0 : i32
    %dma_wait3A_281 = tpu.memref_slice %arg10[%dma_wait3A_279, %dma_wait3A_280] : memref<10240x8xf32, #tpu.memory_space<vmem_shared>> -> memref<10240x8xf32, #tpu.memory_space<vmem_shared>>
    tpu.wait_indirect_dma semaphore(%arg21 : memref<!tpu.dma_semaphore, #tpu.memory_space<semaphore_mem>>) src(%dma_wait3A_275 : memref<128x8xf32, #tpu.memory_space<vmem>>) dst(%dma_wait3A_281 : memref<10240x8xf32, #tpu.memory_space<vmem_shared>>)
    %dma_wait3A_282 = arith.constant 5 : i32
    %dma_wait3A_283 = arith.constant 83 : i32
    %dma_wait3A_284 = arith.constant 0 : i32
    %dma_wait3A_285 = arith.constant 0 : i32
    %dma_wait3A_286 = tpu.memref_slice %arg9[%dma_wait3A_282, %dma_wait3A_284, %dma_wait3A_285] : memref<6x128x8xf32, #tpu.memory_space<vmem>> -> memref<1x128x8xf32, #tpu.memory_space<vmem>>
    %dma_wait3A_287 = tpu.memref_squeeze %dma_wait3A_286 : memref<1x128x8xf32, #tpu.memory_space<vmem>> -> memref<128x8xf32, #tpu.memory_space<vmem>>
    %dma_wait3A_288 = arith.constant 0 : i32
    %dma_wait3A_289 = tpu.memref_slice %arg8[%dma_wait3A_283, %dma_wait3A_288] : memref<84x128xi32, #tpu.memory_space<vmem>> -> memref<1x128xi32, #tpu.memory_space<vmem>>
    %dma_wait3A_290 = tpu.memref_squeeze %dma_wait3A_289 : memref<1x128xi32, #tpu.memory_space<vmem>> -> memref<128xi32, #tpu.memory_space<vmem>>
    %dma_wait3A_291 = arith.constant 0 : i32
    %dma_wait3A_292 = arith.constant 0 : i32
    %dma_wait3A_293 = tpu.memref_slice %arg10[%dma_wait3A_291, %dma_wait3A_292] : memref<10240x8xf32, #tpu.memory_space<vmem_shared>> -> memref<10240x8xf32, #tpu.memory_space<vmem_shared>>
    tpu.wait_indirect_dma semaphore(%arg22 : memref<!tpu.dma_semaphore, #tpu.memory_space<semaphore_mem>>) src(%dma_wait3A_287 : memref<128x8xf32, #tpu.memory_space<vmem>>) dst(%dma_wait3A_293 : memref<10240x8xf32, #tpu.memory_space<vmem_shared>>)
    %barrier3A_294 = arith.constant 0 : index
    tpu.barrier barrier_id(%barrier3A_294)
    "tpu.region"() ({
      %run_scoped3A = tpu.sem_alloc : memref<!tpu.dma_semaphore, #tpu.memory_space<semaphore_mem>>
      %dma_start3A_295 = arith.constant 0 : i32
      %dma_start3A_296 = tpu.memref_slice %arg6[%arg0, %mul3A_2, %dma_start3A_295] : memref<2x10240x8xf32, #tpu.memory_space<hbm>> -> memref<1x640x8xf32, #tpu.memory_space<hbm>>
      %dma_start3A_297 = tpu.memref_squeeze %dma_start3A_296 : memref<1x640x8xf32, #tpu.memory_space<hbm>> -> memref<640x8xf32, #tpu.memory_space<hbm>>
      %dma_start3A_298 = arith.constant 0 : i32
      %dma_start3A_299 = tpu.memref_slice %arg10[%mul3A_2, %dma_start3A_298] : memref<10240x8xf32, #tpu.memory_space<vmem_shared>> -> memref<640x8xf32, #tpu.memory_space<vmem_shared>>
      tpu.enqueue_dma source(%dma_start3A_299 : memref<640x8xf32, #tpu.memory_space<vmem_shared>>) target(%dma_start3A_297 : memref<640x8xf32, #tpu.memory_space<hbm>>) target_semaphore(%run_scoped3A : memref<!tpu.dma_semaphore, #tpu.memory_space<semaphore_mem>>)
      %dma_wait3A_300 = arith.constant 0 : i32
      %dma_wait3A_301 = tpu.memref_slice %arg6[%arg0, %mul3A_2, %dma_wait3A_300] : memref<2x10240x8xf32, #tpu.memory_space<hbm>> -> memref<1x640x8xf32, #tpu.memory_space<hbm>>
      %dma_wait3A_302 = tpu.memref_squeeze %dma_wait3A_301 : memref<1x640x8xf32, #tpu.memory_space<hbm>> -> memref<640x8xf32, #tpu.memory_space<hbm>>
      %dma_wait3A_303 = arith.constant 0 : i32
      %dma_wait3A_304 = tpu.memref_slice %arg10[%mul3A_2, %dma_wait3A_303] : memref<10240x8xf32, #tpu.memory_space<vmem_shared>> -> memref<640x8xf32, #tpu.memory_space<vmem_shared>>
      tpu.wait_dma2 semaphore(%run_scoped3A : memref<!tpu.dma_semaphore, #tpu.memory_space<semaphore_mem>>) src(%dma_wait3A_304 : memref<640x8xf32, #tpu.memory_space<vmem_shared>>) dst(%dma_wait3A_302 : memref<640x8xf32, #tpu.memory_space<hbm>>)
      tpu.yield
    }) : () -> ()
    return
  }
}

#map = affine_map<(d0, d1) -> (0, 0)>
#map1 = affine_map<(d0, d1) -> (0, 0, 0)>
module attributes {stable_mosaic.version = 14 : i64} {
  func.func @agg(%arg0: i32, %arg1: i32, %arg2: memref<10240x64xf32, #tpu.memory_space<hbm>>, %arg3: memref<32x84x128xi32, #tpu.memory_space<hbm>>, %arg4: memref<32x84x128xi32, #tpu.memory_space<hbm>>, %arg5: memref<10240x64xf32, #tpu.memory_space<hbm>>, %arg6: memref<2x10240x64xf32, #tpu.memory_space<hbm>>, %arg7: memref<84x128xi32, #tpu.memory_space<vmem>>, %arg8: memref<84x128xi32, #tpu.memory_space<vmem>>, %arg9: memref<6x128x64xf32, #tpu.memory_space<vmem>>, %arg10: memref<10240x64xf32, #tpu.memory_space<vmem_shared>>, %arg11: memref<!tpu.dma_semaphore, #tpu.memory_space<semaphore_mem>>, %arg12: memref<!tpu.dma_semaphore, #tpu.memory_space<semaphore_mem>>, %arg13: memref<!tpu.dma_semaphore, #tpu.memory_space<semaphore_mem>>, %arg14: memref<!tpu.dma_semaphore, #tpu.memory_space<semaphore_mem>>, %arg15: memref<!tpu.dma_semaphore, #tpu.memory_space<semaphore_mem>>, %arg16: memref<!tpu.dma_semaphore, #tpu.memory_space<semaphore_mem>>, %arg17: memref<!tpu.dma_semaphore, #tpu.memory_space<semaphore_mem>>, %arg18: memref<!tpu.dma_semaphore, #tpu.memory_space<semaphore_mem>>, %arg19: memref<!tpu.dma_semaphore, #tpu.memory_space<semaphore_mem>>, %arg20: memref<!tpu.dma_semaphore, #tpu.memory_space<semaphore_mem>>, %arg21: memref<!tpu.dma_semaphore, #tpu.memory_space<semaphore_mem>>, %arg22: memref<!tpu.dma_semaphore, #tpu.memory_space<semaphore_mem>>) attributes {dimension_semantics = [#tpu.dimension_semantics<core_parallel>, #tpu.dimension_semantics<subcore_parallel>], iteration_bounds = array<i64: 2, 16>, scalar_prefetch = 0 : i64, scratch_operands = 16 : i64, tpu.core_type = #tpu.core_type<sc_vector_subcore>, window_params = [{transform_indices = #map}, {transform_indices = #map1}, {transform_indices = #map1}, {transform_indices = #map}, {transform_indices = #map1}]} {
    %mul3A = arith.constant 16 : i32
    %mul3A_0 = arith.muli %arg0, %mul3A : i32
    %add3A = arith.addi %mul3A_0, %arg1 : i32
    %mul3A_1 = arith.constant 640 : i32
    %mul3A_2 = arith.muli %arg1, %mul3A_1 : i32
    "tpu.region"() ({
      %run_scoped3A = tpu.sem_alloc : memref<!tpu.dma_semaphore, #tpu.memory_space<semaphore_mem>>
      %dma_start3A_295 = arith.constant 0 : i32
      %dma_start3A_296 = tpu.memref_slice %arg10[%mul3A_2, %dma_start3A_295] : memref<10240x64xf32, #tpu.memory_space<vmem_shared>> -> memref<640x64xf32, #tpu.memory_space<vmem_shared>>
      %dma_start3A_297 = arith.constant 0 : i32
      %dma_start3A_298 = tpu.memref_slice %arg5[%mul3A_2, %dma_start3A_297] : memref<10240x64xf32, #tpu.memory_space<hbm>> -> memref<640x64xf32, #tpu.memory_space<hbm>>
      tpu.enqueue_dma source(%dma_start3A_298 : memref<640x64xf32, #tpu.memory_space<hbm>>) target(%dma_start3A_296 : memref<640x64xf32, #tpu.memory_space<vmem_shared>>) target_semaphore(%run_scoped3A : memref<!tpu.dma_semaphore, #tpu.memory_space<semaphore_mem>>)
      %dma_wait3A_299 = arith.constant 0 : i32
      %dma_wait3A_300 = tpu.memref_slice %arg10[%mul3A_2, %dma_wait3A_299] : memref<10240x64xf32, #tpu.memory_space<vmem_shared>> -> memref<640x64xf32, #tpu.memory_space<vmem_shared>>
      %dma_wait3A_301 = arith.constant 0 : i32
      %dma_wait3A_302 = tpu.memref_slice %arg5[%mul3A_2, %dma_wait3A_301] : memref<10240x64xf32, #tpu.memory_space<hbm>> -> memref<640x64xf32, #tpu.memory_space<hbm>>
      tpu.wait_dma2 semaphore(%run_scoped3A : memref<!tpu.dma_semaphore, #tpu.memory_space<semaphore_mem>>) src(%dma_wait3A_302 : memref<640x64xf32, #tpu.memory_space<hbm>>) dst(%dma_wait3A_300 : memref<640x64xf32, #tpu.memory_space<vmem_shared>>)
      tpu.yield
    }) : () -> ()
    "tpu.region"() ({
      %run_scoped3A = tpu.sem_alloc : memref<!tpu.dma_semaphore, #tpu.memory_space<semaphore_mem>>
      %dma_start3A_295 = arith.constant 0 : i32
      %dma_start3A_296 = arith.constant 0 : i32
      %dma_start3A_297 = tpu.memref_slice %arg3[%add3A, %dma_start3A_295, %dma_start3A_296] : memref<32x84x128xi32, #tpu.memory_space<hbm>> -> memref<1x84x128xi32, #tpu.memory_space<hbm>>
      %dma_start3A_298 = tpu.memref_squeeze %dma_start3A_297 : memref<1x84x128xi32, #tpu.memory_space<hbm>> -> memref<84x128xi32, #tpu.memory_space<hbm>>
      %dma_start3A_299 = arith.constant 0 : i32
      %dma_start3A_300 = arith.constant 0 : i32
      %dma_start3A_301 = tpu.memref_slice %arg3[%add3A, %dma_start3A_299, %dma_start3A_300] : memref<32x84x128xi32, #tpu.memory_space<hbm>> -> memref<1x84x128xi32, #tpu.memory_space<hbm>>
      %dma_start3A_302 = tpu.memref_squeeze %dma_start3A_301 : memref<1x84x128xi32, #tpu.memory_space<hbm>> -> memref<84x128xi32, #tpu.memory_space<hbm>>
      tpu.enqueue_dma source(%dma_start3A_302 : memref<84x128xi32, #tpu.memory_space<hbm>>) target(%arg7 : memref<84x128xi32, #tpu.memory_space<vmem>>) target_semaphore(%run_scoped3A : memref<!tpu.dma_semaphore, #tpu.memory_space<semaphore_mem>>)
      %dma_wait3A_303 = arith.constant 0 : i32
      %dma_wait3A_304 = arith.constant 0 : i32
      %dma_wait3A_305 = tpu.memref_slice %arg3[%add3A, %dma_wait3A_303, %dma_wait3A_304] : memref<32x84x128xi32, #tpu.memory_space<hbm>> -> memref<1x84x128xi32, #tpu.memory_space<hbm>>
      %dma_wait3A_306 = tpu.memref_squeeze %dma_wait3A_305 : memref<1x84x128xi32, #tpu.memory_space<hbm>> -> memref<84x128xi32, #tpu.memory_space<hbm>>
      %dma_wait3A_307 = arith.constant 0 : i32
      %dma_wait3A_308 = arith.constant 0 : i32
      %dma_wait3A_309 = tpu.memref_slice %arg3[%add3A, %dma_wait3A_307, %dma_wait3A_308] : memref<32x84x128xi32, #tpu.memory_space<hbm>> -> memref<1x84x128xi32, #tpu.memory_space<hbm>>
      %dma_wait3A_310 = tpu.memref_squeeze %dma_wait3A_309 : memref<1x84x128xi32, #tpu.memory_space<hbm>> -> memref<84x128xi32, #tpu.memory_space<hbm>>
      tpu.wait_dma2 semaphore(%run_scoped3A : memref<!tpu.dma_semaphore, #tpu.memory_space<semaphore_mem>>) src(%dma_wait3A_310 : memref<84x128xi32, #tpu.memory_space<hbm>>) dst(%arg7 : memref<84x128xi32, #tpu.memory_space<vmem>>)
      tpu.yield
    }) : () -> ()
    "tpu.region"() ({
      %run_scoped3A = tpu.sem_alloc : memref<!tpu.dma_semaphore, #tpu.memory_space<semaphore_mem>>
      %dma_start3A_295 = arith.constant 0 : i32
      %dma_start3A_296 = arith.constant 0 : i32
      %dma_start3A_297 = tpu.memref_slice %arg4[%add3A, %dma_start3A_295, %dma_start3A_296] : memref<32x84x128xi32, #tpu.memory_space<hbm>> -> memref<1x84x128xi32, #tpu.memory_space<hbm>>
      %dma_start3A_298 = tpu.memref_squeeze %dma_start3A_297 : memref<1x84x128xi32, #tpu.memory_space<hbm>> -> memref<84x128xi32, #tpu.memory_space<hbm>>
      %dma_start3A_299 = arith.constant 0 : i32
      %dma_start3A_300 = arith.constant 0 : i32
      %dma_start3A_301 = tpu.memref_slice %arg4[%add3A, %dma_start3A_299, %dma_start3A_300] : memref<32x84x128xi32, #tpu.memory_space<hbm>> -> memref<1x84x128xi32, #tpu.memory_space<hbm>>
      %dma_start3A_302 = tpu.memref_squeeze %dma_start3A_301 : memref<1x84x128xi32, #tpu.memory_space<hbm>> -> memref<84x128xi32, #tpu.memory_space<hbm>>
      tpu.enqueue_dma source(%dma_start3A_302 : memref<84x128xi32, #tpu.memory_space<hbm>>) target(%arg8 : memref<84x128xi32, #tpu.memory_space<vmem>>) target_semaphore(%run_scoped3A : memref<!tpu.dma_semaphore, #tpu.memory_space<semaphore_mem>>)
      %dma_wait3A_303 = arith.constant 0 : i32
      %dma_wait3A_304 = arith.constant 0 : i32
      %dma_wait3A_305 = tpu.memref_slice %arg4[%add3A, %dma_wait3A_303, %dma_wait3A_304] : memref<32x84x128xi32, #tpu.memory_space<hbm>> -> memref<1x84x128xi32, #tpu.memory_space<hbm>>
      %dma_wait3A_306 = tpu.memref_squeeze %dma_wait3A_305 : memref<1x84x128xi32, #tpu.memory_space<hbm>> -> memref<84x128xi32, #tpu.memory_space<hbm>>
      %dma_wait3A_307 = arith.constant 0 : i32
      %dma_wait3A_308 = arith.constant 0 : i32
      %dma_wait3A_309 = tpu.memref_slice %arg4[%add3A, %dma_wait3A_307, %dma_wait3A_308] : memref<32x84x128xi32, #tpu.memory_space<hbm>> -> memref<1x84x128xi32, #tpu.memory_space<hbm>>
      %dma_wait3A_310 = tpu.memref_squeeze %dma_wait3A_309 : memref<1x84x128xi32, #tpu.memory_space<hbm>> -> memref<84x128xi32, #tpu.memory_space<hbm>>
      tpu.wait_dma2 semaphore(%run_scoped3A : memref<!tpu.dma_semaphore, #tpu.memory_space<semaphore_mem>>) src(%dma_wait3A_310 : memref<84x128xi32, #tpu.memory_space<hbm>>) dst(%arg8 : memref<84x128xi32, #tpu.memory_space<vmem>>)
      tpu.yield
    }) : () -> ()
    %barrier3A = arith.constant 0 : index
    tpu.barrier barrier_id(%barrier3A)
    %dma_start3A = arith.constant 0 : i32
    %dma_start3A_3 = arith.constant 0 : i32
    %dma_start3A_4 = arith.constant 0 : i32
    %dma_start3A_5 = arith.constant 0 : i32
    %dma_start3A_6 = tpu.memref_slice %arg9[%dma_start3A_3, %dma_start3A_4, %dma_start3A_5] : memref<6x128x64xf32, #tpu.memory_space<vmem>> -> memref<1x128x64xf32, #tpu.memory_space<vmem>>
    %dma_start3A_7 = tpu.memref_squeeze %dma_start3A_6 : memref<1x128x64xf32, #tpu.memory_space<vmem>> -> memref<128x64xf32, #tpu.memory_space<vmem>>
    %dma_start3A_8 = arith.constant 0 : i32
    %dma_start3A_9 = tpu.memref_slice %arg7[%dma_start3A, %dma_start3A_8] : memref<84x128xi32, #tpu.memory_space<vmem>> -> memref<1x128xi32, #tpu.memory_space<vmem>>
    %dma_start3A_10 = tpu.memref_squeeze %dma_start3A_9 : memref<1x128xi32, #tpu.memory_space<vmem>> -> memref<128xi32, #tpu.memory_space<vmem>>
    %dma_start3A_11 = arith.constant 0 : i32
    %dma_start3A_12 = arith.constant 0 : i32
    %dma_start3A_13 = tpu.memref_slice %arg2[%dma_start3A_11, %dma_start3A_12] : memref<10240x64xf32, #tpu.memory_space<hbm>> -> memref<10240x64xf32, #tpu.memory_space<hbm>>
    tpu.enqueue_indirect_dma source(%dma_start3A_13 : memref<10240x64xf32, #tpu.memory_space<hbm>>) target(%dma_start3A_7 : memref<128x64xf32, #tpu.memory_space<vmem>>) offsets(%dma_start3A_10 : memref<128xi32, #tpu.memory_space<vmem>>) semaphore(%arg11 : memref<!tpu.dma_semaphore, #tpu.memory_space<semaphore_mem>>)
    %dma_start3A_14 = arith.constant 1 : i32
    %dma_start3A_15 = arith.constant 1 : i32
    %dma_start3A_16 = arith.constant 0 : i32
    %dma_start3A_17 = arith.constant 0 : i32
    %dma_start3A_18 = tpu.memref_slice %arg9[%dma_start3A_15, %dma_start3A_16, %dma_start3A_17] : memref<6x128x64xf32, #tpu.memory_space<vmem>> -> memref<1x128x64xf32, #tpu.memory_space<vmem>>
    %dma_start3A_19 = tpu.memref_squeeze %dma_start3A_18 : memref<1x128x64xf32, #tpu.memory_space<vmem>> -> memref<128x64xf32, #tpu.memory_space<vmem>>
    %dma_start3A_20 = arith.constant 0 : i32
    %dma_start3A_21 = tpu.memref_slice %arg7[%dma_start3A_14, %dma_start3A_20] : memref<84x128xi32, #tpu.memory_space<vmem>> -> memref<1x128xi32, #tpu.memory_space<vmem>>
    %dma_start3A_22 = tpu.memref_squeeze %dma_start3A_21 : memref<1x128xi32, #tpu.memory_space<vmem>> -> memref<128xi32, #tpu.memory_space<vmem>>
    %dma_start3A_23 = arith.constant 0 : i32
    %dma_start3A_24 = arith.constant 0 : i32
    %dma_start3A_25 = tpu.memref_slice %arg2[%dma_start3A_23, %dma_start3A_24] : memref<10240x64xf32, #tpu.memory_space<hbm>> -> memref<10240x64xf32, #tpu.memory_space<hbm>>
    tpu.enqueue_indirect_dma source(%dma_start3A_25 : memref<10240x64xf32, #tpu.memory_space<hbm>>) target(%dma_start3A_19 : memref<128x64xf32, #tpu.memory_space<vmem>>) offsets(%dma_start3A_22 : memref<128xi32, #tpu.memory_space<vmem>>) semaphore(%arg12 : memref<!tpu.dma_semaphore, #tpu.memory_space<semaphore_mem>>)
    %dma_start3A_26 = arith.constant 2 : i32
    %dma_start3A_27 = arith.constant 2 : i32
    %dma_start3A_28 = arith.constant 0 : i32
    %dma_start3A_29 = arith.constant 0 : i32
    %dma_start3A_30 = tpu.memref_slice %arg9[%dma_start3A_27, %dma_start3A_28, %dma_start3A_29] : memref<6x128x64xf32, #tpu.memory_space<vmem>> -> memref<1x128x64xf32, #tpu.memory_space<vmem>>
    %dma_start3A_31 = tpu.memref_squeeze %dma_start3A_30 : memref<1x128x64xf32, #tpu.memory_space<vmem>> -> memref<128x64xf32, #tpu.memory_space<vmem>>
    %dma_start3A_32 = arith.constant 0 : i32
    %dma_start3A_33 = tpu.memref_slice %arg7[%dma_start3A_26, %dma_start3A_32] : memref<84x128xi32, #tpu.memory_space<vmem>> -> memref<1x128xi32, #tpu.memory_space<vmem>>
    %dma_start3A_34 = tpu.memref_squeeze %dma_start3A_33 : memref<1x128xi32, #tpu.memory_space<vmem>> -> memref<128xi32, #tpu.memory_space<vmem>>
    %dma_start3A_35 = arith.constant 0 : i32
    %dma_start3A_36 = arith.constant 0 : i32
    %dma_start3A_37 = tpu.memref_slice %arg2[%dma_start3A_35, %dma_start3A_36] : memref<10240x64xf32, #tpu.memory_space<hbm>> -> memref<10240x64xf32, #tpu.memory_space<hbm>>
    tpu.enqueue_indirect_dma source(%dma_start3A_37 : memref<10240x64xf32, #tpu.memory_space<hbm>>) target(%dma_start3A_31 : memref<128x64xf32, #tpu.memory_space<vmem>>) offsets(%dma_start3A_34 : memref<128xi32, #tpu.memory_space<vmem>>) semaphore(%arg13 : memref<!tpu.dma_semaphore, #tpu.memory_space<semaphore_mem>>)
    %dma_start3A_38 = arith.constant 3 : i32
    %dma_start3A_39 = arith.constant 3 : i32
    %dma_start3A_40 = arith.constant 0 : i32
    %dma_start3A_41 = arith.constant 0 : i32
    %dma_start3A_42 = tpu.memref_slice %arg9[%dma_start3A_39, %dma_start3A_40, %dma_start3A_41] : memref<6x128x64xf32, #tpu.memory_space<vmem>> -> memref<1x128x64xf32, #tpu.memory_space<vmem>>
    %dma_start3A_43 = tpu.memref_squeeze %dma_start3A_42 : memref<1x128x64xf32, #tpu.memory_space<vmem>> -> memref<128x64xf32, #tpu.memory_space<vmem>>
    %dma_start3A_44 = arith.constant 0 : i32
    %dma_start3A_45 = tpu.memref_slice %arg7[%dma_start3A_38, %dma_start3A_44] : memref<84x128xi32, #tpu.memory_space<vmem>> -> memref<1x128xi32, #tpu.memory_space<vmem>>
    %dma_start3A_46 = tpu.memref_squeeze %dma_start3A_45 : memref<1x128xi32, #tpu.memory_space<vmem>> -> memref<128xi32, #tpu.memory_space<vmem>>
    %dma_start3A_47 = arith.constant 0 : i32
    %dma_start3A_48 = arith.constant 0 : i32
    %dma_start3A_49 = tpu.memref_slice %arg2[%dma_start3A_47, %dma_start3A_48] : memref<10240x64xf32, #tpu.memory_space<hbm>> -> memref<10240x64xf32, #tpu.memory_space<hbm>>
    tpu.enqueue_indirect_dma source(%dma_start3A_49 : memref<10240x64xf32, #tpu.memory_space<hbm>>) target(%dma_start3A_43 : memref<128x64xf32, #tpu.memory_space<vmem>>) offsets(%dma_start3A_46 : memref<128xi32, #tpu.memory_space<vmem>>) semaphore(%arg14 : memref<!tpu.dma_semaphore, #tpu.memory_space<semaphore_mem>>)
    %dma_start3A_50 = arith.constant 4 : i32
    %dma_start3A_51 = arith.constant 4 : i32
    %dma_start3A_52 = arith.constant 0 : i32
    %dma_start3A_53 = arith.constant 0 : i32
    %dma_start3A_54 = tpu.memref_slice %arg9[%dma_start3A_51, %dma_start3A_52, %dma_start3A_53] : memref<6x128x64xf32, #tpu.memory_space<vmem>> -> memref<1x128x64xf32, #tpu.memory_space<vmem>>
    %dma_start3A_55 = tpu.memref_squeeze %dma_start3A_54 : memref<1x128x64xf32, #tpu.memory_space<vmem>> -> memref<128x64xf32, #tpu.memory_space<vmem>>
    %dma_start3A_56 = arith.constant 0 : i32
    %dma_start3A_57 = tpu.memref_slice %arg7[%dma_start3A_50, %dma_start3A_56] : memref<84x128xi32, #tpu.memory_space<vmem>> -> memref<1x128xi32, #tpu.memory_space<vmem>>
    %dma_start3A_58 = tpu.memref_squeeze %dma_start3A_57 : memref<1x128xi32, #tpu.memory_space<vmem>> -> memref<128xi32, #tpu.memory_space<vmem>>
    %dma_start3A_59 = arith.constant 0 : i32
    %dma_start3A_60 = arith.constant 0 : i32
    %dma_start3A_61 = tpu.memref_slice %arg2[%dma_start3A_59, %dma_start3A_60] : memref<10240x64xf32, #tpu.memory_space<hbm>> -> memref<10240x64xf32, #tpu.memory_space<hbm>>
    tpu.enqueue_indirect_dma source(%dma_start3A_61 : memref<10240x64xf32, #tpu.memory_space<hbm>>) target(%dma_start3A_55 : memref<128x64xf32, #tpu.memory_space<vmem>>) offsets(%dma_start3A_58 : memref<128xi32, #tpu.memory_space<vmem>>) semaphore(%arg15 : memref<!tpu.dma_semaphore, #tpu.memory_space<semaphore_mem>>)
    %dma_start3A_62 = arith.constant 5 : i32
    %dma_start3A_63 = arith.constant 5 : i32
    %dma_start3A_64 = arith.constant 0 : i32
    %dma_start3A_65 = arith.constant 0 : i32
    %dma_start3A_66 = tpu.memref_slice %arg9[%dma_start3A_63, %dma_start3A_64, %dma_start3A_65] : memref<6x128x64xf32, #tpu.memory_space<vmem>> -> memref<1x128x64xf32, #tpu.memory_space<vmem>>
    %dma_start3A_67 = tpu.memref_squeeze %dma_start3A_66 : memref<1x128x64xf32, #tpu.memory_space<vmem>> -> memref<128x64xf32, #tpu.memory_space<vmem>>
    %dma_start3A_68 = arith.constant 0 : i32
    %dma_start3A_69 = tpu.memref_slice %arg7[%dma_start3A_62, %dma_start3A_68] : memref<84x128xi32, #tpu.memory_space<vmem>> -> memref<1x128xi32, #tpu.memory_space<vmem>>
    %dma_start3A_70 = tpu.memref_squeeze %dma_start3A_69 : memref<1x128xi32, #tpu.memory_space<vmem>> -> memref<128xi32, #tpu.memory_space<vmem>>
    %dma_start3A_71 = arith.constant 0 : i32
    %dma_start3A_72 = arith.constant 0 : i32
    %dma_start3A_73 = tpu.memref_slice %arg2[%dma_start3A_71, %dma_start3A_72] : memref<10240x64xf32, #tpu.memory_space<hbm>> -> memref<10240x64xf32, #tpu.memory_space<hbm>>
    tpu.enqueue_indirect_dma source(%dma_start3A_73 : memref<10240x64xf32, #tpu.memory_space<hbm>>) target(%dma_start3A_67 : memref<128x64xf32, #tpu.memory_space<vmem>>) offsets(%dma_start3A_70 : memref<128xi32, #tpu.memory_space<vmem>>) semaphore(%arg16 : memref<!tpu.dma_semaphore, #tpu.memory_space<semaphore_mem>>)
    %scan3A = arith.constant 0 : i32
    %scan3A_74 = arith.constant 0 : i32
    %scan3A_75 = arith.constant 13 : i32
    %scan3A_76 = arith.addi %scan3A_74, %scan3A_75 : i32
    %scan3A_77 = arith.constant 1 : i32
    scf.for %scan3A_295 = %scan3A_74 to %scan3A_76 step %scan3A_77  : i32 {
      %mul3A_296 = arith.constant 6 : i32
      %mul3A_297 = arith.muli %mul3A_296, %scan3A_295 : i32
      %add3A_298 = arith.constant 0 : i32
      %add3A_299 = arith.addi %mul3A_297, %add3A_298 : i32
      %dma_wait3A_300 = arith.constant 0 : i32
      %dma_wait3A_301 = arith.constant 0 : i32
      %dma_wait3A_302 = arith.constant 0 : i32
      %dma_wait3A_303 = tpu.memref_slice %arg9[%dma_wait3A_300, %dma_wait3A_301, %dma_wait3A_302] : memref<6x128x64xf32, #tpu.memory_space<vmem>> -> memref<1x128x64xf32, #tpu.memory_space<vmem>>
      %dma_wait3A_304 = tpu.memref_squeeze %dma_wait3A_303 : memref<1x128x64xf32, #tpu.memory_space<vmem>> -> memref<128x64xf32, #tpu.memory_space<vmem>>
      %dma_wait3A_305 = arith.constant 0 : i32
      %dma_wait3A_306 = tpu.memref_slice %arg7[%add3A_299, %dma_wait3A_305] : memref<84x128xi32, #tpu.memory_space<vmem>> -> memref<1x128xi32, #tpu.memory_space<vmem>>
      %dma_wait3A_307 = tpu.memref_squeeze %dma_wait3A_306 : memref<1x128xi32, #tpu.memory_space<vmem>> -> memref<128xi32, #tpu.memory_space<vmem>>
      %dma_wait3A_308 = arith.constant 0 : i32
      %dma_wait3A_309 = arith.constant 0 : i32
      %dma_wait3A_310 = tpu.memref_slice %arg2[%dma_wait3A_308, %dma_wait3A_309] : memref<10240x64xf32, #tpu.memory_space<hbm>> -> memref<10240x64xf32, #tpu.memory_space<hbm>>
      tpu.wait_indirect_dma semaphore(%arg11 : memref<!tpu.dma_semaphore, #tpu.memory_space<semaphore_mem>>) src(%dma_wait3A_310 : memref<10240x64xf32, #tpu.memory_space<hbm>>) dst(%dma_wait3A_304 : memref<128x64xf32, #tpu.memory_space<vmem>>)
      %add3A_311 = arith.constant 0 : i32
      %add3A_312 = arith.addi %mul3A_297, %add3A_311 : i32
      %dma_start3A_313 = arith.constant 0 : i32
      %dma_start3A_314 = arith.constant 0 : i32
      %dma_start3A_315 = arith.constant 0 : i32
      %dma_start3A_316 = tpu.memref_slice %arg9[%dma_start3A_313, %dma_start3A_314, %dma_start3A_315] : memref<6x128x64xf32, #tpu.memory_space<vmem>> -> memref<1x128x64xf32, #tpu.memory_space<vmem>>
      %dma_start3A_317 = tpu.memref_squeeze %dma_start3A_316 : memref<1x128x64xf32, #tpu.memory_space<vmem>> -> memref<128x64xf32, #tpu.memory_space<vmem>>
      %dma_start3A_318 = arith.constant 0 : i32
      %dma_start3A_319 = tpu.memref_slice %arg8[%add3A_312, %dma_start3A_318] : memref<84x128xi32, #tpu.memory_space<vmem>> -> memref<1x128xi32, #tpu.memory_space<vmem>>
      %dma_start3A_320 = tpu.memref_squeeze %dma_start3A_319 : memref<1x128xi32, #tpu.memory_space<vmem>> -> memref<128xi32, #tpu.memory_space<vmem>>
      %dma_start3A_321 = arith.constant 0 : i32
      %dma_start3A_322 = arith.constant 0 : i32
      %dma_start3A_323 = tpu.memref_slice %arg10[%dma_start3A_321, %dma_start3A_322] : memref<10240x64xf32, #tpu.memory_space<vmem_shared>> -> memref<10240x64xf32, #tpu.memory_space<vmem_shared>>
      tpu.enqueue_indirect_dma source(%dma_start3A_317 : memref<128x64xf32, #tpu.memory_space<vmem>>) target(%dma_start3A_323 : memref<10240x64xf32, #tpu.memory_space<vmem_shared>>) offsets(%dma_start3A_320 : memref<128xi32, #tpu.memory_space<vmem>>) semaphore(%arg17 : memref<!tpu.dma_semaphore, #tpu.memory_space<semaphore_mem>>) {add = true}
      %add3A_324 = arith.constant 1 : i32
      %add3A_325 = arith.addi %mul3A_297, %add3A_324 : i32
      %dma_wait3A_326 = arith.constant 1 : i32
      %dma_wait3A_327 = arith.constant 0 : i32
      %dma_wait3A_328 = arith.constant 0 : i32
      %dma_wait3A_329 = tpu.memref_slice %arg9[%dma_wait3A_326, %dma_wait3A_327, %dma_wait3A_328] : memref<6x128x64xf32, #tpu.memory_space<vmem>> -> memref<1x128x64xf32, #tpu.memory_space<vmem>>
      %dma_wait3A_330 = tpu.memref_squeeze %dma_wait3A_329 : memref<1x128x64xf32, #tpu.memory_space<vmem>> -> memref<128x64xf32, #tpu.memory_space<vmem>>
      %dma_wait3A_331 = arith.constant 0 : i32
      %dma_wait3A_332 = tpu.memref_slice %arg7[%add3A_325, %dma_wait3A_331] : memref<84x128xi32, #tpu.memory_space<vmem>> -> memref<1x128xi32, #tpu.memory_space<vmem>>
      %dma_wait3A_333 = tpu.memref_squeeze %dma_wait3A_332 : memref<1x128xi32, #tpu.memory_space<vmem>> -> memref<128xi32, #tpu.memory_space<vmem>>
      %dma_wait3A_334 = arith.constant 0 : i32
      %dma_wait3A_335 = arith.constant 0 : i32
      %dma_wait3A_336 = tpu.memref_slice %arg2[%dma_wait3A_334, %dma_wait3A_335] : memref<10240x64xf32, #tpu.memory_space<hbm>> -> memref<10240x64xf32, #tpu.memory_space<hbm>>
      tpu.wait_indirect_dma semaphore(%arg12 : memref<!tpu.dma_semaphore, #tpu.memory_space<semaphore_mem>>) src(%dma_wait3A_336 : memref<10240x64xf32, #tpu.memory_space<hbm>>) dst(%dma_wait3A_330 : memref<128x64xf32, #tpu.memory_space<vmem>>)
      %add3A_337 = arith.constant 1 : i32
      %add3A_338 = arith.addi %mul3A_297, %add3A_337 : i32
      %dma_start3A_339 = arith.constant 1 : i32
      %dma_start3A_340 = arith.constant 0 : i32
      %dma_start3A_341 = arith.constant 0 : i32
      %dma_start3A_342 = tpu.memref_slice %arg9[%dma_start3A_339, %dma_start3A_340, %dma_start3A_341] : memref<6x128x64xf32, #tpu.memory_space<vmem>> -> memref<1x128x64xf32, #tpu.memory_space<vmem>>
      %dma_start3A_343 = tpu.memref_squeeze %dma_start3A_342 : memref<1x128x64xf32, #tpu.memory_space<vmem>> -> memref<128x64xf32, #tpu.memory_space<vmem>>
      %dma_start3A_344 = arith.constant 0 : i32
      %dma_start3A_345 = tpu.memref_slice %arg8[%add3A_338, %dma_start3A_344] : memref<84x128xi32, #tpu.memory_space<vmem>> -> memref<1x128xi32, #tpu.memory_space<vmem>>
      %dma_start3A_346 = tpu.memref_squeeze %dma_start3A_345 : memref<1x128xi32, #tpu.memory_space<vmem>> -> memref<128xi32, #tpu.memory_space<vmem>>
      %dma_start3A_347 = arith.constant 0 : i32
      %dma_start3A_348 = arith.constant 0 : i32
      %dma_start3A_349 = tpu.memref_slice %arg10[%dma_start3A_347, %dma_start3A_348] : memref<10240x64xf32, #tpu.memory_space<vmem_shared>> -> memref<10240x64xf32, #tpu.memory_space<vmem_shared>>
      tpu.enqueue_indirect_dma source(%dma_start3A_343 : memref<128x64xf32, #tpu.memory_space<vmem>>) target(%dma_start3A_349 : memref<10240x64xf32, #tpu.memory_space<vmem_shared>>) offsets(%dma_start3A_346 : memref<128xi32, #tpu.memory_space<vmem>>) semaphore(%arg18 : memref<!tpu.dma_semaphore, #tpu.memory_space<semaphore_mem>>) {add = true}
      %add3A_350 = arith.constant 2 : i32
      %add3A_351 = arith.addi %mul3A_297, %add3A_350 : i32
      %dma_wait3A_352 = arith.constant 2 : i32
      %dma_wait3A_353 = arith.constant 0 : i32
      %dma_wait3A_354 = arith.constant 0 : i32
      %dma_wait3A_355 = tpu.memref_slice %arg9[%dma_wait3A_352, %dma_wait3A_353, %dma_wait3A_354] : memref<6x128x64xf32, #tpu.memory_space<vmem>> -> memref<1x128x64xf32, #tpu.memory_space<vmem>>
      %dma_wait3A_356 = tpu.memref_squeeze %dma_wait3A_355 : memref<1x128x64xf32, #tpu.memory_space<vmem>> -> memref<128x64xf32, #tpu.memory_space<vmem>>
      %dma_wait3A_357 = arith.constant 0 : i32
      %dma_wait3A_358 = tpu.memref_slice %arg7[%add3A_351, %dma_wait3A_357] : memref<84x128xi32, #tpu.memory_space<vmem>> -> memref<1x128xi32, #tpu.memory_space<vmem>>
      %dma_wait3A_359 = tpu.memref_squeeze %dma_wait3A_358 : memref<1x128xi32, #tpu.memory_space<vmem>> -> memref<128xi32, #tpu.memory_space<vmem>>
      %dma_wait3A_360 = arith.constant 0 : i32
      %dma_wait3A_361 = arith.constant 0 : i32
      %dma_wait3A_362 = tpu.memref_slice %arg2[%dma_wait3A_360, %dma_wait3A_361] : memref<10240x64xf32, #tpu.memory_space<hbm>> -> memref<10240x64xf32, #tpu.memory_space<hbm>>
      tpu.wait_indirect_dma semaphore(%arg13 : memref<!tpu.dma_semaphore, #tpu.memory_space<semaphore_mem>>) src(%dma_wait3A_362 : memref<10240x64xf32, #tpu.memory_space<hbm>>) dst(%dma_wait3A_356 : memref<128x64xf32, #tpu.memory_space<vmem>>)
      %add3A_363 = arith.constant 2 : i32
      %add3A_364 = arith.addi %mul3A_297, %add3A_363 : i32
      %dma_start3A_365 = arith.constant 2 : i32
      %dma_start3A_366 = arith.constant 0 : i32
      %dma_start3A_367 = arith.constant 0 : i32
      %dma_start3A_368 = tpu.memref_slice %arg9[%dma_start3A_365, %dma_start3A_366, %dma_start3A_367] : memref<6x128x64xf32, #tpu.memory_space<vmem>> -> memref<1x128x64xf32, #tpu.memory_space<vmem>>
      %dma_start3A_369 = tpu.memref_squeeze %dma_start3A_368 : memref<1x128x64xf32, #tpu.memory_space<vmem>> -> memref<128x64xf32, #tpu.memory_space<vmem>>
      %dma_start3A_370 = arith.constant 0 : i32
      %dma_start3A_371 = tpu.memref_slice %arg8[%add3A_364, %dma_start3A_370] : memref<84x128xi32, #tpu.memory_space<vmem>> -> memref<1x128xi32, #tpu.memory_space<vmem>>
      %dma_start3A_372 = tpu.memref_squeeze %dma_start3A_371 : memref<1x128xi32, #tpu.memory_space<vmem>> -> memref<128xi32, #tpu.memory_space<vmem>>
      %dma_start3A_373 = arith.constant 0 : i32
      %dma_start3A_374 = arith.constant 0 : i32
      %dma_start3A_375 = tpu.memref_slice %arg10[%dma_start3A_373, %dma_start3A_374] : memref<10240x64xf32, #tpu.memory_space<vmem_shared>> -> memref<10240x64xf32, #tpu.memory_space<vmem_shared>>
      tpu.enqueue_indirect_dma source(%dma_start3A_369 : memref<128x64xf32, #tpu.memory_space<vmem>>) target(%dma_start3A_375 : memref<10240x64xf32, #tpu.memory_space<vmem_shared>>) offsets(%dma_start3A_372 : memref<128xi32, #tpu.memory_space<vmem>>) semaphore(%arg19 : memref<!tpu.dma_semaphore, #tpu.memory_space<semaphore_mem>>) {add = true}
      %add3A_376 = arith.constant 3 : i32
      %add3A_377 = arith.addi %mul3A_297, %add3A_376 : i32
      %dma_wait3A_378 = arith.constant 3 : i32
      %dma_wait3A_379 = arith.constant 0 : i32
      %dma_wait3A_380 = arith.constant 0 : i32
      %dma_wait3A_381 = tpu.memref_slice %arg9[%dma_wait3A_378, %dma_wait3A_379, %dma_wait3A_380] : memref<6x128x64xf32, #tpu.memory_space<vmem>> -> memref<1x128x64xf32, #tpu.memory_space<vmem>>
      %dma_wait3A_382 = tpu.memref_squeeze %dma_wait3A_381 : memref<1x128x64xf32, #tpu.memory_space<vmem>> -> memref<128x64xf32, #tpu.memory_space<vmem>>
      %dma_wait3A_383 = arith.constant 0 : i32
      %dma_wait3A_384 = tpu.memref_slice %arg7[%add3A_377, %dma_wait3A_383] : memref<84x128xi32, #tpu.memory_space<vmem>> -> memref<1x128xi32, #tpu.memory_space<vmem>>
      %dma_wait3A_385 = tpu.memref_squeeze %dma_wait3A_384 : memref<1x128xi32, #tpu.memory_space<vmem>> -> memref<128xi32, #tpu.memory_space<vmem>>
      %dma_wait3A_386 = arith.constant 0 : i32
      %dma_wait3A_387 = arith.constant 0 : i32
      %dma_wait3A_388 = tpu.memref_slice %arg2[%dma_wait3A_386, %dma_wait3A_387] : memref<10240x64xf32, #tpu.memory_space<hbm>> -> memref<10240x64xf32, #tpu.memory_space<hbm>>
      tpu.wait_indirect_dma semaphore(%arg14 : memref<!tpu.dma_semaphore, #tpu.memory_space<semaphore_mem>>) src(%dma_wait3A_388 : memref<10240x64xf32, #tpu.memory_space<hbm>>) dst(%dma_wait3A_382 : memref<128x64xf32, #tpu.memory_space<vmem>>)
      %add3A_389 = arith.constant 3 : i32
      %add3A_390 = arith.addi %mul3A_297, %add3A_389 : i32
      %dma_start3A_391 = arith.constant 3 : i32
      %dma_start3A_392 = arith.constant 0 : i32
      %dma_start3A_393 = arith.constant 0 : i32
      %dma_start3A_394 = tpu.memref_slice %arg9[%dma_start3A_391, %dma_start3A_392, %dma_start3A_393] : memref<6x128x64xf32, #tpu.memory_space<vmem>> -> memref<1x128x64xf32, #tpu.memory_space<vmem>>
      %dma_start3A_395 = tpu.memref_squeeze %dma_start3A_394 : memref<1x128x64xf32, #tpu.memory_space<vmem>> -> memref<128x64xf32, #tpu.memory_space<vmem>>
      %dma_start3A_396 = arith.constant 0 : i32
      %dma_start3A_397 = tpu.memref_slice %arg8[%add3A_390, %dma_start3A_396] : memref<84x128xi32, #tpu.memory_space<vmem>> -> memref<1x128xi32, #tpu.memory_space<vmem>>
      %dma_start3A_398 = tpu.memref_squeeze %dma_start3A_397 : memref<1x128xi32, #tpu.memory_space<vmem>> -> memref<128xi32, #tpu.memory_space<vmem>>
      %dma_start3A_399 = arith.constant 0 : i32
      %dma_start3A_400 = arith.constant 0 : i32
      %dma_start3A_401 = tpu.memref_slice %arg10[%dma_start3A_399, %dma_start3A_400] : memref<10240x64xf32, #tpu.memory_space<vmem_shared>> -> memref<10240x64xf32, #tpu.memory_space<vmem_shared>>
      tpu.enqueue_indirect_dma source(%dma_start3A_395 : memref<128x64xf32, #tpu.memory_space<vmem>>) target(%dma_start3A_401 : memref<10240x64xf32, #tpu.memory_space<vmem_shared>>) offsets(%dma_start3A_398 : memref<128xi32, #tpu.memory_space<vmem>>) semaphore(%arg20 : memref<!tpu.dma_semaphore, #tpu.memory_space<semaphore_mem>>) {add = true}
      %add3A_402 = arith.constant 4 : i32
      %add3A_403 = arith.addi %mul3A_297, %add3A_402 : i32
      %dma_wait3A_404 = arith.constant 4 : i32
      %dma_wait3A_405 = arith.constant 0 : i32
      %dma_wait3A_406 = arith.constant 0 : i32
      %dma_wait3A_407 = tpu.memref_slice %arg9[%dma_wait3A_404, %dma_wait3A_405, %dma_wait3A_406] : memref<6x128x64xf32, #tpu.memory_space<vmem>> -> memref<1x128x64xf32, #tpu.memory_space<vmem>>
      %dma_wait3A_408 = tpu.memref_squeeze %dma_wait3A_407 : memref<1x128x64xf32, #tpu.memory_space<vmem>> -> memref<128x64xf32, #tpu.memory_space<vmem>>
      %dma_wait3A_409 = arith.constant 0 : i32
      %dma_wait3A_410 = tpu.memref_slice %arg7[%add3A_403, %dma_wait3A_409] : memref<84x128xi32, #tpu.memory_space<vmem>> -> memref<1x128xi32, #tpu.memory_space<vmem>>
      %dma_wait3A_411 = tpu.memref_squeeze %dma_wait3A_410 : memref<1x128xi32, #tpu.memory_space<vmem>> -> memref<128xi32, #tpu.memory_space<vmem>>
      %dma_wait3A_412 = arith.constant 0 : i32
      %dma_wait3A_413 = arith.constant 0 : i32
      %dma_wait3A_414 = tpu.memref_slice %arg2[%dma_wait3A_412, %dma_wait3A_413] : memref<10240x64xf32, #tpu.memory_space<hbm>> -> memref<10240x64xf32, #tpu.memory_space<hbm>>
      tpu.wait_indirect_dma semaphore(%arg15 : memref<!tpu.dma_semaphore, #tpu.memory_space<semaphore_mem>>) src(%dma_wait3A_414 : memref<10240x64xf32, #tpu.memory_space<hbm>>) dst(%dma_wait3A_408 : memref<128x64xf32, #tpu.memory_space<vmem>>)
      %add3A_415 = arith.constant 4 : i32
      %add3A_416 = arith.addi %mul3A_297, %add3A_415 : i32
      %dma_start3A_417 = arith.constant 4 : i32
      %dma_start3A_418 = arith.constant 0 : i32
      %dma_start3A_419 = arith.constant 0 : i32
      %dma_start3A_420 = tpu.memref_slice %arg9[%dma_start3A_417, %dma_start3A_418, %dma_start3A_419] : memref<6x128x64xf32, #tpu.memory_space<vmem>> -> memref<1x128x64xf32, #tpu.memory_space<vmem>>
      %dma_start3A_421 = tpu.memref_squeeze %dma_start3A_420 : memref<1x128x64xf32, #tpu.memory_space<vmem>> -> memref<128x64xf32, #tpu.memory_space<vmem>>
      %dma_start3A_422 = arith.constant 0 : i32
      %dma_start3A_423 = tpu.memref_slice %arg8[%add3A_416, %dma_start3A_422] : memref<84x128xi32, #tpu.memory_space<vmem>> -> memref<1x128xi32, #tpu.memory_space<vmem>>
      %dma_start3A_424 = tpu.memref_squeeze %dma_start3A_423 : memref<1x128xi32, #tpu.memory_space<vmem>> -> memref<128xi32, #tpu.memory_space<vmem>>
      %dma_start3A_425 = arith.constant 0 : i32
      %dma_start3A_426 = arith.constant 0 : i32
      %dma_start3A_427 = tpu.memref_slice %arg10[%dma_start3A_425, %dma_start3A_426] : memref<10240x64xf32, #tpu.memory_space<vmem_shared>> -> memref<10240x64xf32, #tpu.memory_space<vmem_shared>>
      tpu.enqueue_indirect_dma source(%dma_start3A_421 : memref<128x64xf32, #tpu.memory_space<vmem>>) target(%dma_start3A_427 : memref<10240x64xf32, #tpu.memory_space<vmem_shared>>) offsets(%dma_start3A_424 : memref<128xi32, #tpu.memory_space<vmem>>) semaphore(%arg21 : memref<!tpu.dma_semaphore, #tpu.memory_space<semaphore_mem>>) {add = true}
      %add3A_428 = arith.constant 5 : i32
      %add3A_429 = arith.addi %mul3A_297, %add3A_428 : i32
      %dma_wait3A_430 = arith.constant 5 : i32
      %dma_wait3A_431 = arith.constant 0 : i32
      %dma_wait3A_432 = arith.constant 0 : i32
      %dma_wait3A_433 = tpu.memref_slice %arg9[%dma_wait3A_430, %dma_wait3A_431, %dma_wait3A_432] : memref<6x128x64xf32, #tpu.memory_space<vmem>> -> memref<1x128x64xf32, #tpu.memory_space<vmem>>
      %dma_wait3A_434 = tpu.memref_squeeze %dma_wait3A_433 : memref<1x128x64xf32, #tpu.memory_space<vmem>> -> memref<128x64xf32, #tpu.memory_space<vmem>>
      %dma_wait3A_435 = arith.constant 0 : i32
      %dma_wait3A_436 = tpu.memref_slice %arg7[%add3A_429, %dma_wait3A_435] : memref<84x128xi32, #tpu.memory_space<vmem>> -> memref<1x128xi32, #tpu.memory_space<vmem>>
      %dma_wait3A_437 = tpu.memref_squeeze %dma_wait3A_436 : memref<1x128xi32, #tpu.memory_space<vmem>> -> memref<128xi32, #tpu.memory_space<vmem>>
      %dma_wait3A_438 = arith.constant 0 : i32
      %dma_wait3A_439 = arith.constant 0 : i32
      %dma_wait3A_440 = tpu.memref_slice %arg2[%dma_wait3A_438, %dma_wait3A_439] : memref<10240x64xf32, #tpu.memory_space<hbm>> -> memref<10240x64xf32, #tpu.memory_space<hbm>>
      tpu.wait_indirect_dma semaphore(%arg16 : memref<!tpu.dma_semaphore, #tpu.memory_space<semaphore_mem>>) src(%dma_wait3A_440 : memref<10240x64xf32, #tpu.memory_space<hbm>>) dst(%dma_wait3A_434 : memref<128x64xf32, #tpu.memory_space<vmem>>)
      %add3A_441 = arith.constant 5 : i32
      %add3A_442 = arith.addi %mul3A_297, %add3A_441 : i32
      %dma_start3A_443 = arith.constant 5 : i32
      %dma_start3A_444 = arith.constant 0 : i32
      %dma_start3A_445 = arith.constant 0 : i32
      %dma_start3A_446 = tpu.memref_slice %arg9[%dma_start3A_443, %dma_start3A_444, %dma_start3A_445] : memref<6x128x64xf32, #tpu.memory_space<vmem>> -> memref<1x128x64xf32, #tpu.memory_space<vmem>>
      %dma_start3A_447 = tpu.memref_squeeze %dma_start3A_446 : memref<1x128x64xf32, #tpu.memory_space<vmem>> -> memref<128x64xf32, #tpu.memory_space<vmem>>
      %dma_start3A_448 = arith.constant 0 : i32
      %dma_start3A_449 = tpu.memref_slice %arg8[%add3A_442, %dma_start3A_448] : memref<84x128xi32, #tpu.memory_space<vmem>> -> memref<1x128xi32, #tpu.memory_space<vmem>>
      %dma_start3A_450 = tpu.memref_squeeze %dma_start3A_449 : memref<1x128xi32, #tpu.memory_space<vmem>> -> memref<128xi32, #tpu.memory_space<vmem>>
      %dma_start3A_451 = arith.constant 0 : i32
      %dma_start3A_452 = arith.constant 0 : i32
      %dma_start3A_453 = tpu.memref_slice %arg10[%dma_start3A_451, %dma_start3A_452] : memref<10240x64xf32, #tpu.memory_space<vmem_shared>> -> memref<10240x64xf32, #tpu.memory_space<vmem_shared>>
      tpu.enqueue_indirect_dma source(%dma_start3A_447 : memref<128x64xf32, #tpu.memory_space<vmem>>) target(%dma_start3A_453 : memref<10240x64xf32, #tpu.memory_space<vmem_shared>>) offsets(%dma_start3A_450 : memref<128xi32, #tpu.memory_space<vmem>>) semaphore(%arg22 : memref<!tpu.dma_semaphore, #tpu.memory_space<semaphore_mem>>) {add = true}
      %add3A_454 = arith.constant 0 : i32
      %add3A_455 = arith.addi %mul3A_297, %add3A_454 : i32
      %dma_wait3A_456 = arith.constant 0 : i32
      %dma_wait3A_457 = arith.constant 0 : i32
      %dma_wait3A_458 = arith.constant 0 : i32
      %dma_wait3A_459 = tpu.memref_slice %arg9[%dma_wait3A_456, %dma_wait3A_457, %dma_wait3A_458] : memref<6x128x64xf32, #tpu.memory_space<vmem>> -> memref<1x128x64xf32, #tpu.memory_space<vmem>>
      %dma_wait3A_460 = tpu.memref_squeeze %dma_wait3A_459 : memref<1x128x64xf32, #tpu.memory_space<vmem>> -> memref<128x64xf32, #tpu.memory_space<vmem>>
      %dma_wait3A_461 = arith.constant 0 : i32
      %dma_wait3A_462 = tpu.memref_slice %arg8[%add3A_455, %dma_wait3A_461] : memref<84x128xi32, #tpu.memory_space<vmem>> -> memref<1x128xi32, #tpu.memory_space<vmem>>
      %dma_wait3A_463 = tpu.memref_squeeze %dma_wait3A_462 : memref<1x128xi32, #tpu.memory_space<vmem>> -> memref<128xi32, #tpu.memory_space<vmem>>
      %dma_wait3A_464 = arith.constant 0 : i32
      %dma_wait3A_465 = arith.constant 0 : i32
      %dma_wait3A_466 = tpu.memref_slice %arg10[%dma_wait3A_464, %dma_wait3A_465] : memref<10240x64xf32, #tpu.memory_space<vmem_shared>> -> memref<10240x64xf32, #tpu.memory_space<vmem_shared>>
      tpu.wait_indirect_dma semaphore(%arg17 : memref<!tpu.dma_semaphore, #tpu.memory_space<semaphore_mem>>) src(%dma_wait3A_460 : memref<128x64xf32, #tpu.memory_space<vmem>>) dst(%dma_wait3A_466 : memref<10240x64xf32, #tpu.memory_space<vmem_shared>>)
      %add3A_467 = arith.constant 6 : i32
      %add3A_468 = arith.addi %mul3A_297, %add3A_467 : i32
      %add3A_469 = arith.constant 0 : i32
      %add3A_470 = arith.addi %add3A_468, %add3A_469 : i32
      %dma_start3A_471 = arith.constant 0 : i32
      %dma_start3A_472 = arith.constant 0 : i32
      %dma_start3A_473 = arith.constant 0 : i32
      %dma_start3A_474 = tpu.memref_slice %arg9[%dma_start3A_471, %dma_start3A_472, %dma_start3A_473] : memref<6x128x64xf32, #tpu.memory_space<vmem>> -> memref<1x128x64xf32, #tpu.memory_space<vmem>>
      %dma_start3A_475 = tpu.memref_squeeze %dma_start3A_474 : memref<1x128x64xf32, #tpu.memory_space<vmem>> -> memref<128x64xf32, #tpu.memory_space<vmem>>
      %dma_start3A_476 = arith.constant 0 : i32
      %dma_start3A_477 = tpu.memref_slice %arg7[%add3A_470, %dma_start3A_476] : memref<84x128xi32, #tpu.memory_space<vmem>> -> memref<1x128xi32, #tpu.memory_space<vmem>>
      %dma_start3A_478 = tpu.memref_squeeze %dma_start3A_477 : memref<1x128xi32, #tpu.memory_space<vmem>> -> memref<128xi32, #tpu.memory_space<vmem>>
      %dma_start3A_479 = arith.constant 0 : i32
      %dma_start3A_480 = arith.constant 0 : i32
      %dma_start3A_481 = tpu.memref_slice %arg2[%dma_start3A_479, %dma_start3A_480] : memref<10240x64xf32, #tpu.memory_space<hbm>> -> memref<10240x64xf32, #tpu.memory_space<hbm>>
      tpu.enqueue_indirect_dma source(%dma_start3A_481 : memref<10240x64xf32, #tpu.memory_space<hbm>>) target(%dma_start3A_475 : memref<128x64xf32, #tpu.memory_space<vmem>>) offsets(%dma_start3A_478 : memref<128xi32, #tpu.memory_space<vmem>>) semaphore(%arg11 : memref<!tpu.dma_semaphore, #tpu.memory_space<semaphore_mem>>)
      %add3A_482 = arith.constant 1 : i32
      %add3A_483 = arith.addi %mul3A_297, %add3A_482 : i32
      %dma_wait3A_484 = arith.constant 1 : i32
      %dma_wait3A_485 = arith.constant 0 : i32
      %dma_wait3A_486 = arith.constant 0 : i32
      %dma_wait3A_487 = tpu.memref_slice %arg9[%dma_wait3A_484, %dma_wait3A_485, %dma_wait3A_486] : memref<6x128x64xf32, #tpu.memory_space<vmem>> -> memref<1x128x64xf32, #tpu.memory_space<vmem>>
      %dma_wait3A_488 = tpu.memref_squeeze %dma_wait3A_487 : memref<1x128x64xf32, #tpu.memory_space<vmem>> -> memref<128x64xf32, #tpu.memory_space<vmem>>
      %dma_wait3A_489 = arith.constant 0 : i32
      %dma_wait3A_490 = tpu.memref_slice %arg8[%add3A_483, %dma_wait3A_489] : memref<84x128xi32, #tpu.memory_space<vmem>> -> memref<1x128xi32, #tpu.memory_space<vmem>>
      %dma_wait3A_491 = tpu.memref_squeeze %dma_wait3A_490 : memref<1x128xi32, #tpu.memory_space<vmem>> -> memref<128xi32, #tpu.memory_space<vmem>>
      %dma_wait3A_492 = arith.constant 0 : i32
      %dma_wait3A_493 = arith.constant 0 : i32
      %dma_wait3A_494 = tpu.memref_slice %arg10[%dma_wait3A_492, %dma_wait3A_493] : memref<10240x64xf32, #tpu.memory_space<vmem_shared>> -> memref<10240x64xf32, #tpu.memory_space<vmem_shared>>
      tpu.wait_indirect_dma semaphore(%arg18 : memref<!tpu.dma_semaphore, #tpu.memory_space<semaphore_mem>>) src(%dma_wait3A_488 : memref<128x64xf32, #tpu.memory_space<vmem>>) dst(%dma_wait3A_494 : memref<10240x64xf32, #tpu.memory_space<vmem_shared>>)
      %add3A_495 = arith.constant 6 : i32
      %add3A_496 = arith.addi %mul3A_297, %add3A_495 : i32
      %add3A_497 = arith.constant 1 : i32
      %add3A_498 = arith.addi %add3A_496, %add3A_497 : i32
      %dma_start3A_499 = arith.constant 1 : i32
      %dma_start3A_500 = arith.constant 0 : i32
      %dma_start3A_501 = arith.constant 0 : i32
      %dma_start3A_502 = tpu.memref_slice %arg9[%dma_start3A_499, %dma_start3A_500, %dma_start3A_501] : memref<6x128x64xf32, #tpu.memory_space<vmem>> -> memref<1x128x64xf32, #tpu.memory_space<vmem>>
      %dma_start3A_503 = tpu.memref_squeeze %dma_start3A_502 : memref<1x128x64xf32, #tpu.memory_space<vmem>> -> memref<128x64xf32, #tpu.memory_space<vmem>>
      %dma_start3A_504 = arith.constant 0 : i32
      %dma_start3A_505 = tpu.memref_slice %arg7[%add3A_498, %dma_start3A_504] : memref<84x128xi32, #tpu.memory_space<vmem>> -> memref<1x128xi32, #tpu.memory_space<vmem>>
      %dma_start3A_506 = tpu.memref_squeeze %dma_start3A_505 : memref<1x128xi32, #tpu.memory_space<vmem>> -> memref<128xi32, #tpu.memory_space<vmem>>
      %dma_start3A_507 = arith.constant 0 : i32
      %dma_start3A_508 = arith.constant 0 : i32
      %dma_start3A_509 = tpu.memref_slice %arg2[%dma_start3A_507, %dma_start3A_508] : memref<10240x64xf32, #tpu.memory_space<hbm>> -> memref<10240x64xf32, #tpu.memory_space<hbm>>
      tpu.enqueue_indirect_dma source(%dma_start3A_509 : memref<10240x64xf32, #tpu.memory_space<hbm>>) target(%dma_start3A_503 : memref<128x64xf32, #tpu.memory_space<vmem>>) offsets(%dma_start3A_506 : memref<128xi32, #tpu.memory_space<vmem>>) semaphore(%arg12 : memref<!tpu.dma_semaphore, #tpu.memory_space<semaphore_mem>>)
      %add3A_510 = arith.constant 2 : i32
      %add3A_511 = arith.addi %mul3A_297, %add3A_510 : i32
      %dma_wait3A_512 = arith.constant 2 : i32
      %dma_wait3A_513 = arith.constant 0 : i32
      %dma_wait3A_514 = arith.constant 0 : i32
      %dma_wait3A_515 = tpu.memref_slice %arg9[%dma_wait3A_512, %dma_wait3A_513, %dma_wait3A_514] : memref<6x128x64xf32, #tpu.memory_space<vmem>> -> memref<1x128x64xf32, #tpu.memory_space<vmem>>
      %dma_wait3A_516 = tpu.memref_squeeze %dma_wait3A_515 : memref<1x128x64xf32, #tpu.memory_space<vmem>> -> memref<128x64xf32, #tpu.memory_space<vmem>>
      %dma_wait3A_517 = arith.constant 0 : i32
      %dma_wait3A_518 = tpu.memref_slice %arg8[%add3A_511, %dma_wait3A_517] : memref<84x128xi32, #tpu.memory_space<vmem>> -> memref<1x128xi32, #tpu.memory_space<vmem>>
      %dma_wait3A_519 = tpu.memref_squeeze %dma_wait3A_518 : memref<1x128xi32, #tpu.memory_space<vmem>> -> memref<128xi32, #tpu.memory_space<vmem>>
      %dma_wait3A_520 = arith.constant 0 : i32
      %dma_wait3A_521 = arith.constant 0 : i32
      %dma_wait3A_522 = tpu.memref_slice %arg10[%dma_wait3A_520, %dma_wait3A_521] : memref<10240x64xf32, #tpu.memory_space<vmem_shared>> -> memref<10240x64xf32, #tpu.memory_space<vmem_shared>>
      tpu.wait_indirect_dma semaphore(%arg19 : memref<!tpu.dma_semaphore, #tpu.memory_space<semaphore_mem>>) src(%dma_wait3A_516 : memref<128x64xf32, #tpu.memory_space<vmem>>) dst(%dma_wait3A_522 : memref<10240x64xf32, #tpu.memory_space<vmem_shared>>)
      %add3A_523 = arith.constant 6 : i32
      %add3A_524 = arith.addi %mul3A_297, %add3A_523 : i32
      %add3A_525 = arith.constant 2 : i32
      %add3A_526 = arith.addi %add3A_524, %add3A_525 : i32
      %dma_start3A_527 = arith.constant 2 : i32
      %dma_start3A_528 = arith.constant 0 : i32
      %dma_start3A_529 = arith.constant 0 : i32
      %dma_start3A_530 = tpu.memref_slice %arg9[%dma_start3A_527, %dma_start3A_528, %dma_start3A_529] : memref<6x128x64xf32, #tpu.memory_space<vmem>> -> memref<1x128x64xf32, #tpu.memory_space<vmem>>
      %dma_start3A_531 = tpu.memref_squeeze %dma_start3A_530 : memref<1x128x64xf32, #tpu.memory_space<vmem>> -> memref<128x64xf32, #tpu.memory_space<vmem>>
      %dma_start3A_532 = arith.constant 0 : i32
      %dma_start3A_533 = tpu.memref_slice %arg7[%add3A_526, %dma_start3A_532] : memref<84x128xi32, #tpu.memory_space<vmem>> -> memref<1x128xi32, #tpu.memory_space<vmem>>
      %dma_start3A_534 = tpu.memref_squeeze %dma_start3A_533 : memref<1x128xi32, #tpu.memory_space<vmem>> -> memref<128xi32, #tpu.memory_space<vmem>>
      %dma_start3A_535 = arith.constant 0 : i32
      %dma_start3A_536 = arith.constant 0 : i32
      %dma_start3A_537 = tpu.memref_slice %arg2[%dma_start3A_535, %dma_start3A_536] : memref<10240x64xf32, #tpu.memory_space<hbm>> -> memref<10240x64xf32, #tpu.memory_space<hbm>>
      tpu.enqueue_indirect_dma source(%dma_start3A_537 : memref<10240x64xf32, #tpu.memory_space<hbm>>) target(%dma_start3A_531 : memref<128x64xf32, #tpu.memory_space<vmem>>) offsets(%dma_start3A_534 : memref<128xi32, #tpu.memory_space<vmem>>) semaphore(%arg13 : memref<!tpu.dma_semaphore, #tpu.memory_space<semaphore_mem>>)
      %add3A_538 = arith.constant 3 : i32
      %add3A_539 = arith.addi %mul3A_297, %add3A_538 : i32
      %dma_wait3A_540 = arith.constant 3 : i32
      %dma_wait3A_541 = arith.constant 0 : i32
      %dma_wait3A_542 = arith.constant 0 : i32
      %dma_wait3A_543 = tpu.memref_slice %arg9[%dma_wait3A_540, %dma_wait3A_541, %dma_wait3A_542] : memref<6x128x64xf32, #tpu.memory_space<vmem>> -> memref<1x128x64xf32, #tpu.memory_space<vmem>>
      %dma_wait3A_544 = tpu.memref_squeeze %dma_wait3A_543 : memref<1x128x64xf32, #tpu.memory_space<vmem>> -> memref<128x64xf32, #tpu.memory_space<vmem>>
      %dma_wait3A_545 = arith.constant 0 : i32
      %dma_wait3A_546 = tpu.memref_slice %arg8[%add3A_539, %dma_wait3A_545] : memref<84x128xi32, #tpu.memory_space<vmem>> -> memref<1x128xi32, #tpu.memory_space<vmem>>
      %dma_wait3A_547 = tpu.memref_squeeze %dma_wait3A_546 : memref<1x128xi32, #tpu.memory_space<vmem>> -> memref<128xi32, #tpu.memory_space<vmem>>
      %dma_wait3A_548 = arith.constant 0 : i32
      %dma_wait3A_549 = arith.constant 0 : i32
      %dma_wait3A_550 = tpu.memref_slice %arg10[%dma_wait3A_548, %dma_wait3A_549] : memref<10240x64xf32, #tpu.memory_space<vmem_shared>> -> memref<10240x64xf32, #tpu.memory_space<vmem_shared>>
      tpu.wait_indirect_dma semaphore(%arg20 : memref<!tpu.dma_semaphore, #tpu.memory_space<semaphore_mem>>) src(%dma_wait3A_544 : memref<128x64xf32, #tpu.memory_space<vmem>>) dst(%dma_wait3A_550 : memref<10240x64xf32, #tpu.memory_space<vmem_shared>>)
      %add3A_551 = arith.constant 6 : i32
      %add3A_552 = arith.addi %mul3A_297, %add3A_551 : i32
      %add3A_553 = arith.constant 3 : i32
      %add3A_554 = arith.addi %add3A_552, %add3A_553 : i32
      %dma_start3A_555 = arith.constant 3 : i32
      %dma_start3A_556 = arith.constant 0 : i32
      %dma_start3A_557 = arith.constant 0 : i32
      %dma_start3A_558 = tpu.memref_slice %arg9[%dma_start3A_555, %dma_start3A_556, %dma_start3A_557] : memref<6x128x64xf32, #tpu.memory_space<vmem>> -> memref<1x128x64xf32, #tpu.memory_space<vmem>>
      %dma_start3A_559 = tpu.memref_squeeze %dma_start3A_558 : memref<1x128x64xf32, #tpu.memory_space<vmem>> -> memref<128x64xf32, #tpu.memory_space<vmem>>
      %dma_start3A_560 = arith.constant 0 : i32
      %dma_start3A_561 = tpu.memref_slice %arg7[%add3A_554, %dma_start3A_560] : memref<84x128xi32, #tpu.memory_space<vmem>> -> memref<1x128xi32, #tpu.memory_space<vmem>>
      %dma_start3A_562 = tpu.memref_squeeze %dma_start3A_561 : memref<1x128xi32, #tpu.memory_space<vmem>> -> memref<128xi32, #tpu.memory_space<vmem>>
      %dma_start3A_563 = arith.constant 0 : i32
      %dma_start3A_564 = arith.constant 0 : i32
      %dma_start3A_565 = tpu.memref_slice %arg2[%dma_start3A_563, %dma_start3A_564] : memref<10240x64xf32, #tpu.memory_space<hbm>> -> memref<10240x64xf32, #tpu.memory_space<hbm>>
      tpu.enqueue_indirect_dma source(%dma_start3A_565 : memref<10240x64xf32, #tpu.memory_space<hbm>>) target(%dma_start3A_559 : memref<128x64xf32, #tpu.memory_space<vmem>>) offsets(%dma_start3A_562 : memref<128xi32, #tpu.memory_space<vmem>>) semaphore(%arg14 : memref<!tpu.dma_semaphore, #tpu.memory_space<semaphore_mem>>)
      %add3A_566 = arith.constant 4 : i32
      %add3A_567 = arith.addi %mul3A_297, %add3A_566 : i32
      %dma_wait3A_568 = arith.constant 4 : i32
      %dma_wait3A_569 = arith.constant 0 : i32
      %dma_wait3A_570 = arith.constant 0 : i32
      %dma_wait3A_571 = tpu.memref_slice %arg9[%dma_wait3A_568, %dma_wait3A_569, %dma_wait3A_570] : memref<6x128x64xf32, #tpu.memory_space<vmem>> -> memref<1x128x64xf32, #tpu.memory_space<vmem>>
      %dma_wait3A_572 = tpu.memref_squeeze %dma_wait3A_571 : memref<1x128x64xf32, #tpu.memory_space<vmem>> -> memref<128x64xf32, #tpu.memory_space<vmem>>
      %dma_wait3A_573 = arith.constant 0 : i32
      %dma_wait3A_574 = tpu.memref_slice %arg8[%add3A_567, %dma_wait3A_573] : memref<84x128xi32, #tpu.memory_space<vmem>> -> memref<1x128xi32, #tpu.memory_space<vmem>>
      %dma_wait3A_575 = tpu.memref_squeeze %dma_wait3A_574 : memref<1x128xi32, #tpu.memory_space<vmem>> -> memref<128xi32, #tpu.memory_space<vmem>>
      %dma_wait3A_576 = arith.constant 0 : i32
      %dma_wait3A_577 = arith.constant 0 : i32
      %dma_wait3A_578 = tpu.memref_slice %arg10[%dma_wait3A_576, %dma_wait3A_577] : memref<10240x64xf32, #tpu.memory_space<vmem_shared>> -> memref<10240x64xf32, #tpu.memory_space<vmem_shared>>
      tpu.wait_indirect_dma semaphore(%arg21 : memref<!tpu.dma_semaphore, #tpu.memory_space<semaphore_mem>>) src(%dma_wait3A_572 : memref<128x64xf32, #tpu.memory_space<vmem>>) dst(%dma_wait3A_578 : memref<10240x64xf32, #tpu.memory_space<vmem_shared>>)
      %add3A_579 = arith.constant 6 : i32
      %add3A_580 = arith.addi %mul3A_297, %add3A_579 : i32
      %add3A_581 = arith.constant 4 : i32
      %add3A_582 = arith.addi %add3A_580, %add3A_581 : i32
      %dma_start3A_583 = arith.constant 4 : i32
      %dma_start3A_584 = arith.constant 0 : i32
      %dma_start3A_585 = arith.constant 0 : i32
      %dma_start3A_586 = tpu.memref_slice %arg9[%dma_start3A_583, %dma_start3A_584, %dma_start3A_585] : memref<6x128x64xf32, #tpu.memory_space<vmem>> -> memref<1x128x64xf32, #tpu.memory_space<vmem>>
      %dma_start3A_587 = tpu.memref_squeeze %dma_start3A_586 : memref<1x128x64xf32, #tpu.memory_space<vmem>> -> memref<128x64xf32, #tpu.memory_space<vmem>>
      %dma_start3A_588 = arith.constant 0 : i32
      %dma_start3A_589 = tpu.memref_slice %arg7[%add3A_582, %dma_start3A_588] : memref<84x128xi32, #tpu.memory_space<vmem>> -> memref<1x128xi32, #tpu.memory_space<vmem>>
      %dma_start3A_590 = tpu.memref_squeeze %dma_start3A_589 : memref<1x128xi32, #tpu.memory_space<vmem>> -> memref<128xi32, #tpu.memory_space<vmem>>
      %dma_start3A_591 = arith.constant 0 : i32
      %dma_start3A_592 = arith.constant 0 : i32
      %dma_start3A_593 = tpu.memref_slice %arg2[%dma_start3A_591, %dma_start3A_592] : memref<10240x64xf32, #tpu.memory_space<hbm>> -> memref<10240x64xf32, #tpu.memory_space<hbm>>
      tpu.enqueue_indirect_dma source(%dma_start3A_593 : memref<10240x64xf32, #tpu.memory_space<hbm>>) target(%dma_start3A_587 : memref<128x64xf32, #tpu.memory_space<vmem>>) offsets(%dma_start3A_590 : memref<128xi32, #tpu.memory_space<vmem>>) semaphore(%arg15 : memref<!tpu.dma_semaphore, #tpu.memory_space<semaphore_mem>>)
      %add3A_594 = arith.constant 5 : i32
      %add3A_595 = arith.addi %mul3A_297, %add3A_594 : i32
      %dma_wait3A_596 = arith.constant 5 : i32
      %dma_wait3A_597 = arith.constant 0 : i32
      %dma_wait3A_598 = arith.constant 0 : i32
      %dma_wait3A_599 = tpu.memref_slice %arg9[%dma_wait3A_596, %dma_wait3A_597, %dma_wait3A_598] : memref<6x128x64xf32, #tpu.memory_space<vmem>> -> memref<1x128x64xf32, #tpu.memory_space<vmem>>
      %dma_wait3A_600 = tpu.memref_squeeze %dma_wait3A_599 : memref<1x128x64xf32, #tpu.memory_space<vmem>> -> memref<128x64xf32, #tpu.memory_space<vmem>>
      %dma_wait3A_601 = arith.constant 0 : i32
      %dma_wait3A_602 = tpu.memref_slice %arg8[%add3A_595, %dma_wait3A_601] : memref<84x128xi32, #tpu.memory_space<vmem>> -> memref<1x128xi32, #tpu.memory_space<vmem>>
      %dma_wait3A_603 = tpu.memref_squeeze %dma_wait3A_602 : memref<1x128xi32, #tpu.memory_space<vmem>> -> memref<128xi32, #tpu.memory_space<vmem>>
      %dma_wait3A_604 = arith.constant 0 : i32
      %dma_wait3A_605 = arith.constant 0 : i32
      %dma_wait3A_606 = tpu.memref_slice %arg10[%dma_wait3A_604, %dma_wait3A_605] : memref<10240x64xf32, #tpu.memory_space<vmem_shared>> -> memref<10240x64xf32, #tpu.memory_space<vmem_shared>>
      tpu.wait_indirect_dma semaphore(%arg22 : memref<!tpu.dma_semaphore, #tpu.memory_space<semaphore_mem>>) src(%dma_wait3A_600 : memref<128x64xf32, #tpu.memory_space<vmem>>) dst(%dma_wait3A_606 : memref<10240x64xf32, #tpu.memory_space<vmem_shared>>)
      %add3A_607 = arith.constant 6 : i32
      %add3A_608 = arith.addi %mul3A_297, %add3A_607 : i32
      %add3A_609 = arith.constant 5 : i32
      %add3A_610 = arith.addi %add3A_608, %add3A_609 : i32
      %dma_start3A_611 = arith.constant 5 : i32
      %dma_start3A_612 = arith.constant 0 : i32
      %dma_start3A_613 = arith.constant 0 : i32
      %dma_start3A_614 = tpu.memref_slice %arg9[%dma_start3A_611, %dma_start3A_612, %dma_start3A_613] : memref<6x128x64xf32, #tpu.memory_space<vmem>> -> memref<1x128x64xf32, #tpu.memory_space<vmem>>
      %dma_start3A_615 = tpu.memref_squeeze %dma_start3A_614 : memref<1x128x64xf32, #tpu.memory_space<vmem>> -> memref<128x64xf32, #tpu.memory_space<vmem>>
      %dma_start3A_616 = arith.constant 0 : i32
      %dma_start3A_617 = tpu.memref_slice %arg7[%add3A_610, %dma_start3A_616] : memref<84x128xi32, #tpu.memory_space<vmem>> -> memref<1x128xi32, #tpu.memory_space<vmem>>
      %dma_start3A_618 = tpu.memref_squeeze %dma_start3A_617 : memref<1x128xi32, #tpu.memory_space<vmem>> -> memref<128xi32, #tpu.memory_space<vmem>>
      %dma_start3A_619 = arith.constant 0 : i32
      %dma_start3A_620 = arith.constant 0 : i32
      %dma_start3A_621 = tpu.memref_slice %arg2[%dma_start3A_619, %dma_start3A_620] : memref<10240x64xf32, #tpu.memory_space<hbm>> -> memref<10240x64xf32, #tpu.memory_space<hbm>>
      tpu.enqueue_indirect_dma source(%dma_start3A_621 : memref<10240x64xf32, #tpu.memory_space<hbm>>) target(%dma_start3A_615 : memref<128x64xf32, #tpu.memory_space<vmem>>) offsets(%dma_start3A_618 : memref<128xi32, #tpu.memory_space<vmem>>) semaphore(%arg16 : memref<!tpu.dma_semaphore, #tpu.memory_space<semaphore_mem>>)
    }
    %scan3A_78 = arith.constant 13 : i32
    %dma_wait3A = arith.constant 78 : i32
    %dma_wait3A_79 = arith.constant 0 : i32
    %dma_wait3A_80 = arith.constant 0 : i32
    %dma_wait3A_81 = arith.constant 0 : i32
    %dma_wait3A_82 = tpu.memref_slice %arg9[%dma_wait3A_79, %dma_wait3A_80, %dma_wait3A_81] : memref<6x128x64xf32, #tpu.memory_space<vmem>> -> memref<1x128x64xf32, #tpu.memory_space<vmem>>
    %dma_wait3A_83 = tpu.memref_squeeze %dma_wait3A_82 : memref<1x128x64xf32, #tpu.memory_space<vmem>> -> memref<128x64xf32, #tpu.memory_space<vmem>>
    %dma_wait3A_84 = arith.constant 0 : i32
    %dma_wait3A_85 = tpu.memref_slice %arg7[%dma_wait3A, %dma_wait3A_84] : memref<84x128xi32, #tpu.memory_space<vmem>> -> memref<1x128xi32, #tpu.memory_space<vmem>>
    %dma_wait3A_86 = tpu.memref_squeeze %dma_wait3A_85 : memref<1x128xi32, #tpu.memory_space<vmem>> -> memref<128xi32, #tpu.memory_space<vmem>>
    %dma_wait3A_87 = arith.constant 0 : i32
    %dma_wait3A_88 = arith.constant 0 : i32
    %dma_wait3A_89 = tpu.memref_slice %arg2[%dma_wait3A_87, %dma_wait3A_88] : memref<10240x64xf32, #tpu.memory_space<hbm>> -> memref<10240x64xf32, #tpu.memory_space<hbm>>
    tpu.wait_indirect_dma semaphore(%arg11 : memref<!tpu.dma_semaphore, #tpu.memory_space<semaphore_mem>>) src(%dma_wait3A_89 : memref<10240x64xf32, #tpu.memory_space<hbm>>) dst(%dma_wait3A_83 : memref<128x64xf32, #tpu.memory_space<vmem>>)
    %dma_start3A_90 = arith.constant 0 : i32
    %dma_start3A_91 = arith.constant 78 : i32
    %dma_start3A_92 = arith.constant 0 : i32
    %dma_start3A_93 = arith.constant 0 : i32
    %dma_start3A_94 = tpu.memref_slice %arg9[%dma_start3A_90, %dma_start3A_92, %dma_start3A_93] : memref<6x128x64xf32, #tpu.memory_space<vmem>> -> memref<1x128x64xf32, #tpu.memory_space<vmem>>
    %dma_start3A_95 = tpu.memref_squeeze %dma_start3A_94 : memref<1x128x64xf32, #tpu.memory_space<vmem>> -> memref<128x64xf32, #tpu.memory_space<vmem>>
    %dma_start3A_96 = arith.constant 0 : i32
    %dma_start3A_97 = tpu.memref_slice %arg8[%dma_start3A_91, %dma_start3A_96] : memref<84x128xi32, #tpu.memory_space<vmem>> -> memref<1x128xi32, #tpu.memory_space<vmem>>
    %dma_start3A_98 = tpu.memref_squeeze %dma_start3A_97 : memref<1x128xi32, #tpu.memory_space<vmem>> -> memref<128xi32, #tpu.memory_space<vmem>>
    %dma_start3A_99 = arith.constant 0 : i32
    %dma_start3A_100 = arith.constant 0 : i32
    %dma_start3A_101 = tpu.memref_slice %arg10[%dma_start3A_99, %dma_start3A_100] : memref<10240x64xf32, #tpu.memory_space<vmem_shared>> -> memref<10240x64xf32, #tpu.memory_space<vmem_shared>>
    tpu.enqueue_indirect_dma source(%dma_start3A_95 : memref<128x64xf32, #tpu.memory_space<vmem>>) target(%dma_start3A_101 : memref<10240x64xf32, #tpu.memory_space<vmem_shared>>) offsets(%dma_start3A_98 : memref<128xi32, #tpu.memory_space<vmem>>) semaphore(%arg17 : memref<!tpu.dma_semaphore, #tpu.memory_space<semaphore_mem>>) {add = true}
    %dma_wait3A_102 = arith.constant 79 : i32
    %dma_wait3A_103 = arith.constant 1 : i32
    %dma_wait3A_104 = arith.constant 0 : i32
    %dma_wait3A_105 = arith.constant 0 : i32
    %dma_wait3A_106 = tpu.memref_slice %arg9[%dma_wait3A_103, %dma_wait3A_104, %dma_wait3A_105] : memref<6x128x64xf32, #tpu.memory_space<vmem>> -> memref<1x128x64xf32, #tpu.memory_space<vmem>>
    %dma_wait3A_107 = tpu.memref_squeeze %dma_wait3A_106 : memref<1x128x64xf32, #tpu.memory_space<vmem>> -> memref<128x64xf32, #tpu.memory_space<vmem>>
    %dma_wait3A_108 = arith.constant 0 : i32
    %dma_wait3A_109 = tpu.memref_slice %arg7[%dma_wait3A_102, %dma_wait3A_108] : memref<84x128xi32, #tpu.memory_space<vmem>> -> memref<1x128xi32, #tpu.memory_space<vmem>>
    %dma_wait3A_110 = tpu.memref_squeeze %dma_wait3A_109 : memref<1x128xi32, #tpu.memory_space<vmem>> -> memref<128xi32, #tpu.memory_space<vmem>>
    %dma_wait3A_111 = arith.constant 0 : i32
    %dma_wait3A_112 = arith.constant 0 : i32
    %dma_wait3A_113 = tpu.memref_slice %arg2[%dma_wait3A_111, %dma_wait3A_112] : memref<10240x64xf32, #tpu.memory_space<hbm>> -> memref<10240x64xf32, #tpu.memory_space<hbm>>
    tpu.wait_indirect_dma semaphore(%arg12 : memref<!tpu.dma_semaphore, #tpu.memory_space<semaphore_mem>>) src(%dma_wait3A_113 : memref<10240x64xf32, #tpu.memory_space<hbm>>) dst(%dma_wait3A_107 : memref<128x64xf32, #tpu.memory_space<vmem>>)
    %dma_start3A_114 = arith.constant 1 : i32
    %dma_start3A_115 = arith.constant 79 : i32
    %dma_start3A_116 = arith.constant 0 : i32
    %dma_start3A_117 = arith.constant 0 : i32
    %dma_start3A_118 = tpu.memref_slice %arg9[%dma_start3A_114, %dma_start3A_116, %dma_start3A_117] : memref<6x128x64xf32, #tpu.memory_space<vmem>> -> memref<1x128x64xf32, #tpu.memory_space<vmem>>
    %dma_start3A_119 = tpu.memref_squeeze %dma_start3A_118 : memref<1x128x64xf32, #tpu.memory_space<vmem>> -> memref<128x64xf32, #tpu.memory_space<vmem>>
    %dma_start3A_120 = arith.constant 0 : i32
    %dma_start3A_121 = tpu.memref_slice %arg8[%dma_start3A_115, %dma_start3A_120] : memref<84x128xi32, #tpu.memory_space<vmem>> -> memref<1x128xi32, #tpu.memory_space<vmem>>
    %dma_start3A_122 = tpu.memref_squeeze %dma_start3A_121 : memref<1x128xi32, #tpu.memory_space<vmem>> -> memref<128xi32, #tpu.memory_space<vmem>>
    %dma_start3A_123 = arith.constant 0 : i32
    %dma_start3A_124 = arith.constant 0 : i32
    %dma_start3A_125 = tpu.memref_slice %arg10[%dma_start3A_123, %dma_start3A_124] : memref<10240x64xf32, #tpu.memory_space<vmem_shared>> -> memref<10240x64xf32, #tpu.memory_space<vmem_shared>>
    tpu.enqueue_indirect_dma source(%dma_start3A_119 : memref<128x64xf32, #tpu.memory_space<vmem>>) target(%dma_start3A_125 : memref<10240x64xf32, #tpu.memory_space<vmem_shared>>) offsets(%dma_start3A_122 : memref<128xi32, #tpu.memory_space<vmem>>) semaphore(%arg18 : memref<!tpu.dma_semaphore, #tpu.memory_space<semaphore_mem>>) {add = true}
    %dma_wait3A_126 = arith.constant 80 : i32
    %dma_wait3A_127 = arith.constant 2 : i32
    %dma_wait3A_128 = arith.constant 0 : i32
    %dma_wait3A_129 = arith.constant 0 : i32
    %dma_wait3A_130 = tpu.memref_slice %arg9[%dma_wait3A_127, %dma_wait3A_128, %dma_wait3A_129] : memref<6x128x64xf32, #tpu.memory_space<vmem>> -> memref<1x128x64xf32, #tpu.memory_space<vmem>>
    %dma_wait3A_131 = tpu.memref_squeeze %dma_wait3A_130 : memref<1x128x64xf32, #tpu.memory_space<vmem>> -> memref<128x64xf32, #tpu.memory_space<vmem>>
    %dma_wait3A_132 = arith.constant 0 : i32
    %dma_wait3A_133 = tpu.memref_slice %arg7[%dma_wait3A_126, %dma_wait3A_132] : memref<84x128xi32, #tpu.memory_space<vmem>> -> memref<1x128xi32, #tpu.memory_space<vmem>>
    %dma_wait3A_134 = tpu.memref_squeeze %dma_wait3A_133 : memref<1x128xi32, #tpu.memory_space<vmem>> -> memref<128xi32, #tpu.memory_space<vmem>>
    %dma_wait3A_135 = arith.constant 0 : i32
    %dma_wait3A_136 = arith.constant 0 : i32
    %dma_wait3A_137 = tpu.memref_slice %arg2[%dma_wait3A_135, %dma_wait3A_136] : memref<10240x64xf32, #tpu.memory_space<hbm>> -> memref<10240x64xf32, #tpu.memory_space<hbm>>
    tpu.wait_indirect_dma semaphore(%arg13 : memref<!tpu.dma_semaphore, #tpu.memory_space<semaphore_mem>>) src(%dma_wait3A_137 : memref<10240x64xf32, #tpu.memory_space<hbm>>) dst(%dma_wait3A_131 : memref<128x64xf32, #tpu.memory_space<vmem>>)
    %dma_start3A_138 = arith.constant 2 : i32
    %dma_start3A_139 = arith.constant 80 : i32
    %dma_start3A_140 = arith.constant 0 : i32
    %dma_start3A_141 = arith.constant 0 : i32
    %dma_start3A_142 = tpu.memref_slice %arg9[%dma_start3A_138, %dma_start3A_140, %dma_start3A_141] : memref<6x128x64xf32, #tpu.memory_space<vmem>> -> memref<1x128x64xf32, #tpu.memory_space<vmem>>
    %dma_start3A_143 = tpu.memref_squeeze %dma_start3A_142 : memref<1x128x64xf32, #tpu.memory_space<vmem>> -> memref<128x64xf32, #tpu.memory_space<vmem>>
    %dma_start3A_144 = arith.constant 0 : i32
    %dma_start3A_145 = tpu.memref_slice %arg8[%dma_start3A_139, %dma_start3A_144] : memref<84x128xi32, #tpu.memory_space<vmem>> -> memref<1x128xi32, #tpu.memory_space<vmem>>
    %dma_start3A_146 = tpu.memref_squeeze %dma_start3A_145 : memref<1x128xi32, #tpu.memory_space<vmem>> -> memref<128xi32, #tpu.memory_space<vmem>>
    %dma_start3A_147 = arith.constant 0 : i32
    %dma_start3A_148 = arith.constant 0 : i32
    %dma_start3A_149 = tpu.memref_slice %arg10[%dma_start3A_147, %dma_start3A_148] : memref<10240x64xf32, #tpu.memory_space<vmem_shared>> -> memref<10240x64xf32, #tpu.memory_space<vmem_shared>>
    tpu.enqueue_indirect_dma source(%dma_start3A_143 : memref<128x64xf32, #tpu.memory_space<vmem>>) target(%dma_start3A_149 : memref<10240x64xf32, #tpu.memory_space<vmem_shared>>) offsets(%dma_start3A_146 : memref<128xi32, #tpu.memory_space<vmem>>) semaphore(%arg19 : memref<!tpu.dma_semaphore, #tpu.memory_space<semaphore_mem>>) {add = true}
    %dma_wait3A_150 = arith.constant 81 : i32
    %dma_wait3A_151 = arith.constant 3 : i32
    %dma_wait3A_152 = arith.constant 0 : i32
    %dma_wait3A_153 = arith.constant 0 : i32
    %dma_wait3A_154 = tpu.memref_slice %arg9[%dma_wait3A_151, %dma_wait3A_152, %dma_wait3A_153] : memref<6x128x64xf32, #tpu.memory_space<vmem>> -> memref<1x128x64xf32, #tpu.memory_space<vmem>>
    %dma_wait3A_155 = tpu.memref_squeeze %dma_wait3A_154 : memref<1x128x64xf32, #tpu.memory_space<vmem>> -> memref<128x64xf32, #tpu.memory_space<vmem>>
    %dma_wait3A_156 = arith.constant 0 : i32
    %dma_wait3A_157 = tpu.memref_slice %arg7[%dma_wait3A_150, %dma_wait3A_156] : memref<84x128xi32, #tpu.memory_space<vmem>> -> memref<1x128xi32, #tpu.memory_space<vmem>>
    %dma_wait3A_158 = tpu.memref_squeeze %dma_wait3A_157 : memref<1x128xi32, #tpu.memory_space<vmem>> -> memref<128xi32, #tpu.memory_space<vmem>>
    %dma_wait3A_159 = arith.constant 0 : i32
    %dma_wait3A_160 = arith.constant 0 : i32
    %dma_wait3A_161 = tpu.memref_slice %arg2[%dma_wait3A_159, %dma_wait3A_160] : memref<10240x64xf32, #tpu.memory_space<hbm>> -> memref<10240x64xf32, #tpu.memory_space<hbm>>
    tpu.wait_indirect_dma semaphore(%arg14 : memref<!tpu.dma_semaphore, #tpu.memory_space<semaphore_mem>>) src(%dma_wait3A_161 : memref<10240x64xf32, #tpu.memory_space<hbm>>) dst(%dma_wait3A_155 : memref<128x64xf32, #tpu.memory_space<vmem>>)
    %dma_start3A_162 = arith.constant 3 : i32
    %dma_start3A_163 = arith.constant 81 : i32
    %dma_start3A_164 = arith.constant 0 : i32
    %dma_start3A_165 = arith.constant 0 : i32
    %dma_start3A_166 = tpu.memref_slice %arg9[%dma_start3A_162, %dma_start3A_164, %dma_start3A_165] : memref<6x128x64xf32, #tpu.memory_space<vmem>> -> memref<1x128x64xf32, #tpu.memory_space<vmem>>
    %dma_start3A_167 = tpu.memref_squeeze %dma_start3A_166 : memref<1x128x64xf32, #tpu.memory_space<vmem>> -> memref<128x64xf32, #tpu.memory_space<vmem>>
    %dma_start3A_168 = arith.constant 0 : i32
    %dma_start3A_169 = tpu.memref_slice %arg8[%dma_start3A_163, %dma_start3A_168] : memref<84x128xi32, #tpu.memory_space<vmem>> -> memref<1x128xi32, #tpu.memory_space<vmem>>
    %dma_start3A_170 = tpu.memref_squeeze %dma_start3A_169 : memref<1x128xi32, #tpu.memory_space<vmem>> -> memref<128xi32, #tpu.memory_space<vmem>>
    %dma_start3A_171 = arith.constant 0 : i32
    %dma_start3A_172 = arith.constant 0 : i32
    %dma_start3A_173 = tpu.memref_slice %arg10[%dma_start3A_171, %dma_start3A_172] : memref<10240x64xf32, #tpu.memory_space<vmem_shared>> -> memref<10240x64xf32, #tpu.memory_space<vmem_shared>>
    tpu.enqueue_indirect_dma source(%dma_start3A_167 : memref<128x64xf32, #tpu.memory_space<vmem>>) target(%dma_start3A_173 : memref<10240x64xf32, #tpu.memory_space<vmem_shared>>) offsets(%dma_start3A_170 : memref<128xi32, #tpu.memory_space<vmem>>) semaphore(%arg20 : memref<!tpu.dma_semaphore, #tpu.memory_space<semaphore_mem>>) {add = true}
    %dma_wait3A_174 = arith.constant 82 : i32
    %dma_wait3A_175 = arith.constant 4 : i32
    %dma_wait3A_176 = arith.constant 0 : i32
    %dma_wait3A_177 = arith.constant 0 : i32
    %dma_wait3A_178 = tpu.memref_slice %arg9[%dma_wait3A_175, %dma_wait3A_176, %dma_wait3A_177] : memref<6x128x64xf32, #tpu.memory_space<vmem>> -> memref<1x128x64xf32, #tpu.memory_space<vmem>>
    %dma_wait3A_179 = tpu.memref_squeeze %dma_wait3A_178 : memref<1x128x64xf32, #tpu.memory_space<vmem>> -> memref<128x64xf32, #tpu.memory_space<vmem>>
    %dma_wait3A_180 = arith.constant 0 : i32
    %dma_wait3A_181 = tpu.memref_slice %arg7[%dma_wait3A_174, %dma_wait3A_180] : memref<84x128xi32, #tpu.memory_space<vmem>> -> memref<1x128xi32, #tpu.memory_space<vmem>>
    %dma_wait3A_182 = tpu.memref_squeeze %dma_wait3A_181 : memref<1x128xi32, #tpu.memory_space<vmem>> -> memref<128xi32, #tpu.memory_space<vmem>>
    %dma_wait3A_183 = arith.constant 0 : i32
    %dma_wait3A_184 = arith.constant 0 : i32
    %dma_wait3A_185 = tpu.memref_slice %arg2[%dma_wait3A_183, %dma_wait3A_184] : memref<10240x64xf32, #tpu.memory_space<hbm>> -> memref<10240x64xf32, #tpu.memory_space<hbm>>
    tpu.wait_indirect_dma semaphore(%arg15 : memref<!tpu.dma_semaphore, #tpu.memory_space<semaphore_mem>>) src(%dma_wait3A_185 : memref<10240x64xf32, #tpu.memory_space<hbm>>) dst(%dma_wait3A_179 : memref<128x64xf32, #tpu.memory_space<vmem>>)
    %dma_start3A_186 = arith.constant 4 : i32
    %dma_start3A_187 = arith.constant 82 : i32
    %dma_start3A_188 = arith.constant 0 : i32
    %dma_start3A_189 = arith.constant 0 : i32
    %dma_start3A_190 = tpu.memref_slice %arg9[%dma_start3A_186, %dma_start3A_188, %dma_start3A_189] : memref<6x128x64xf32, #tpu.memory_space<vmem>> -> memref<1x128x64xf32, #tpu.memory_space<vmem>>
    %dma_start3A_191 = tpu.memref_squeeze %dma_start3A_190 : memref<1x128x64xf32, #tpu.memory_space<vmem>> -> memref<128x64xf32, #tpu.memory_space<vmem>>
    %dma_start3A_192 = arith.constant 0 : i32
    %dma_start3A_193 = tpu.memref_slice %arg8[%dma_start3A_187, %dma_start3A_192] : memref<84x128xi32, #tpu.memory_space<vmem>> -> memref<1x128xi32, #tpu.memory_space<vmem>>
    %dma_start3A_194 = tpu.memref_squeeze %dma_start3A_193 : memref<1x128xi32, #tpu.memory_space<vmem>> -> memref<128xi32, #tpu.memory_space<vmem>>
    %dma_start3A_195 = arith.constant 0 : i32
    %dma_start3A_196 = arith.constant 0 : i32
    %dma_start3A_197 = tpu.memref_slice %arg10[%dma_start3A_195, %dma_start3A_196] : memref<10240x64xf32, #tpu.memory_space<vmem_shared>> -> memref<10240x64xf32, #tpu.memory_space<vmem_shared>>
    tpu.enqueue_indirect_dma source(%dma_start3A_191 : memref<128x64xf32, #tpu.memory_space<vmem>>) target(%dma_start3A_197 : memref<10240x64xf32, #tpu.memory_space<vmem_shared>>) offsets(%dma_start3A_194 : memref<128xi32, #tpu.memory_space<vmem>>) semaphore(%arg21 : memref<!tpu.dma_semaphore, #tpu.memory_space<semaphore_mem>>) {add = true}
    %dma_wait3A_198 = arith.constant 83 : i32
    %dma_wait3A_199 = arith.constant 5 : i32
    %dma_wait3A_200 = arith.constant 0 : i32
    %dma_wait3A_201 = arith.constant 0 : i32
    %dma_wait3A_202 = tpu.memref_slice %arg9[%dma_wait3A_199, %dma_wait3A_200, %dma_wait3A_201] : memref<6x128x64xf32, #tpu.memory_space<vmem>> -> memref<1x128x64xf32, #tpu.memory_space<vmem>>
    %dma_wait3A_203 = tpu.memref_squeeze %dma_wait3A_202 : memref<1x128x64xf32, #tpu.memory_space<vmem>> -> memref<128x64xf32, #tpu.memory_space<vmem>>
    %dma_wait3A_204 = arith.constant 0 : i32
    %dma_wait3A_205 = tpu.memref_slice %arg7[%dma_wait3A_198, %dma_wait3A_204] : memref<84x128xi32, #tpu.memory_space<vmem>> -> memref<1x128xi32, #tpu.memory_space<vmem>>
    %dma_wait3A_206 = tpu.memref_squeeze %dma_wait3A_205 : memref<1x128xi32, #tpu.memory_space<vmem>> -> memref<128xi32, #tpu.memory_space<vmem>>
    %dma_wait3A_207 = arith.constant 0 : i32
    %dma_wait3A_208 = arith.constant 0 : i32
    %dma_wait3A_209 = tpu.memref_slice %arg2[%dma_wait3A_207, %dma_wait3A_208] : memref<10240x64xf32, #tpu.memory_space<hbm>> -> memref<10240x64xf32, #tpu.memory_space<hbm>>
    tpu.wait_indirect_dma semaphore(%arg16 : memref<!tpu.dma_semaphore, #tpu.memory_space<semaphore_mem>>) src(%dma_wait3A_209 : memref<10240x64xf32, #tpu.memory_space<hbm>>) dst(%dma_wait3A_203 : memref<128x64xf32, #tpu.memory_space<vmem>>)
    %dma_start3A_210 = arith.constant 5 : i32
    %dma_start3A_211 = arith.constant 83 : i32
    %dma_start3A_212 = arith.constant 0 : i32
    %dma_start3A_213 = arith.constant 0 : i32
    %dma_start3A_214 = tpu.memref_slice %arg9[%dma_start3A_210, %dma_start3A_212, %dma_start3A_213] : memref<6x128x64xf32, #tpu.memory_space<vmem>> -> memref<1x128x64xf32, #tpu.memory_space<vmem>>
    %dma_start3A_215 = tpu.memref_squeeze %dma_start3A_214 : memref<1x128x64xf32, #tpu.memory_space<vmem>> -> memref<128x64xf32, #tpu.memory_space<vmem>>
    %dma_start3A_216 = arith.constant 0 : i32
    %dma_start3A_217 = tpu.memref_slice %arg8[%dma_start3A_211, %dma_start3A_216] : memref<84x128xi32, #tpu.memory_space<vmem>> -> memref<1x128xi32, #tpu.memory_space<vmem>>
    %dma_start3A_218 = tpu.memref_squeeze %dma_start3A_217 : memref<1x128xi32, #tpu.memory_space<vmem>> -> memref<128xi32, #tpu.memory_space<vmem>>
    %dma_start3A_219 = arith.constant 0 : i32
    %dma_start3A_220 = arith.constant 0 : i32
    %dma_start3A_221 = tpu.memref_slice %arg10[%dma_start3A_219, %dma_start3A_220] : memref<10240x64xf32, #tpu.memory_space<vmem_shared>> -> memref<10240x64xf32, #tpu.memory_space<vmem_shared>>
    tpu.enqueue_indirect_dma source(%dma_start3A_215 : memref<128x64xf32, #tpu.memory_space<vmem>>) target(%dma_start3A_221 : memref<10240x64xf32, #tpu.memory_space<vmem_shared>>) offsets(%dma_start3A_218 : memref<128xi32, #tpu.memory_space<vmem>>) semaphore(%arg22 : memref<!tpu.dma_semaphore, #tpu.memory_space<semaphore_mem>>) {add = true}
    %dma_wait3A_222 = arith.constant 0 : i32
    %dma_wait3A_223 = arith.constant 78 : i32
    %dma_wait3A_224 = arith.constant 0 : i32
    %dma_wait3A_225 = arith.constant 0 : i32
    %dma_wait3A_226 = tpu.memref_slice %arg9[%dma_wait3A_222, %dma_wait3A_224, %dma_wait3A_225] : memref<6x128x64xf32, #tpu.memory_space<vmem>> -> memref<1x128x64xf32, #tpu.memory_space<vmem>>
    %dma_wait3A_227 = tpu.memref_squeeze %dma_wait3A_226 : memref<1x128x64xf32, #tpu.memory_space<vmem>> -> memref<128x64xf32, #tpu.memory_space<vmem>>
    %dma_wait3A_228 = arith.constant 0 : i32
    %dma_wait3A_229 = tpu.memref_slice %arg8[%dma_wait3A_223, %dma_wait3A_228] : memref<84x128xi32, #tpu.memory_space<vmem>> -> memref<1x128xi32, #tpu.memory_space<vmem>>
    %dma_wait3A_230 = tpu.memref_squeeze %dma_wait3A_229 : memref<1x128xi32, #tpu.memory_space<vmem>> -> memref<128xi32, #tpu.memory_space<vmem>>
    %dma_wait3A_231 = arith.constant 0 : i32
    %dma_wait3A_232 = arith.constant 0 : i32
    %dma_wait3A_233 = tpu.memref_slice %arg10[%dma_wait3A_231, %dma_wait3A_232] : memref<10240x64xf32, #tpu.memory_space<vmem_shared>> -> memref<10240x64xf32, #tpu.memory_space<vmem_shared>>
    tpu.wait_indirect_dma semaphore(%arg17 : memref<!tpu.dma_semaphore, #tpu.memory_space<semaphore_mem>>) src(%dma_wait3A_227 : memref<128x64xf32, #tpu.memory_space<vmem>>) dst(%dma_wait3A_233 : memref<10240x64xf32, #tpu.memory_space<vmem_shared>>)
    %dma_wait3A_234 = arith.constant 1 : i32
    %dma_wait3A_235 = arith.constant 79 : i32
    %dma_wait3A_236 = arith.constant 0 : i32
    %dma_wait3A_237 = arith.constant 0 : i32
    %dma_wait3A_238 = tpu.memref_slice %arg9[%dma_wait3A_234, %dma_wait3A_236, %dma_wait3A_237] : memref<6x128x64xf32, #tpu.memory_space<vmem>> -> memref<1x128x64xf32, #tpu.memory_space<vmem>>
    %dma_wait3A_239 = tpu.memref_squeeze %dma_wait3A_238 : memref<1x128x64xf32, #tpu.memory_space<vmem>> -> memref<128x64xf32, #tpu.memory_space<vmem>>
    %dma_wait3A_240 = arith.constant 0 : i32
    %dma_wait3A_241 = tpu.memref_slice %arg8[%dma_wait3A_235, %dma_wait3A_240] : memref<84x128xi32, #tpu.memory_space<vmem>> -> memref<1x128xi32, #tpu.memory_space<vmem>>
    %dma_wait3A_242 = tpu.memref_squeeze %dma_wait3A_241 : memref<1x128xi32, #tpu.memory_space<vmem>> -> memref<128xi32, #tpu.memory_space<vmem>>
    %dma_wait3A_243 = arith.constant 0 : i32
    %dma_wait3A_244 = arith.constant 0 : i32
    %dma_wait3A_245 = tpu.memref_slice %arg10[%dma_wait3A_243, %dma_wait3A_244] : memref<10240x64xf32, #tpu.memory_space<vmem_shared>> -> memref<10240x64xf32, #tpu.memory_space<vmem_shared>>
    tpu.wait_indirect_dma semaphore(%arg18 : memref<!tpu.dma_semaphore, #tpu.memory_space<semaphore_mem>>) src(%dma_wait3A_239 : memref<128x64xf32, #tpu.memory_space<vmem>>) dst(%dma_wait3A_245 : memref<10240x64xf32, #tpu.memory_space<vmem_shared>>)
    %dma_wait3A_246 = arith.constant 2 : i32
    %dma_wait3A_247 = arith.constant 80 : i32
    %dma_wait3A_248 = arith.constant 0 : i32
    %dma_wait3A_249 = arith.constant 0 : i32
    %dma_wait3A_250 = tpu.memref_slice %arg9[%dma_wait3A_246, %dma_wait3A_248, %dma_wait3A_249] : memref<6x128x64xf32, #tpu.memory_space<vmem>> -> memref<1x128x64xf32, #tpu.memory_space<vmem>>
    %dma_wait3A_251 = tpu.memref_squeeze %dma_wait3A_250 : memref<1x128x64xf32, #tpu.memory_space<vmem>> -> memref<128x64xf32, #tpu.memory_space<vmem>>
    %dma_wait3A_252 = arith.constant 0 : i32
    %dma_wait3A_253 = tpu.memref_slice %arg8[%dma_wait3A_247, %dma_wait3A_252] : memref<84x128xi32, #tpu.memory_space<vmem>> -> memref<1x128xi32, #tpu.memory_space<vmem>>
    %dma_wait3A_254 = tpu.memref_squeeze %dma_wait3A_253 : memref<1x128xi32, #tpu.memory_space<vmem>> -> memref<128xi32, #tpu.memory_space<vmem>>
    %dma_wait3A_255 = arith.constant 0 : i32
    %dma_wait3A_256 = arith.constant 0 : i32
    %dma_wait3A_257 = tpu.memref_slice %arg10[%dma_wait3A_255, %dma_wait3A_256] : memref<10240x64xf32, #tpu.memory_space<vmem_shared>> -> memref<10240x64xf32, #tpu.memory_space<vmem_shared>>
    tpu.wait_indirect_dma semaphore(%arg19 : memref<!tpu.dma_semaphore, #tpu.memory_space<semaphore_mem>>) src(%dma_wait3A_251 : memref<128x64xf32, #tpu.memory_space<vmem>>) dst(%dma_wait3A_257 : memref<10240x64xf32, #tpu.memory_space<vmem_shared>>)
    %dma_wait3A_258 = arith.constant 3 : i32
    %dma_wait3A_259 = arith.constant 81 : i32
    %dma_wait3A_260 = arith.constant 0 : i32
    %dma_wait3A_261 = arith.constant 0 : i32
    %dma_wait3A_262 = tpu.memref_slice %arg9[%dma_wait3A_258, %dma_wait3A_260, %dma_wait3A_261] : memref<6x128x64xf32, #tpu.memory_space<vmem>> -> memref<1x128x64xf32, #tpu.memory_space<vmem>>
    %dma_wait3A_263 = tpu.memref_squeeze %dma_wait3A_262 : memref<1x128x64xf32, #tpu.memory_space<vmem>> -> memref<128x64xf32, #tpu.memory_space<vmem>>
    %dma_wait3A_264 = arith.constant 0 : i32
    %dma_wait3A_265 = tpu.memref_slice %arg8[%dma_wait3A_259, %dma_wait3A_264] : memref<84x128xi32, #tpu.memory_space<vmem>> -> memref<1x128xi32, #tpu.memory_space<vmem>>
    %dma_wait3A_266 = tpu.memref_squeeze %dma_wait3A_265 : memref<1x128xi32, #tpu.memory_space<vmem>> -> memref<128xi32, #tpu.memory_space<vmem>>
    %dma_wait3A_267 = arith.constant 0 : i32
    %dma_wait3A_268 = arith.constant 0 : i32
    %dma_wait3A_269 = tpu.memref_slice %arg10[%dma_wait3A_267, %dma_wait3A_268] : memref<10240x64xf32, #tpu.memory_space<vmem_shared>> -> memref<10240x64xf32, #tpu.memory_space<vmem_shared>>
    tpu.wait_indirect_dma semaphore(%arg20 : memref<!tpu.dma_semaphore, #tpu.memory_space<semaphore_mem>>) src(%dma_wait3A_263 : memref<128x64xf32, #tpu.memory_space<vmem>>) dst(%dma_wait3A_269 : memref<10240x64xf32, #tpu.memory_space<vmem_shared>>)
    %dma_wait3A_270 = arith.constant 4 : i32
    %dma_wait3A_271 = arith.constant 82 : i32
    %dma_wait3A_272 = arith.constant 0 : i32
    %dma_wait3A_273 = arith.constant 0 : i32
    %dma_wait3A_274 = tpu.memref_slice %arg9[%dma_wait3A_270, %dma_wait3A_272, %dma_wait3A_273] : memref<6x128x64xf32, #tpu.memory_space<vmem>> -> memref<1x128x64xf32, #tpu.memory_space<vmem>>
    %dma_wait3A_275 = tpu.memref_squeeze %dma_wait3A_274 : memref<1x128x64xf32, #tpu.memory_space<vmem>> -> memref<128x64xf32, #tpu.memory_space<vmem>>
    %dma_wait3A_276 = arith.constant 0 : i32
    %dma_wait3A_277 = tpu.memref_slice %arg8[%dma_wait3A_271, %dma_wait3A_276] : memref<84x128xi32, #tpu.memory_space<vmem>> -> memref<1x128xi32, #tpu.memory_space<vmem>>
    %dma_wait3A_278 = tpu.memref_squeeze %dma_wait3A_277 : memref<1x128xi32, #tpu.memory_space<vmem>> -> memref<128xi32, #tpu.memory_space<vmem>>
    %dma_wait3A_279 = arith.constant 0 : i32
    %dma_wait3A_280 = arith.constant 0 : i32
    %dma_wait3A_281 = tpu.memref_slice %arg10[%dma_wait3A_279, %dma_wait3A_280] : memref<10240x64xf32, #tpu.memory_space<vmem_shared>> -> memref<10240x64xf32, #tpu.memory_space<vmem_shared>>
    tpu.wait_indirect_dma semaphore(%arg21 : memref<!tpu.dma_semaphore, #tpu.memory_space<semaphore_mem>>) src(%dma_wait3A_275 : memref<128x64xf32, #tpu.memory_space<vmem>>) dst(%dma_wait3A_281 : memref<10240x64xf32, #tpu.memory_space<vmem_shared>>)
    %dma_wait3A_282 = arith.constant 5 : i32
    %dma_wait3A_283 = arith.constant 83 : i32
    %dma_wait3A_284 = arith.constant 0 : i32
    %dma_wait3A_285 = arith.constant 0 : i32
    %dma_wait3A_286 = tpu.memref_slice %arg9[%dma_wait3A_282, %dma_wait3A_284, %dma_wait3A_285] : memref<6x128x64xf32, #tpu.memory_space<vmem>> -> memref<1x128x64xf32, #tpu.memory_space<vmem>>
    %dma_wait3A_287 = tpu.memref_squeeze %dma_wait3A_286 : memref<1x128x64xf32, #tpu.memory_space<vmem>> -> memref<128x64xf32, #tpu.memory_space<vmem>>
    %dma_wait3A_288 = arith.constant 0 : i32
    %dma_wait3A_289 = tpu.memref_slice %arg8[%dma_wait3A_283, %dma_wait3A_288] : memref<84x128xi32, #tpu.memory_space<vmem>> -> memref<1x128xi32, #tpu.memory_space<vmem>>
    %dma_wait3A_290 = tpu.memref_squeeze %dma_wait3A_289 : memref<1x128xi32, #tpu.memory_space<vmem>> -> memref<128xi32, #tpu.memory_space<vmem>>
    %dma_wait3A_291 = arith.constant 0 : i32
    %dma_wait3A_292 = arith.constant 0 : i32
    %dma_wait3A_293 = tpu.memref_slice %arg10[%dma_wait3A_291, %dma_wait3A_292] : memref<10240x64xf32, #tpu.memory_space<vmem_shared>> -> memref<10240x64xf32, #tpu.memory_space<vmem_shared>>
    tpu.wait_indirect_dma semaphore(%arg22 : memref<!tpu.dma_semaphore, #tpu.memory_space<semaphore_mem>>) src(%dma_wait3A_287 : memref<128x64xf32, #tpu.memory_space<vmem>>) dst(%dma_wait3A_293 : memref<10240x64xf32, #tpu.memory_space<vmem_shared>>)
    %barrier3A_294 = arith.constant 0 : index
    tpu.barrier barrier_id(%barrier3A_294)
    "tpu.region"() ({
      %run_scoped3A = tpu.sem_alloc : memref<!tpu.dma_semaphore, #tpu.memory_space<semaphore_mem>>
      %dma_start3A_295 = arith.constant 0 : i32
      %dma_start3A_296 = tpu.memref_slice %arg6[%arg0, %mul3A_2, %dma_start3A_295] : memref<2x10240x64xf32, #tpu.memory_space<hbm>> -> memref<1x640x64xf32, #tpu.memory_space<hbm>>
      %dma_start3A_297 = tpu.memref_squeeze %dma_start3A_296 : memref<1x640x64xf32, #tpu.memory_space<hbm>> -> memref<640x64xf32, #tpu.memory_space<hbm>>
      %dma_start3A_298 = arith.constant 0 : i32
      %dma_start3A_299 = tpu.memref_slice %arg10[%mul3A_2, %dma_start3A_298] : memref<10240x64xf32, #tpu.memory_space<vmem_shared>> -> memref<640x64xf32, #tpu.memory_space<vmem_shared>>
      tpu.enqueue_dma source(%dma_start3A_299 : memref<640x64xf32, #tpu.memory_space<vmem_shared>>) target(%dma_start3A_297 : memref<640x64xf32, #tpu.memory_space<hbm>>) target_semaphore(%run_scoped3A : memref<!tpu.dma_semaphore, #tpu.memory_space<semaphore_mem>>)
      %dma_wait3A_300 = arith.constant 0 : i32
      %dma_wait3A_301 = tpu.memref_slice %arg6[%arg0, %mul3A_2, %dma_wait3A_300] : memref<2x10240x64xf32, #tpu.memory_space<hbm>> -> memref<1x640x64xf32, #tpu.memory_space<hbm>>
      %dma_wait3A_302 = tpu.memref_squeeze %dma_wait3A_301 : memref<1x640x64xf32, #tpu.memory_space<hbm>> -> memref<640x64xf32, #tpu.memory_space<hbm>>
      %dma_wait3A_303 = arith.constant 0 : i32
      %dma_wait3A_304 = tpu.memref_slice %arg10[%mul3A_2, %dma_wait3A_303] : memref<10240x64xf32, #tpu.memory_space<vmem_shared>> -> memref<640x64xf32, #tpu.memory_space<vmem_shared>>
      tpu.wait_dma2 semaphore(%run_scoped3A : memref<!tpu.dma_semaphore, #tpu.memory_space<semaphore_mem>>) src(%dma_wait3A_304 : memref<640x64xf32, #tpu.memory_space<vmem_shared>>) dst(%dma_wait3A_302 : memref<640x64xf32, #tpu.memory_space<hbm>>)
      tpu.yield
    }) : () -> ()
    return
  }
}

module attributes {stable_mosaic.version = 14 : i64} {
  func.func @_k2_body(%arg0: i32, %arg1: memref<1024x128xf32, #tpu.memory_space<vmem>>, %arg2: memref<128x64xf32, #tpu.memory_space<vmem>>, %arg3: memref<2x1024x1xf32, #tpu.memory_space<vmem>>, %arg4: memref<1024x64xf32, #tpu.memory_space<vmem>>) attributes {dimension_semantics = [#tpu.dimension_semantics<arbitrary>], iteration_bounds = array<i64: 10>, scalar_prefetch = 0 : i64, scratch_operands = 0 : i64, tpu.core_type = #tpu.core_type<tc>, window_params = [{transform_indices = @transform_0, window_bounds = array<i64: 1024, 128>}, {pipeline_mode = #tpu.pipeline_mode<synchronous>, transform_indices = @transform_1, window_bounds = array<i64: 128, 64>}, {transform_indices = @transform_2, window_bounds = array<i64: 2, 1024, 1>}, {transform_indices = @transform_3, window_bounds = array<i64: 1024, 64>}]} {
    %get3A = arith.constant 0 : index
    %get3A_0 = arith.constant 0 : index
    %get3A_1 = vector.load %arg1[%get3A, %get3A_0] : memref<1024x128xf32, #tpu.memory_space<vmem>>, vector<1024x128xf32>
    %get3A_2 = arith.constant 0 : index
    %get3A_3 = arith.constant 0 : index
    %get3A_4 = vector.load %arg2[%get3A_2, %get3A_3] : memref<128x64xf32, #tpu.memory_space<vmem>>, vector<128x64xf32>
    %dot_general3A = arith.constant dense<0.000000e+00> : vector<1024x64xf32>
    %dot_general3A_5 = tpu.matmul %get3A_1, %get3A_4, %dot_general3A {dimension_numbers = #tpu.dot_dimension_numbers<[1], [0], [0], [1], [0, 0, 1, 1], [], []>, transpose_lhs_hint = false} : vector<1024x128xf32>, vector<128x64xf32>, vector<1024x64xf32> -> vector<1024x64xf32>
    %get3A_6 = arith.constant 0 : index
    %get3A_7 = arith.constant 0 : index
    %get3A_8 = arith.constant 0 : index
    %get3A_9 = vector.load %arg3[%get3A_6, %get3A_7, %get3A_8] : memref<2x1024x1xf32, #tpu.memory_space<vmem>>, vector<1x1024x1xf32>
    %get3A_10 = vector.shape_cast %get3A_9 : vector<1x1024x1xf32> to vector<1024x1xf32>
    %get3A_11 = arith.constant 1 : index
    %get3A_12 = arith.constant 0 : index
    %get3A_13 = arith.constant 0 : index
    %get3A_14 = vector.load %arg3[%get3A_11, %get3A_12, %get3A_13] : memref<2x1024x1xf32, #tpu.memory_space<vmem>>, vector<1x1024x1xf32>
    %get3A_15 = vector.shape_cast %get3A_14 : vector<1x1024x1xf32> to vector<1024x1xf32>
    %add3A = arith.addf %get3A_10, %get3A_15 : vector<1024x1xf32>
    %rsqrt3A = math.rsqrt %add3A : vector<1024x1xf32>
    %mul3A = vector.broadcast %rsqrt3A : vector<1024x1xf32> to vector<1024x64xf32>
    %mul3A_16 = arith.mulf %dot_general3A_5, %mul3A : vector<1024x64xf32>
    %swap3A = arith.constant 0 : index
    %swap3A_17 = arith.constant 0 : index
    %swap3A_18 = vector.load %arg4[%swap3A, %swap3A_17] : memref<1024x64xf32, #tpu.memory_space<vmem>>, vector<1024x64xf32>
    tpu.vector_store %arg4[%swap3A, %swap3A_17], %mul3A_16 {strides = array<i32>} : memref<1024x64xf32, #tpu.memory_space<vmem>>, vector<1024x64xf32>,
    return
  }
  func.func @transform_0(%arg0: i32) -> (i32, i32) {
    %c0_i32 = arith.constant 0 : i32
    %c0_i32_0 = arith.constant 0 : i32
    return %arg0, %c0_i32 : i32, i32
  }
  func.func @transform_1(%arg0: i32) -> (i32, i32) {
    %c0_i32 = arith.constant 0 : i32
    %c0_i32_0 = arith.constant 0 : i32
    %c0_i32_1 = arith.constant 0 : i32
    return %c0_i32, %c0_i32_0 : i32, i32
  }
  func.func @transform_2(%arg0: i32) -> (i32, i32, i32) {
    %c0_i32 = arith.constant 0 : i32
    %c0_i32_0 = arith.constant 0 : i32
    %c0_i32_1 = arith.constant 0 : i32
    return %c0_i32, %arg0, %c0_i32_0 : i32, i32, i32
  }
  func.func @transform_3(%arg0: i32) -> (i32, i32) {
    %c0_i32 = arith.constant 0 : i32
    %c0_i32_0 = arith.constant 0 : i32
    return %arg0, %c0_i32 : i32, i32
  }
}

module attributes {stable_mosaic.version = 14 : i64} {
  func.func @_k4_body(%arg0: i32, %arg1: memref<2x1024x64xf32, #tpu.memory_space<vmem>>, %arg2: memref<2x1024x1xf32, #tpu.memory_space<vmem>>, %arg3: memref<64x8xf32, #tpu.memory_space<vmem>>, %arg4: memref<1x64xf32, #tpu.memory_space<vmem>>, %arg5: memref<1024x8xf32, #tpu.memory_space<vmem>>) attributes {dimension_semantics = [#tpu.dimension_semantics<arbitrary>], iteration_bounds = array<i64: 10>, scalar_prefetch = 0 : i64, scratch_operands = 0 : i64, tpu.core_type = #tpu.core_type<tc>, window_params = [{transform_indices = @transform_0, window_bounds = array<i64: 2, 1024, 64>}, {transform_indices = @transform_1, window_bounds = array<i64: 2, 1024, 1>}, {pipeline_mode = #tpu.pipeline_mode<synchronous>, transform_indices = @transform_2, window_bounds = array<i64: 64, 8>}, {pipeline_mode = #tpu.pipeline_mode<synchronous>, transform_indices = @transform_3, window_bounds = array<i64: 1, 64>}, {transform_indices = @transform_4, window_bounds = array<i64: 1024, 8>}]} {
    %get3A = arith.constant 0 : index
    %get3A_0 = arith.constant 0 : index
    %get3A_1 = arith.constant 0 : index
    %get3A_2 = vector.load %arg2[%get3A, %get3A_0, %get3A_1] : memref<2x1024x1xf32, #tpu.memory_space<vmem>>, vector<1x1024x1xf32>
    %get3A_3 = vector.shape_cast %get3A_2 : vector<1x1024x1xf32> to vector<1024x1xf32>
    %get3A_4 = arith.constant 1 : index
    %get3A_5 = arith.constant 0 : index
    %get3A_6 = arith.constant 0 : index
    %get3A_7 = vector.load %arg2[%get3A_4, %get3A_5, %get3A_6] : memref<2x1024x1xf32, #tpu.memory_space<vmem>>, vector<1x1024x1xf32>
    %get3A_8 = vector.shape_cast %get3A_7 : vector<1x1024x1xf32> to vector<1024x1xf32>
    %add3A = arith.addf %get3A_3, %get3A_8 : vector<1024x1xf32>
    %rsqrt3A = math.rsqrt %add3A : vector<1024x1xf32>
    %get3A_9 = arith.constant 0 : index
    %get3A_10 = arith.constant 0 : index
    %get3A_11 = arith.constant 0 : index
    %get3A_12 = vector.load %arg1[%get3A_9, %get3A_10, %get3A_11] : memref<2x1024x64xf32, #tpu.memory_space<vmem>>, vector<1x1024x64xf32>
    %get3A_13 = vector.shape_cast %get3A_12 : vector<1x1024x64xf32> to vector<1024x64xf32>
    %get3A_14 = arith.constant 1 : index
    %get3A_15 = arith.constant 0 : index
    %get3A_16 = arith.constant 0 : index
    %get3A_17 = vector.load %arg1[%get3A_14, %get3A_15, %get3A_16] : memref<2x1024x64xf32, #tpu.memory_space<vmem>>, vector<1x1024x64xf32>
    %get3A_18 = vector.shape_cast %get3A_17 : vector<1x1024x64xf32> to vector<1024x64xf32>
    %add3A_19 = arith.addf %get3A_13, %get3A_18 : vector<1024x64xf32>
    %mul3A = vector.broadcast %rsqrt3A : vector<1024x1xf32> to vector<1024x64xf32>
    %mul3A_20 = arith.mulf %mul3A, %add3A_19 : vector<1024x64xf32>
    %get3A_21 = arith.constant 0 : index
    %get3A_22 = arith.constant 0 : index
    %get3A_23 = vector.load %arg4[%get3A_21, %get3A_22] : memref<1x64xf32, #tpu.memory_space<vmem>>, vector<1x64xf32>
    %add3A_24 = vector.broadcast %get3A_23 : vector<1x64xf32> to vector<1024x64xf32>
    %add3A_25 = arith.addf %mul3A_20, %add3A_24 : vector<1024x64xf32>
    %max3A = arith.constant 0.000000e+00 : f32
    %max3A_26 = vector.broadcast %max3A : f32 to vector<1024x64xf32>
    %max3A_27 = arith.maximumf %add3A_25, %max3A_26 : vector<1024x64xf32>
    %get3A_28 = arith.constant 0 : index
    %get3A_29 = arith.constant 0 : index
    %get3A_30 = vector.load %arg3[%get3A_28, %get3A_29] : memref<64x8xf32, #tpu.memory_space<vmem>>, vector<64x8xf32>
    %dot_general3A = arith.constant dense<0.000000e+00> : vector<1024x8xf32>
    %dot_general3A_31 = tpu.matmul %max3A_27, %get3A_30, %dot_general3A {dimension_numbers = #tpu.dot_dimension_numbers<[1], [0], [0], [1], [0, 0, 1, 1], [], []>, transpose_lhs_hint = false} : vector<1024x64xf32>, vector<64x8xf32>, vector<1024x8xf32> -> vector<1024x8xf32>
    %mul3A_32 = vector.broadcast %rsqrt3A : vector<1024x1xf32> to vector<1024x8xf32>
    %mul3A_33 = arith.mulf %dot_general3A_31, %mul3A_32 : vector<1024x8xf32>
    %swap3A = arith.constant 0 : index
    %swap3A_34 = arith.constant 0 : index
    %swap3A_35 = vector.load %arg5[%swap3A, %swap3A_34] : memref<1024x8xf32, #tpu.memory_space<vmem>>, vector<1024x8xf32>
    tpu.vector_store %arg5[%swap3A, %swap3A_34], %mul3A_33 {strides = array<i32>} : memref<1024x8xf32, #tpu.memory_space<vmem>>, vector<1024x8xf32>,
    return
  }
  func.func @transform_0(%arg0: i32) -> (i32, i32, i32) {
    %c0_i32 = arith.constant 0 : i32
    %c0_i32_0 = arith.constant 0 : i32
    %c0_i32_1 = arith.constant 0 : i32
    return %c0_i32, %arg0, %c0_i32_0 : i32, i32, i32
  }
  func.func @transform_1(%arg0: i32) -> (i32, i32, i32) {
    %c0_i32 = arith.constant 0 : i32
    %c0_i32_0 = arith.constant 0 : i32
    %c0_i32_1 = arith.constant 0 : i32
    return %c0_i32, %arg0, %c0_i32_0 : i32, i32, i32
  }
  func.func @transform_2(%arg0: i32) -> (i32, i32) {
    %c0_i32 = arith.constant 0 : i32
    %c0_i32_0 = arith.constant 0 : i32
    %c0_i32_1 = arith.constant 0 : i32
    return %c0_i32, %c0_i32_0 : i32, i32
  }
  func.func @transform_3(%arg0: i32) -> (i32, i32) {
    %c0_i32 = arith.constant 0 : i32
    %c0_i32_0 = arith.constant 0 : i32
    %c0_i32_1 = arith.constant 0 : i32
    return %c0_i32, %c0_i32_0 : i32, i32
  }
  func.func @transform_4(%arg0: i32) -> (i32, i32) {
    %c0_i32 = arith.constant 0 : i32
    %c0_i32_0 = arith.constant 0 : i32
    return %arg0, %c0_i32 : i32, i32
  }
}

module attributes {stable_mosaic.version = 14 : i64} {
  func.func @_k6_body(%arg0: i32, %arg1: memref<2x1000x8xf32, #tpu.memory_space<vmem>>, %arg2: memref<2x1000x1xf32, #tpu.memory_space<vmem>>, %arg3: memref<1x8xf32, #tpu.memory_space<vmem>>, %arg4: memref<1000x2xf32, #tpu.memory_space<vmem>>) attributes {dimension_semantics = [#tpu.dimension_semantics<arbitrary>], iteration_bounds = array<i64: 10>, scalar_prefetch = 0 : i64, scratch_operands = 0 : i64, tpu.core_type = #tpu.core_type<tc>, window_params = [{transform_indices = @transform_0, window_bounds = array<i64: 2, 1000, 8>}, {transform_indices = @transform_1, window_bounds = array<i64: 2, 1000, 1>}, {pipeline_mode = #tpu.pipeline_mode<synchronous>, transform_indices = @transform_2, window_bounds = array<i64: 1, 8>}, {transform_indices = @transform_3, window_bounds = array<i64: 1000, 2>}]} {
    %get3A = arith.constant 0 : index
    %get3A_0 = arith.constant 0 : index
    %get3A_1 = arith.constant 0 : index
    %get3A_2 = vector.load %arg2[%get3A, %get3A_0, %get3A_1] : memref<2x1000x1xf32, #tpu.memory_space<vmem>>, vector<1x1000x1xf32>
    %get3A_3 = vector.shape_cast %get3A_2 : vector<1x1000x1xf32> to vector<1000x1xf32>
    %get3A_4 = arith.constant 1 : index
    %get3A_5 = arith.constant 0 : index
    %get3A_6 = arith.constant 0 : index
    %get3A_7 = vector.load %arg2[%get3A_4, %get3A_5, %get3A_6] : memref<2x1000x1xf32, #tpu.memory_space<vmem>>, vector<1x1000x1xf32>
    %get3A_8 = vector.shape_cast %get3A_7 : vector<1x1000x1xf32> to vector<1000x1xf32>
    %add3A = arith.addf %get3A_3, %get3A_8 : vector<1000x1xf32>
    %rsqrt3A = math.rsqrt %add3A : vector<1000x1xf32>
    %get3A_9 = arith.constant 0 : index
    %get3A_10 = arith.constant 0 : index
    %get3A_11 = arith.constant 0 : index
    %get3A_12 = vector.load %arg1[%get3A_9, %get3A_10, %get3A_11] : memref<2x1000x8xf32, #tpu.memory_space<vmem>>, vector<1x1000x8xf32>
    %get3A_13 = vector.shape_cast %get3A_12 : vector<1x1000x8xf32> to vector<1000x8xf32>
    %get3A_14 = arith.constant 1 : index
    %get3A_15 = arith.constant 0 : index
    %get3A_16 = arith.constant 0 : index
    %get3A_17 = vector.load %arg1[%get3A_14, %get3A_15, %get3A_16] : memref<2x1000x8xf32, #tpu.memory_space<vmem>>, vector<1x1000x8xf32>
    %get3A_18 = vector.shape_cast %get3A_17 : vector<1x1000x8xf32> to vector<1000x8xf32>
    %add3A_19 = arith.addf %get3A_13, %get3A_18 : vector<1000x8xf32>
    %mul3A = vector.broadcast %rsqrt3A : vector<1000x1xf32> to vector<1000x8xf32>
    %mul3A_20 = arith.mulf %mul3A, %add3A_19 : vector<1000x8xf32>
    %get3A_21 = arith.constant 0 : index
    %get3A_22 = arith.constant 0 : index
    %get3A_23 = vector.load %arg3[%get3A_21, %get3A_22] : memref<1x8xf32, #tpu.memory_space<vmem>>, vector<1x8xf32>
    %add3A_24 = vector.broadcast %get3A_23 : vector<1x8xf32> to vector<1000x8xf32>
    %add3A_25 = arith.addf %mul3A_20, %add3A_24 : vector<1000x8xf32>
    %slice3A = vector.extract_strided_slice %add3A_25 {offsets = [0, 0], sizes = [1000, 2], strides = [1, 1]} : vector<1000x8xf32> to vector<1000x2xf32>
    %swap3A = arith.constant 0 : index
    %swap3A_26 = arith.constant 0 : index
    %swap3A_27 = vector.load %arg4[%swap3A, %swap3A_26] : memref<1000x2xf32, #tpu.memory_space<vmem>>, vector<1000x2xf32>
    tpu.vector_store %arg4[%swap3A, %swap3A_26], %slice3A {strides = array<i32>} : memref<1000x2xf32, #tpu.memory_space<vmem>>, vector<1000x2xf32>,
    return
  }
  func.func @transform_0(%arg0: i32) -> (i32, i32, i32) {
    %c0_i32 = arith.constant 0 : i32
    %c0_i32_0 = arith.constant 0 : i32
    %c0_i32_1 = arith.constant 0 : i32
    return %c0_i32, %arg0, %c0_i32_0 : i32, i32, i32
  }
  func.func @transform_1(%arg0: i32) -> (i32, i32, i32) {
    %c0_i32 = arith.constant 0 : i32
    %c0_i32_0 = arith.constant 0 : i32
    %c0_i32_1 = arith.constant 0 : i32
    return %c0_i32, %arg0, %c0_i32_0 : i32, i32, i32
  }
  func.func @transform_2(%arg0: i32) -> (i32, i32) {
    %c0_i32 = arith.constant 0 : i32
    %c0_i32_0 = arith.constant 0 : i32
    %c0_i32_1 = arith.constant 0 : i32
    return %c0_i32, %c0_i32_0 : i32, i32
  }
  func.func @transform_3(%arg0: i32) -> (i32, i32) {
    %c0_i32 = arith.constant 0 : i32
    %c0_i32_0 = arith.constant 0 : i32
    return %arg0, %c0_i32 : i32, i32
  }
}

</mosaic_0001>

<sc_bundles>
// kernel: kernel.11.cloned.1.call-start
scs
__scs_entry_jumppad:
0x0: {  	(pc) =	sbr.rel $0x88, $3  }
0x1: {  	(tag) =	ssettag $0x0;
	lr =	simm.s32 $0x1  }
0x2: {  	[smem:$0x3F9B] =	sst lr;
	_ =	strace $0xD0000000  }
0x3: {  	_ = 	snop  }
0x4: {  	_ = 	snop  }
0x5: {  	_ = 	snop  }
0x6: {  	_ = 	snop  }
0x7: {  	_ = 	snop  }
__scs_overlays_trampoline_lowered:
0x8: {  	[smem:$0x3FAA] =	sst s0  }
0x9: {  	[smem:$0x3FAB] =	sst s1  }
0xa: {  	[smem:$0x3FAC] =	sst s2  }
0xb: {  	[smem:$0x3FAD] =	sst s3  }
0xc: {  	[smem:$0x3FAE] =	sst s4  }
0xd: {  	[smem:$0x3FAF] =	sst s5  }
0xe: {  	[smem:$0x3FB0] =	sst s6  }
0xf: {  	[smem:$0x3FB1] =	sst s7  }
0x10: {  	[smem:$0x3FB2] =	sst s8  }
0x11: {  	[smem:$0x3FB3] =	sst s9;
	s0 =	simm.s32 @!p0 $0x0  }
0x12: {  	s1 =	sld [smem:$0x3F99];
	s0 =	simm.s32 @p0 $0x1  }
0x13: {  	[smem:$0x3FB4] =	sst s0;
	s0 =	simm.s32 @!p1 $0x0  }
0x14: {  	s2 =	sld [smem:$0x3F98];
	s0 =	simm.s32 @p1 $0x1  }
0x15: {  	[smem:$0x3FB5] =	sst s0;
	s0 =	simm.s32 @!p2 $0x0  }
0x16: {  	s3 =	sld [smem:$0x3FDB];
	s0 =	simm.s32 @p2 $0x1  }
0x17: {  	s4 =	simm.s32 $0x1BF5;
	[smem:$0x3FB7] =	sst s0  }
0x18: {  	s0 =	sld [smem:$0x3F9A];
	_ =	swait.ge [sflag:s4], $0x0  }
0x19: {  	s7 =	sld [smem:$0x3F9B]  }
0x1a: {  	s8 =	sadd.s32 $0xFFFFE003, lr  }
0x1b: {  	s9 =	sadd.s32 $0xFFFFFEF7, lr;
	s5 =	simm.s32 $0xFFFFFFFF;
	p2 =	slt.u32 s8, $0xFFFFF086  }
0x1c: {  	p1 =	slt.u32 s9, $0xF7A;
	s5 =	simm.s32 @!p2 $0x0  }
0x1d: {  	s5 =	simm.s32 @p1 $0x1;
	p0 =	seq.s32 s7, s2  }
0x1e: {  	s7 =	smul.u32 @!p0 $0xF7A, s2;
	p2 =	seq.s32 @!p0 s5, $0x0  }
0x1f: {  	s9 =	smul.u32 $0xF7A, s1;
	s8 =	simm.s32 @!p0 $0x1BF5;
	p2 =	por !p2, p0  }
0x20: {  	[sflag:s8] =	ssyncset.s32 @!p0 $0xFFFFF086;
	s6 =	sadd.s32 @!p0 s3, s7;
	s7 =	simm.s32 @!p0 $0x108  }
0x21: {  	s3 =	sadd.s32 s3, s9;
	s6 =	sadd.s32 @!p0 $0x88, s6;
	s7 =	simm.s32 @p2 $0x1082  }
0x22: {  	[simem:s7], [sflag:s8] =	dma.local @!p0 [hbm:s6], $0xF7A  }
0x23: {  	s9 =	sor.u32 $0xD0000000, s2;
	s6 =	simm.s32 $0x108;
	_ =	swait.ge @!p0 [sflag:s8], $0x0  }
0x24: {  	s3 =	sadd.s32 $0x88, s3;
	s6 =	simm.s32 @!p1 $0x1082;
	[sflag:s4] =	ssyncset.s32 $0xFFFFF086  }
0x25: {  	[simem:s6], [sflag:s4] =	dma.local [hbm:s3], $0xF7A  }
0x26: {  	[smem:$0x3F9B] =	sst s1;
	(tag) =	ssettag s2;
	_ =	strace s9  }
0x27: {  	s1 =	sld [smem:$0x3FAB]  }
0x28: {  	s2 =	sld [smem:$0x3FAC]  }
0x29: {  	s4 =	sld [smem:$0x3FAE]  }
0x2a: {  	p0 =	seq.s32 s5, $0x0;
	s5 =	sld [smem:$0x3FAF]  }
0x2b: {  	s6 =	sld [smem:$0x3FB0]  }
0x2c: {  	s7 =	sld [smem:$0x3FB1]  }
0x2d: {  	s3 =	simm.s32 $0x108;
	s8 =	sld [smem:$0x3FB2]  }
0x2e: {  	s3 =	simm.s32 @!p0 $0x1082;
	s9 =	sld [smem:$0x3FB3]  }
0x2f: {  	lr =	sadd.s32 s0, s3;
	s0 =	sld [smem:$0x3FAA]  }
0x30: {  	s3 =	sld [smem:$0x3FAD]  }
0x31: {  	[smem:$0x3FB6] =	sst s10  }
0x32: {  	s10 =	sld [smem:$0x3FB4];
	_ =	sdelay $0x3  }
0x33: {  	p0 =	seq.s32 s10, $0x1;
	s10 =	sld [smem:$0x3FB6];
	_ =	sdelay $0x3  }
0x34: {  	[smem:$0x3FB6] =	sst s10  }
0x35: {  	s10 =	sld [smem:$0x3FB5];
	_ =	sdelay $0x3  }
0x36: {  	p1 =	seq.s32 s10, $0x1;
	s10 =	sld [smem:$0x3FB6];
	_ =	sdelay $0x3  }
0x37: {  	[smem:$0x3FB6] =	sst s10  }
0x38: {  	s10 =	sld [smem:$0x3FB7]  }
0x39: {  	_ = 	snop;
	(pc) =	sbr.ind lr, $3  }
0x3a: {  	_ = 	snop  }
0x3b: {  	_ = 	snop  }
0x3c: {  	p2 =	seq.s32 s10, $0x1;
	s10 =	sld [smem:$0x3FB6]  }
0x3d: {  	_ =	shalt  }
0x3e: {  	_ =	shalt  }
0x3f: {  	_ =	shalt  }
0x40: {  	_ =	shalt  }
0x41: {  	_ =	shalt  }
0x42: {  	_ =	shalt  }
0x43: {  	_ =	shalt  }
0x44: {  	_ =	shalt  }
0x45: {  	_ =	shalt  }
0x46: {  	_ =	shalt  }
0x47: {  	_ =	shalt  }
0x48: {  	_ =	shalt  }
0x49: {  	_ =	shalt  }
0x4a: {  	_ =	shalt  }
0x4b: {  	_ =	shalt  }
0x4c: {  	_ =	shalt  }
0x4d: {  	_ =	shalt  }
0x4e: {  	_ =	shalt  }
0x4f: {  	_ =	shalt  }
0x50: {  	_ =	shalt  }
0x51: {  	_ =	shalt  }
0x52: {  	_ =	shalt  }
0x53: {  	_ =	shalt  }
0x54: {  	_ =	shalt  }
0x55: {  	_ =	shalt  }
0x56: {  	_ =	shalt  }
0x57: {  	_ =	shalt  }
0x58: {  	_ =	shalt  }
0x59: {  	_ =	shalt  }
0x5a: {  	_ =	shalt  }
0x5b: {  	_ =	shalt  }
0x5c: {  	_ =	shalt  }
0x5d: {  	_ =	shalt  }
0x5e: {  	_ =	shalt  }
0x5f: {  	_ =	shalt  }
0x60: {  	_ =	shalt  }
0x61: {  	_ =	shalt  }
0x62: {  	_ =	shalt  }
0x63: {  	_ =	shalt  }
0x64: {  	_ =	shalt  }
0x65: {  	_ =	shalt  }
0x66: {  	_ =	shalt  }
0x67: {  	_ =	shalt  }
0x68: {  	_ =	shalt  }
0x69: {  	_ =	shalt  }
0x6a: {  	_ =	shalt  }
0x6b: {  	_ =	shalt  }
0x6c: {  	_ =	shalt  }
0x6d: {  	_ =	shalt  }
0x6e: {  	_ =	shalt  }
0x6f: {  	_ =	shalt  }
0x70: {  	_ =	shalt  }
0x71: {  	_ =	shalt  }
0x72: {  	_ =	shalt  }
0x73: {  	_ =	shalt  }
0x74: {  	_ =	shalt  }
0x75: {  	_ =	shalt  }
0x76: {  	_ =	shalt  }
0x77: {  	_ =	shalt  }
0x78: {  	_ =	shalt  }
0x79: {  	_ =	shalt  }
0x7a: {  	_ =	shalt  }
0x7b: {  	_ =	shalt  }
0x7c: {  	_ =	shalt  }
0x7d: {  	_ =	shalt  }
0x7e: {  	_ =	shalt  }
0x7f: {  	_ =	shalt  }
0x80: {  	_ =	shalt  }
0x81: {  	_ =	shalt  }
0x82: {  	_ =	shalt  }
0x83: {  	_ =	shalt  }
0x84: {  	_ =	shalt  }
0x85: {  	_ =	shalt  }
0x86: {  	_ =	shalt  }
0x87: {  	_ =	shalt  }
.Lfunc_end0:
.L_simem_size_0:
called_computation.1_lowered:
.L_overlay_start_0:
0x88: {  	s2 =	sld [smem:$0x3FD9]  }
0x89: {  	s3 =	sld [smem:$0x3FFE];
	_ =	sdelay $0x1  }
0x8a: {  	s1 =	srdreg.scid  }
0x8b: {  	s0 =	sand.u32 $0x1, s1  }
0x8c: {  	s16 =	sshll.u32 s0, $0xA;
	s2 =	sadd.s32 s3, s2  }
0x8d: {  	s2 =	sadd.s32 s2, s16  }
0x8e: {  	[smem:$0x3FC2] =	sst s2  }
0x8f: {  	_ = 	snop  }
0x90: {  	(tm) =	ssettm $0x1  }
0x91: {  	s17 =	sld [smem:$0x3FFB];
	_ =	sdelay $0x3  }
0x92: {  	_ =	strace s17  }
0x93: {  	s2 =	sld [smem:$0x3FFC];
	_ =	sdelay $0x3  }
0x94: {  	_ =	strace s2  }
0x95: {  	s2 =	sld [smem:$0x3FFD];
	_ =	sdelay $0x3  }
0x96: {  	_ =	strace s2  }
0x97: {  	_ =	strace $0x8FFFFFFF  }
0x98: {  	s18 =	sld [smem:$0x3FDB];
	_ =	sdelay $0x1  }
0x99: {  	s19 =	simm.s32 $_scs_section_size  }
0x9a: {  	s4 =	simm.s32 $_size__tile_overlayer_lowered;
	s5 =	simm.s32 $_tile_overlayer_lowered  }
0x9b: {  	s22 =	simm.s32 $0x1BFF;
	s21 =	sshll.u32 s5, $0x1;
	s2 =	sadd.s32 s19, s18  }
0x9c: {  	s6 =	simm.s32 $0x0;
	s20 =	sshll.u32 s4, $0x1;
	s4 =	sadd.s32 s21, s2  }
0x9d: {  	[timem:s6], [sflag:s22] =	dma.local [hbm:s4], s20  }
0x9e: {  	_ =	swait.ge [sflag:s22], s20  }
0x9f: {  	s3 =	ssub.s32 $0x0, s20;
	[sflag:s22] =	ssyncset.done $0x0  }
0xa0: {  	[sflag:s22] =	ssyncadd.s32 s3;
	_ =	sdelay $0x1  }
0xa1: {  	s23 =	simm.s32 $0x1B8B  }
0xa2: {  	_ =	swait.ge [sflag:s23], $0x1  }
0xa3: {  	[sflag:s23] =	ssyncset.done $0x0  }
0xa4: {  	s25 =	simm.s32 $0x1B8E;
	s24 =	sld [smem:$0x3FFE];
	[sflag:s23] =	ssyncadd.s32 $0xFFFFFFFF  }
0xa5: {  	s26 =	simm.s32 $execute0_lowered;
	[smem:$0x3FD2] =	sst s25  }
0xa6: {  	s4 =	sshll.u32 s26, $0x1;
	_ =	strace $0x80000049;
	[dreg:$0x1] =	wrdreg $0xFFFFFFFF  }
0xa7: {  	s28 =	simm.s32 $_size_execute0_lowered;
	s2 =	sadd.s32 s2, s4;
	[dreg:$0x0] =	wrdreg $0x0  }
0xa8: {  	s4 =	sshll.u32 s28, $0x1;
	[dreg:$0x2] =	wrdreg s2  }
0xa9: {  	[dreg:$0x3] =	wrdreg s4  }
0xaa: {  	[dreg:$0x4] =	wrdreg $0xC0  }
0xab: {  	_ =	task [dreg:s6], $0x5FFFF  }
0xac: {  	[dreg:$0x1] =	wrdreg $0xFFFFFFFF  }
0xad: {  	[dreg:$0x0] =	wrdreg $0x60  }
0xae: {  	[dreg:$0x2] =	wrdreg s24  }
0xaf: {  	[dreg:$0x3] =	wrdreg $0x114000  }
0xb0: {  	[dreg:$0x4] =	wrdreg $0x9  }
0xb1: {  	_ =	task.clear_ibuf [dreg:s6], $0x5FFFF;
	_ =	strace $0x90000049  }
0xb2: {  	s29 =	simm.s32 $0x9;
	_ =	strace $0x8000004B  }
0xb3: {  	_ =	swait.ge [sflag:s29], $0x1  }
0xb4: {  	[sflag:s29] =	ssyncadd.s32 $0xFFFFFFFF  }
0xb5: {  	_ =	strace $0x9000004B  }
0xb6: {  	_ =	sfence  }
0xb7: {  	s30 =	sld [smem:$0x0];
	_ =	sdelay $0x2  }
0xb8: {  	s31 =	sshll.u32 s1, $0xD;
	s1 =	sshrl.u32 s1, $0x2  }
0xb9: {  	s3 =	sand.u32 $0x4000, s31;
	s1 =	sadd.s32 s1, s30  }
0xba: {  	s0 =	sor.u32 s3, s0;
	s1 =	sshll.u32 s1, $0x11  }
0xbb: {  	s0 =	sor.u32 s1, s0  }
0xbc: {  	s0 =	sadd.s32 $0x8F2B, s0  }
0xbd: {  	[sflag:s0] =	ssyncadd.remote.s32 $0x1  }
0xbe: {  	_ =	sfence.sel $0xFFFF  }
0xbf: {  	[dreg:$0x0] =	wrdreg $0xFFFFFFFF;
	(pc) =	sbr.abs _section_cstart, $3  }
0xc0: {  	[dreg:$0x1] =	wrdreg $0xFFFFFFFF  }
0xc1: {  	_ =	task.clear_ibuf [dreg:s6], $0x2FFFF;
	_ =	strace $0x9FFFFFFF  }
0xc2: {  	(tm) =	ssettm $0x7FFFFFFF  }
0xc3: {  	_ =	shalt  }
tec
execute0_lowered:
.L_overlay_start_1:
0x0: {  	(tag) =	ssettag $0x1  }
0x1: {  	s0 =	srdreg.scid;
	s5 =	rddreg [dreg:$0x0]  }
0x2: {  	s9 =	stileid.u32;
	s2 =	rddreg [dreg:$0x1];
	s3 =	simm.s32 $0x0  }
0x3: {  	s12 =	simm.s32 $0xD;
	s14 =	simm.s32 $0x80;
	s15 =	simm.s32 $0x5400  }
0x4: {  	s16 =	simm.s32 $0x7400;
	s18 =	simm.s32 $0x9400;
	s20 =	simm.s32 $0xB400  }
0x5: {  	s22 =	simm.s32 $0xD400;
	s28 =	simm.s32 $0x3;
	s29 =	simm.s32 $0x4  }
0x6: {  	s30 =	simm.s32 $0x5;
	s31 =	simm.s32 $0x6;
	s13 =	simm.s32 $0x9  }
0x7: {  	s17 =	simm.s32 $0xA;
	s19 =	simm.s32 $0xB;
	s21 =	simm.s32 $0xC  }
0x8: {  	s0 =	sand.u32 $0x1, s0;
	s6 =	smul.u32 $0xA000, s9;
	[smem:$0x7FF] =	sst s3  }
0x9: {  	s4 =	sadd.s32 $0x67000, s5;
	s25 =	sshll.u32 s9, $0x6;
	s1 =	sshll.u32 s0, $0x4  }
0xa: {  	s7 =	smul.u32 $0xA0000, s0;
	_ =	strace $0x8000004A;
	s0 =	ssub.s32 $0x2, s0  }
0xb: {  	s1 =	sor.u32 s9, s1;
	s8 =	sshrl.u32 s6, $0x3;
	s23 =	sshrl.u32 s0, $0x1  }
0xc: {  	s24 =	sadd.s32 s6, s2;
	s1 =	smul.u32 $0x540, s1;
	s7 =	sadd.s32 s6, s7  }
0xd: {  	s8 =	sadd.s32 s8, s5;
	s0 =	ssub.s32 s0, s23;
	s6 =	sor.u32 $0x1C0D, s25  }
0xe: {  	s11 =	sshrl.u32 s24, $0x3;
	s24 =	simm.s32 $0xF400;
	s25 =	simm.s32 $0x1  }
0xf: {  	s23 =	simm.s32 $0x0;
	s7 =	sshrl.u32 s7, $0x3;
	s8 =	sadd.s32 $0x7B000, s8  }
0x10: {  	s10 =	smax.u32 s0, $0x1;
	s0 =	simm.s32 $0x8;
	s1 =	sadd.s32 s1, s5  }
0x11: {  	s5 =	sadd.s32 s7, s5;
	[dreg:$0x3] =	wrdreg s8;
	s26 =	sadd.s32 $0xC800, s1  }
0x12: {  	s1 =	sadd.s32 $0x1600, s1;
	s9 =	sadd.s32 $0x8F000, s5;
	[dreg:$0x4] =	wrdreg s26  }
0x13: {  	[dreg:$0x5] =	wrdreg s1;
	s26 =	simm.s32 $0x2;
	s1 =	simm.s32 $0x7  }
.LBB2_1:
0x14: {  	s5 =	rddreg [dreg:$0x3]  }
0x15: {  	[spmem:s11], [sflag:s6] =	dma.local [hbm:s5], $0x1400  }
0x16: {  	_ =	swait.ge [sflag:s12], $0x1400  }
0x17: {  	[sflag:s12] =	ssyncset.done $0x0  }
0x18: {  	s7 =	rddreg [dreg:$0x4];
	[sflag:s12] =	ssyncadd.s32 $0xFFFFEC00  }
0x19: {  	[tilespmem:s3], [sflag:$0xD] =	stream.linear.gather [hbm4b:s7+s3], $0x2A00, $0x38;
	[tilespmem:$0x1B400] =	vst v63  }
0x1a: {  	_ =	swait.ge [sflag:s12], $0x2A00  }
0x1b: {  	[sflag:s12] =	ssyncset.done $0x0  }
0x1c: {  	s7 =	simm.s32 $0x2A00;
	s8 =	rddreg [dreg:$0x5];
	[sflag:s12] =	ssyncadd.s32 $0xFFFFD600  }
0x1d: {  	[tilespmem:s7], [sflag:$0xD] =	stream.linear.gather [hbm4b:s8+s3], $0x2A00, $0x38;
	[tilespmem:$0x1B400] =	vst v63  }
0x1e: {  	_ =	swait.ge [sflag:s12], $0x2A00  }
0x1f: {  	[sflag:s12] =	ssyncset.done $0x0  }
0x20: {  	[sflag:s12] =	ssyncadd.s32 $0xFFFFD600  }
0x21: {  	[bflag:$0x0] =	sbarrier.arrive $0xFFFF  }
0x22: {  	[tilespmem:s15], [sflag:$0x1] =	stream.indirect.gather [hbm4b:s4+s14], $0x40, s3, s14, $0xb8;
	[tilespmem:$0x1B400] =	vst v63  }
0x23: {  	_ = 	snop  }
0x24: {  	[tilespmem:s16], [sflag:$0x2] =	stream.indirect.gather [hbm4b:s4+s14], $0x40, s14, s14, $0xb8;
	[tilespmem:$0x1B400] =	vst v63  }
0x25: {  	s8 =	simm.s32 $0x100  }
0x26: {  	[tilespmem:s18], [sflag:$0x3] =	stream.indirect.gather [hbm4b:s4+s14], $0x40, s8, s14, $0xb8;
	[tilespmem:$0x1B400] =	vst v63  }
0x27: {  	s7 =	simm.s32 $0x180  }
0x28: {  	[tilespmem:s20], [sflag:$0x4] =	stream.indirect.gather [hbm4b:s4+s14], $0x40, s7, s14, $0xb8;
	[tilespmem:$0x1B400] =	vst v63  }
0x29: {  	s8 =	simm.s32 $0x200  }
0x2a: {  	[tilespmem:s22], [sflag:$0x5] =	stream.indirect.gather [hbm4b:s4+s14], $0x40, s8, s14, $0xb8;
	[tilespmem:$0x1B400] =	vst v63  }
0x2b: {  	s7 =	simm.s32 $0x280  }
0x2c: {  	[tilespmem:s24], [sflag:$0x6] =	stream.indirect.gather [hbm4b:s4+s14], $0x40, s7, s14, $0xb8;
	[tilespmem:$0x1B400] =	vst v63  }
0x2d: {  	_ =	swait.ge [sflag:s25], $0x2000  }
0x2e: {  	[sflag:s25] =	ssyncset.done $0x0  }
0x2f: {  	s8 =	simm.s32 $0x2A00;
	[sflag:s25] =	ssyncadd.s32 $0xFFFFE000  }
0x30: {  	[spmem:s2] =	stream.indirect.scatter.add.f32 [tilespmem:s15], [sflag:$0x7], $0x40, s8, s14, $0xb8;
	[tilespmem:$0x1B400] =	vst v63  }
0x31: {  	_ =	swait.ge [sflag:s26], $0x2000  }
0x32: {  	[sflag:s26] =	ssyncset.done $0x0  }
0x33: {  	s7 =	simm.s32 $0x2A80;
	[sflag:s26] =	ssyncadd.s32 $0xFFFFE000  }
0x34: {  	[spmem:s2] =	stream.indirect.scatter.add.f32 [tilespmem:s16], [sflag:$0x8], $0x40, s7, s14, $0xb8;
	[tilespmem:$0x1B400] =	vst v63  }
0x35: {  	_ =	swait.ge [sflag:s28], $0x2000  }
0x36: {  	[sflag:s28] =	ssyncset.done $0x0  }
0x37: {  	s8 =	simm.s32 $0x2B00;
	[sflag:s28] =	ssyncadd.s32 $0xFFFFE000  }
0x38: {  	[spmem:s2] =	stream.indirect.scatter.add.f32 [tilespmem:s18], [sflag:$0x9], $0x40, s8, s14, $0xb8;
	[tilespmem:$0x1B400] =	vst v63  }
0x39: {  	_ =	swait.ge [sflag:s29], $0x2000  }
0x3a: {  	[sflag:s29] =	ssyncset.done $0x0  }
0x3b: {  	s7 =	simm.s32 $0x2B80;
	[sflag:s29] =	ssyncadd.s32 $0xFFFFE000  }
0x3c: {  	[spmem:s2] =	stream.indirect.scatter.add.f32 [tilespmem:s20], [sflag:$0xA], $0x40, s7, s14, $0xb8;
	[tilespmem:$0x1B400] =	vst v63  }
0x3d: {  	_ =	swait.ge [sflag:s30], $0x2000  }
0x3e: {  	[sflag:s30] =	ssyncset.done $0x0  }
0x3f: {  	s8 =	simm.s32 $0x2C00;
	[sflag:s30] =	ssyncadd.s32 $0xFFFFE000  }
0x40: {  	[spmem:s2] =	stream.indirect.scatter.add.f32 [tilespmem:s22], [sflag:$0xB], $0x40, s8, s14, $0xb8;
	[tilespmem:$0x1B400] =	vst v63  }
0x41: {  	_ =	swait.ge [sflag:s31], $0x2000  }
0x42: {  	[sflag:s31] =	ssyncset.done $0x0  }
0x43: {  	s7 =	simm.s32 $0x2C80;
	[sflag:s31] =	ssyncadd.s32 $0xFFFFE000  }
0x44: {  	[spmem:s2] =	stream.indirect.scatter.add.f32 [tilespmem:s24], [sflag:$0xC], $0x40, s7, s14, $0xb8;
	[tilespmem:$0x1B400] =	vst v63  }
0x45: {  	_ =	swait.ge [sflag:s1], $0x2000  }
0x46: {  	[sflag:s1] =	ssyncset.done $0x0  }
0x47: {  	s8 =	simm.s32 $0x300;
	[sflag:s1] =	ssyncadd.s32 $0xFFFFE000  }
0x48: {  	[tilespmem:s15], [sflag:$0x1] =	stream.indirect.gather [hbm4b:s4+s14], $0x40, s8, s14, $0xb8;
	[tilespmem:$0x1B400] =	vst v63  }
0x49: {  	_ =	swait.ge [sflag:s0], $0x2000  }
0x4a: {  	[sflag:s0] =	ssyncset.done $0x0  }
0x4b: {  	s7 =	simm.s32 $0x380;
	[sflag:s0] =	ssyncadd.s32 $0xFFFFE000  }
0x4c: {  	[tilespmem:s16], [sflag:$0x2] =	stream.indirect.gather [hbm4b:s4+s14], $0x40, s7, s14, $0xb8;
	[tilespmem:$0x1B400] =	vst v63  }
0x4d: {  	_ =	swait.ge [sflag:s13], $0x2000  }
0x4e: {  	[sflag:s13] =	ssyncset.done $0x0  }
0x4f: {  	s8 =	simm.s32 $0x400;
	[sflag:s13] =	ssyncadd.s32 $0xFFFFE000  }
0x50: {  	[tilespmem:s18], [sflag:$0x3] =	stream.indirect.gather [hbm4b:s4+s14], $0x40, s8, s14, $0xb8;
	[tilespmem:$0x1B400] =	vst v63  }
0x51: {  	_ =	swait.ge [sflag:s17], $0x2000  }
0x52: {  	[sflag:s17] =	ssyncset.done $0x0  }
0x53: {  	s7 =	simm.s32 $0x480;
	[sflag:s17] =	ssyncadd.s32 $0xFFFFE000  }
0x54: {  	[tilespmem:s20], [sflag:$0x4] =	stream.indirect.gather [hbm4b:s4+s14], $0x40, s7, s14, $0xb8;
	[tilespmem:$0x1B400] =	vst v63  }
0x55: {  	_ =	swait.ge [sflag:s19], $0x2000  }
0x56: {  	[sflag:s19] =	ssyncset.done $0x0  }
0x57: {  	s8 =	simm.s32 $0x500;
	[sflag:s19] =	ssyncadd.s32 $0xFFFFE000  }
0x58: {  	[tilespmem:s22], [sflag:$0x5] =	stream.indirect.gather [hbm4b:s4+s14], $0x40, s8, s14, $0xb8;
	[tilespmem:$0x1B400] =	vst v63  }
0x59: {  	_ =	swait.ge [sflag:s21], $0x2000  }
0x5a: {  	[sflag:s21] =	ssyncset.done $0x0  }
0x5b: {  	s5 =	simm.s32 $0xC00;
	s7 =	simm.s32 $0x580;
	[sflag:s21] =	ssyncadd.s32 $0xFFFFE000  }
.LBB2_2:
0x5c: {  	[tilespmem:s24], [sflag:$0x6] =	stream.indirect.gather [hbm4b:s4+s14], $0x40, s7, s14, $0xb8;
	[tilespmem:$0x1B400] =	vst v63  }
0x5d: {  	s7 =	smov.u32 s5  }
0x5e: {  	p0 =	sne.s32 s5, $0x9000;
	s5 =	sadd.s32 $0xC00, s5;
	_ =	swait.ge [sflag:s25], $0x2000  }
0x5f: {  	s7 =	sshra.s32 s7, $0x2;
	[sflag:s25] =	ssyncset.done $0x0  }
0x60: {  	s8 =	sadd.s32 $0x2A00, s7;
	[sflag:s25] =	ssyncadd.s32 $0xFFFFE000  }
0x61: {  	[spmem:s2] =	stream.indirect.scatter.add.f32 [tilespmem:s15], [sflag:$0x7], $0x40, s8, s14, $0xb8;
	[tilespmem:$0x1B400] =	vst v63  }
0x62: {  	_ =	swait.ge [sflag:s26], $0x2000  }
0x63: {  	[sflag:s26] =	ssyncset.done $0x0  }
0x64: {  	s8 =	sadd.s32 $0x2A80, s7;
	[sflag:s26] =	ssyncadd.s32 $0xFFFFE000  }
0x65: {  	[spmem:s2] =	stream.indirect.scatter.add.f32 [tilespmem:s16], [sflag:$0x8], $0x40, s8, s14, $0xb8;
	[tilespmem:$0x1B400] =	vst v63  }
0x66: {  	_ =	swait.ge [sflag:s28], $0x2000  }
0x67: {  	[sflag:s28] =	ssyncset.done $0x0  }
0x68: {  	s8 =	sadd.s32 $0x2B00, s7;
	[sflag:s28] =	ssyncadd.s32 $0xFFFFE000  }
0x69: {  	[spmem:s2] =	stream.indirect.scatter.add.f32 [tilespmem:s18], [sflag:$0x9], $0x40, s8, s14, $0xb8;
	[tilespmem:$0x1B400] =	vst v63  }
0x6a: {  	_ =	swait.ge [sflag:s29], $0x2000  }
0x6b: {  	[sflag:s29] =	ssyncset.done $0x0  }
0x6c: {  	s8 =	sadd.s32 $0x2B80, s7;
	[sflag:s29] =	ssyncadd.s32 $0xFFFFE000  }
0x6d: {  	[spmem:s2] =	stream.indirect.scatter.add.f32 [tilespmem:s20], [sflag:$0xA], $0x40, s8, s14, $0xb8;
	[tilespmem:$0x1B400] =	vst v63  }
0x6e: {  	_ =	swait.ge [sflag:s30], $0x2000  }
0x6f: {  	[sflag:s30] =	ssyncset.done $0x0  }
0x70: {  	s8 =	sadd.s32 $0x2C00, s7;
	[sflag:s30] =	ssyncadd.s32 $0xFFFFE000  }
0x71: {  	[spmem:s2] =	stream.indirect.scatter.add.f32 [tilespmem:s22], [sflag:$0xB], $0x40, s8, s14, $0xb8;
	[tilespmem:$0x1B400] =	vst v63  }
0x72: {  	_ =	swait.ge [sflag:s31], $0x2000  }
0x73: {  	[sflag:s31] =	ssyncset.done $0x0  }
0x74: {  	s8 =	sadd.s32 $0x2C80, s7;
	[sflag:s31] =	ssyncadd.s32 $0xFFFFE000  }
0x75: {  	[spmem:s2] =	stream.indirect.scatter.add.f32 [tilespmem:s24], [sflag:$0xC], $0x40, s8, s14, $0xb8;
	[tilespmem:$0x1B400] =	vst v63  }
0x76: {  	_ =	swait.ge [sflag:s1], $0x2000  }
0x77: {  	[sflag:s1] =	ssyncset.done $0x0  }
0x78: {  	s8 =	sadd.s32 $0x300, s7;
	[sflag:s1] =	ssyncadd.s32 $0xFFFFE000  }
0x79: {  	[tilespmem:s15], [sflag:$0x1] =	stream.indirect.gather [hbm4b:s4+s14], $0x40, s8, s14, $0xb8;
	[tilespmem:$0x1B400] =	vst v63  }
0x7a: {  	_ =	swait.ge [sflag:s0], $0x2000  }
0x7b: {  	[sflag:s0] =	ssyncset.done $0x0  }
0x7c: {  	s8 =	sadd.s32 $0x380, s7;
	[sflag:s0] =	ssyncadd.s32 $0xFFFFE000  }
0x7d: {  	[tilespmem:s16], [sflag:$0x2] =	stream.indirect.gather [hbm4b:s4+s14], $0x40, s8, s14, $0xb8;
	[tilespmem:$0x1B400] =	vst v63  }
0x7e: {  	_ =	swait.ge [sflag:s13], $0x2000  }
0x7f: {  	[sflag:s13] =	ssyncset.done $0x0  }
0x80: {  	s8 =	sadd.s32 $0x400, s7;
	[sflag:s13] =	ssyncadd.s32 $0xFFFFE000  }
0x81: {  	[tilespmem:s18], [sflag:$0x3] =	stream.indirect.gather [hbm4b:s4+s14], $0x40, s8, s14, $0xb8;
	[tilespmem:$0x1B400] =	vst v63  }
0x82: {  	_ =	swait.ge [sflag:s17], $0x2000  }
0x83: {  	[sflag:s17] =	ssyncset.done $0x0  }
0x84: {  	s8 =	sadd.s32 $0x480, s7;
	[sflag:s17] =	ssyncadd.s32 $0xFFFFE000  }
0x85: {  	[tilespmem:s20], [sflag:$0x4] =	stream.indirect.gather [hbm4b:s4+s14], $0x40, s8, s14, $0xb8;
	[tilespmem:$0x1B400] =	vst v63  }
0x86: {  	_ =	swait.ge [sflag:s19], $0x2000  }
0x87: {  	[sflag:s19] =	ssyncset.done $0x0  }
.Ltmp0:
0x88: {  	s8 =	sadd.s32 $0x500, s7;
	[sflag:s19] =	ssyncadd.s32 $0xFFFFE000;
	(pc) =	sbr.rel @p0 .LBB2_2-.Ltmp0, $4  }
0x89: {  	[tilespmem:s22], [sflag:$0x5] =	stream.indirect.gather [hbm4b:s4+s14], $0x40, s8, s14, $0xb8;
	[tilespmem:$0x1B400] =	vst v63  }
0x8a: {  	_ =	swait.ge [sflag:s21], $0x2000  }
0x8b: {  	[sflag:s21] =	ssyncset.done $0x0  }
0x8c: {  	s7 =	sadd.s32 $0x580, s7;
	[sflag:s21] =	ssyncadd.s32 $0xFFFFE000  }
0x8d: {  	[tilespmem:s24], [sflag:$0x6] =	stream.indirect.gather [hbm4b:s4+s14], $0x40, s7, s14, $0xb8;
	[tilespmem:$0x1B400] =	vst v63  }
0x8e: {  	_ =	swait.ge [sflag:s25], $0x2000  }
0x8f: {  	[sflag:s25] =	ssyncset.done $0x0  }
0x90: {  	s5 =	simm.s32 $0x5100;
	[sflag:s25] =	ssyncadd.s32 $0xFFFFE000  }
0x91: {  	[spmem:s2] =	stream.indirect.scatter.add.f32 [tilespmem:s15], [sflag:$0x7], $0x40, s5, s14, $0xb8;
	[tilespmem:$0x1B400] =	vst v63  }
0x92: {  	_ =	swait.ge [sflag:s26], $0x2000  }
0x93: {  	[sflag:s26] =	ssyncset.done $0x0  }
0x94: {  	s8 =	simm.s32 $0x5180;
	[sflag:s26] =	ssyncadd.s32 $0xFFFFE000  }
0x95: {  	[spmem:s2] =	stream.indirect.scatter.add.f32 [tilespmem:s16], [sflag:$0x8], $0x40, s8, s14, $0xb8;
	[tilespmem:$0x1B400] =	vst v63  }
0x96: {  	_ =	swait.ge [sflag:s28], $0x2000  }
0x97: {  	[sflag:s28] =	ssyncset.done $0x0  }
0x98: {  	s7 =	simm.s32 $0x5200;
	[sflag:s28] =	ssyncadd.s32 $0xFFFFE000  }
0x99: {  	[spmem:s2] =	stream.indirect.scatter.add.f32 [tilespmem:s18], [sflag:$0x9], $0x40, s7, s14, $0xb8;
	[tilespmem:$0x1B400] =	vst v63  }
0x9a: {  	_ =	swait.ge [sflag:s29], $0x2000  }
0x9b: {  	[sflag:s29] =	ssyncset.done $0x0  }
0x9c: {  	s8 =	simm.s32 $0x5280;
	[sflag:s29] =	ssyncadd.s32 $0xFFFFE000  }
0x9d: {  	[spmem:s2] =	stream.indirect.scatter.add.f32 [tilespmem:s20], [sflag:$0xA], $0x40, s8, s14, $0xb8;
	[tilespmem:$0x1B400] =	vst v63  }
0x9e: {  	_ =	swait.ge [sflag:s30], $0x2000  }
0x9f: {  	[sflag:s30] =	ssyncset.done $0x0  }
0xa0: {  	s7 =	simm.s32 $0x5300;
	[sflag:s30] =	ssyncadd.s32 $0xFFFFE000  }
0xa1: {  	[spmem:s2] =	stream.indirect.scatter.add.f32 [tilespmem:s22], [sflag:$0xB], $0x40, s7, s14, $0xb8;
	[tilespmem:$0x1B400] =	vst v63  }
0xa2: {  	_ =	swait.ge [sflag:s31], $0x2000  }
0xa3: {  	[sflag:s31] =	ssyncset.done $0x0  }
0xa4: {  	s8 =	simm.s32 $0x5380;
	[sflag:s31] =	ssyncadd.s32 $0xFFFFE000  }
0xa5: {  	[spmem:s2] =	stream.indirect.scatter.add.f32 [tilespmem:s24], [sflag:$0xC], $0x40, s8, s14, $0xb8;
	[tilespmem:$0x1B400] =	vst v63  }
0xa6: {  	_ =	swait.ge [sflag:s1], $0x2000  }
0xa7: {  	[sflag:s1] =	ssyncset.done $0x0  }
0xa8: {  	[sflag:s1] =	ssyncadd.s32 $0xFFFFE000  }
0xa9: {  	_ =	swait.ge [sflag:s0], $0x2000  }
0xaa: {  	[sflag:s0] =	ssyncset.done $0x0  }
0xab: {  	[sflag:s0] =	ssyncadd.s32 $0xFFFFE000  }
0xac: {  	_ =	swait.ge [sflag:s13], $0x2000  }
0xad: {  	[sflag:s13] =	ssyncset.done $0x0  }
0xae: {  	[sflag:s13] =	ssyncadd.s32 $0xFFFFE000  }
0xaf: {  	_ =	swait.ge [sflag:s17], $0x2000  }
0xb0: {  	[sflag:s17] =	ssyncset.done $0x0  }
0xb1: {  	[sflag:s17] =	ssyncadd.s32 $0xFFFFE000  }
0xb2: {  	_ =	swait.ge [sflag:s19], $0x2000  }
0xb3: {  	[sflag:s19] =	ssyncset.done $0x0  }
0xb4: {  	[sflag:s19] =	ssyncadd.s32 $0xFFFFE000  }
0xb5: {  	_ =	swait.ge [sflag:s21], $0x2000  }
0xb6: {  	s23 =	sadd.s32 $0x1, s23;
	[sflag:s21] =	ssyncset.done $0x0  }
0xb7: {  	p0 =	sne.s32 s23, s10;
	[sflag:s21] =	ssyncadd.s32 $0xFFFFE000  }
.Ltmp1:
0xb8: {  	[bflag:$0x0] =	sbarrier.arrive $0xFFFF;
	(pc) =	sbr.rel @p0 .LBB2_1-.Ltmp1, $4  }
0xb9: {  	[hbm:s9], [sflag:s6] =	dma.local [spmem:s11], $0x1400  }
0xba: {  	_ =	swait.ge [sflag:s12], $0x1400  }
0xbb: {  	[sflag:s12] =	ssyncset.done $0x0  }
0xbc: {  	[sflag:s12] =	ssyncadd.s32 $0xFFFFEC00  }
0xbd: {  	_ =	sfence.sel $0x180000  }
0xbe: {  	[bflag:$0x0] =	sbarrier.arrive $0xFFFF  }
0xbf: {  	_ =	strace $0x9000004A  }
0xc0: {  	s0 =	stileid.u32;
	[bflag:$0x2] =	sbarrier.arrive $0xFFFF  }
0xc1: {  	p0 =	sne.s32 s0, $0x0;
	s0 =	rddreg [dreg:$0x2]  }
0xc2: {  	s0 =	sadd.s32 @!p0 $0x100000, s0  }
0xc3: {  	[sflag:s0] =	ssyncadd.tile.s32 @!p0 $0x1;
	_ =	shalt  }
.Lfunc_end2:
_tile_overlayer_lowered:
.L_overlay_start_2:
0xc4: {  	(tag) =	ssettag $0x2  }
0xc5: {  	s0 =	rddreg [dreg:$0x0];
	s2 =	stileid.u32  }
0xc6: {  	s1 =	rddreg [dreg:$0x1];
	p0 =	sne.s32 s2, $0x0  }
0xc7: {  	s3 =	rddreg [dreg:$0x2];
	[bflag:$0x3] =	sbarrier.arrive $0xFFFF;
	s2 =	simm.s32 @!p0 $0x1C0D  }
0xc8: {  	[timem:s3], [sflag:s2] =	dma.local @!p0 [hbm:s0], s1  }
0xc9: {  	s0 =	simm.s32 @!p0 $0xD  }
0xca: {  	_ =	swait.ge @!p0 [sflag:s0], s1  }
0xcb: {  	s1 =	ssub.s32 @!p0 $0x0, s1;
	[sflag:s0] =	ssyncset.done @!p0 $0x0  }
0xcc: {  	[sflag:s0] =	ssyncadd.s32 @!p0 s1  }
0xcd: {  	[bflag:$0x3] =	sbarrier.arrive $0xFFFF  }
0xce: {  	_ =	shalt  }

// kernel: kernel.14.cloned.1.call-start
scs
__scs_entry_jumppad:
0x0: {  	(pc) =	sbr.rel $0x88, $3  }
0x1: {  	(tag) =	ssettag $0x0;
	lr =	simm.s32 $0x1  }
0x2: {  	[smem:$0x3F9B] =	sst lr;
	_ =	strace $0xD0000000  }
0x3: {  	_ = 	snop  }
0x4: {  	_ = 	snop  }
0x5: {  	_ = 	snop  }
0x6: {  	_ = 	snop  }
0x7: {  	_ = 	snop  }
__scs_overlays_trampoline_lowered:
0x8: {  	[smem:$0x3FAA] =	sst s0  }
0x9: {  	[smem:$0x3FAB] =	sst s1  }
0xa: {  	[smem:$0x3FAC] =	sst s2  }
0xb: {  	[smem:$0x3FAD] =	sst s3  }
0xc: {  	[smem:$0x3FAE] =	sst s4  }
0xd: {  	[smem:$0x3FAF] =	sst s5  }
0xe: {  	[smem:$0x3FB0] =	sst s6  }
0xf: {  	[smem:$0x3FB1] =	sst s7  }
0x10: {  	[smem:$0x3FB2] =	sst s8  }
0x11: {  	[smem:$0x3FB3] =	sst s9;
	s0 =	simm.s32 @!p0 $0x0  }
0x12: {  	s1 =	sld [smem:$0x3F99];
	s0 =	simm.s32 @p0 $0x1  }
0x13: {  	[smem:$0x3FB4] =	sst s0;
	s0 =	simm.s32 @!p1 $0x0  }
0x14: {  	s2 =	sld [smem:$0x3F98];
	s0 =	simm.s32 @p1 $0x1  }
0x15: {  	[smem:$0x3FB5] =	sst s0;
	s0 =	simm.s32 @!p2 $0x0  }
0x16: {  	s3 =	sld [smem:$0x3FDB];
	s0 =	simm.s32 @p2 $0x1  }
0x17: {  	s4 =	simm.s32 $0x1BF5;
	[smem:$0x3FB7] =	sst s0  }
0x18: {  	s0 =	sld [smem:$0x3F9A];
	_ =	swait.ge [sflag:s4], $0x0  }
0x19: {  	s7 =	sld [smem:$0x3F9B]  }
0x1a: {  	s8 =	sadd.s32 $0xFFFFE003, lr  }
0x1b: {  	s9 =	sadd.s32 $0xFFFFFEF7, lr;
	s5 =	simm.s32 $0xFFFFFFFF;
	p2 =	slt.u32 s8, $0xFFFFF086  }
0x1c: {  	p1 =	slt.u32 s9, $0xF7A;
	s5 =	simm.s32 @!p2 $0x0  }
0x1d: {  	s5 =	simm.s32 @p1 $0x1;
	p0 =	seq.s32 s7, s2  }
0x1e: {  	s7 =	smul.u32 @!p0 $0xF7A, s2;
	p2 =	seq.s32 @!p0 s5, $0x0  }
0x1f: {  	s9 =	smul.u32 $0xF7A, s1;
	s8 =	simm.s32 @!p0 $0x1BF5;
	p2 =	por !p2, p0  }
0x20: {  	[sflag:s8] =	ssyncset.s32 @!p0 $0xFFFFF086;
	s6 =	sadd.s32 @!p0 s3, s7;
	s7 =	simm.s32 @!p0 $0x108  }
0x21: {  	s3 =	sadd.s32 s3, s9;
	s6 =	sadd.s32 @!p0 $0x88, s6;
	s7 =	simm.s32 @p2 $0x1082  }
0x22: {  	[simem:s7], [sflag:s8] =	dma.local @!p0 [hbm:s6], $0xF7A  }
0x23: {  	s9 =	sor.u32 $0xD0000000, s2;
	s6 =	simm.s32 $0x108;
	_ =	swait.ge @!p0 [sflag:s8], $0x0  }
0x24: {  	s3 =	sadd.s32 $0x88, s3;
	s6 =	simm.s32 @!p1 $0x1082;
	[sflag:s4] =	ssyncset.s32 $0xFFFFF086  }
0x25: {  	[simem:s6], [sflag:s4] =	dma.local [hbm:s3], $0xF7A  }
0x26: {  	[smem:$0x3F9B] =	sst s1;
	(tag) =	ssettag s2;
	_ =	strace s9  }
0x27: {  	s1 =	sld [smem:$0x3FAB]  }
0x28: {  	s2 =	sld [smem:$0x3FAC]  }
0x29: {  	s4 =	sld [smem:$0x3FAE]  }
0x2a: {  	p0 =	seq.s32 s5, $0x0;
	s5 =	sld [smem:$0x3FAF]  }
0x2b: {  	s6 =	sld [smem:$0x3FB0]  }
0x2c: {  	s7 =	sld [smem:$0x3FB1]  }
0x2d: {  	s3 =	simm.s32 $0x108;
	s8 =	sld [smem:$0x3FB2]  }
0x2e: {  	s3 =	simm.s32 @!p0 $0x1082;
	s9 =	sld [smem:$0x3FB3]  }
0x2f: {  	lr =	sadd.s32 s0, s3;
	s0 =	sld [smem:$0x3FAA]  }
0x30: {  	s3 =	sld [smem:$0x3FAD]  }
0x31: {  	[smem:$0x3FB6] =	sst s10  }
0x32: {  	s10 =	sld [smem:$0x3FB4];
	_ =	sdelay $0x3  }
0x33: {  	p0 =	seq.s32 s10, $0x1;
	s10 =	sld [smem:$0x3FB6];
	_ =	sdelay $0x3  }
0x34: {  	[smem:$0x3FB6] =	sst s10  }
0x35: {  	s10 =	sld [smem:$0x3FB5];
	_ =	sdelay $0x3  }
0x36: {  	p1 =	seq.s32 s10, $0x1;
	s10 =	sld [smem:$0x3FB6];
	_ =	sdelay $0x3  }
0x37: {  	[smem:$0x3FB6] =	sst s10  }
0x38: {  	s10 =	sld [smem:$0x3FB7]  }
0x39: {  	_ = 	snop;
	(pc) =	sbr.ind lr, $3  }
0x3a: {  	_ = 	snop  }
0x3b: {  	_ = 	snop  }
0x3c: {  	p2 =	seq.s32 s10, $0x1;
	s10 =	sld [smem:$0x3FB6]  }
0x3d: {  	_ =	shalt  }
0x3e: {  	_ =	shalt  }
0x3f: {  	_ =	shalt  }
0x40: {  	_ =	shalt  }
0x41: {  	_ =	shalt  }
0x42: {  	_ =	shalt  }
0x43: {  	_ =	shalt  }
0x44: {  	_ =	shalt  }
0x45: {  	_ =	shalt  }
0x46: {  	_ =	shalt  }
0x47: {  	_ =	shalt  }
0x48: {  	_ =	shalt  }
0x49: {  	_ =	shalt  }
0x4a: {  	_ =	shalt  }
0x4b: {  	_ =	shalt  }
0x4c: {  	_ =	shalt  }
0x4d: {  	_ =	shalt  }
0x4e: {  	_ =	shalt  }
0x4f: {  	_ =	shalt  }
0x50: {  	_ =	shalt  }
0x51: {  	_ =	shalt  }
0x52: {  	_ =	shalt  }
0x53: {  	_ =	shalt  }
0x54: {  	_ =	shalt  }
0x55: {  	_ =	shalt  }
0x56: {  	_ =	shalt  }
0x57: {  	_ =	shalt  }
0x58: {  	_ =	shalt  }
0x59: {  	_ =	shalt  }
0x5a: {  	_ =	shalt  }
0x5b: {  	_ =	shalt  }
0x5c: {  	_ =	shalt  }
0x5d: {  	_ =	shalt  }
0x5e: {  	_ =	shalt  }
0x5f: {  	_ =	shalt  }
0x60: {  	_ =	shalt  }
0x61: {  	_ =	shalt  }
0x62: {  	_ =	shalt  }
0x63: {  	_ =	shalt  }
0x64: {  	_ =	shalt  }
0x65: {  	_ =	shalt  }
0x66: {  	_ =	shalt  }
0x67: {  	_ =	shalt  }
0x68: {  	_ =	shalt  }
0x69: {  	_ =	shalt  }
0x6a: {  	_ =	shalt  }
0x6b: {  	_ =	shalt  }
0x6c: {  	_ =	shalt  }
0x6d: {  	_ =	shalt  }
0x6e: {  	_ =	shalt  }
0x6f: {  	_ =	shalt  }
0x70: {  	_ =	shalt  }
0x71: {  	_ =	shalt  }
0x72: {  	_ =	shalt  }
0x73: {  	_ =	shalt  }
0x74: {  	_ =	shalt  }
0x75: {  	_ =	shalt  }
0x76: {  	_ =	shalt  }
0x77: {  	_ =	shalt  }
0x78: {  	_ =	shalt  }
0x79: {  	_ =	shalt  }
0x7a: {  	_ =	shalt  }
0x7b: {  	_ =	shalt  }
0x7c: {  	_ =	shalt  }
0x7d: {  	_ =	shalt  }
0x7e: {  	_ =	shalt  }
0x7f: {  	_ =	shalt  }
0x80: {  	_ =	shalt  }
0x81: {  	_ =	shalt  }
0x82: {  	_ =	shalt  }
0x83: {  	_ =	shalt  }
0x84: {  	_ =	shalt  }
0x85: {  	_ =	shalt  }
0x86: {  	_ =	shalt  }
0x87: {  	_ =	shalt  }
.Lfunc_end0:
.L_simem_size_0:
called_computation.2_lowered:
.L_overlay_start_0:
0x88: {  	s2 =	sld [smem:$0x3FD9]  }
0x89: {  	s3 =	sld [smem:$0x3FFE];
	_ =	sdelay $0x1  }
0x8a: {  	s1 =	srdreg.scid  }
0x8b: {  	s0 =	sand.u32 $0x1, s1  }
0x8c: {  	s16 =	sshll.u32 s0, $0xA;
	s2 =	sadd.s32 s3, s2  }
0x8d: {  	s2 =	sadd.s32 s2, s16  }
0x8e: {  	[smem:$0x3FC2] =	sst s2  }
0x8f: {  	_ = 	snop  }
0x90: {  	(tm) =	ssettm $0x1  }
0x91: {  	s17 =	sld [smem:$0x3FFB];
	_ =	sdelay $0x3  }
0x92: {  	_ =	strace s17  }
0x93: {  	s2 =	sld [smem:$0x3FFC];
	_ =	sdelay $0x3  }
0x94: {  	_ =	strace s2  }
0x95: {  	s2 =	sld [smem:$0x3FFD];
	_ =	sdelay $0x3  }
0x96: {  	_ =	strace s2  }
0x97: {  	_ =	strace $0x8FFFFFFF  }
0x98: {  	s18 =	sld [smem:$0x3FDB];
	_ =	sdelay $0x1  }
0x99: {  	s19 =	simm.s32 $_scs_section_size  }
0x9a: {  	s4 =	simm.s32 $_size__tile_overlayer_lowered;
	s5 =	simm.s32 $_tile_overlayer_lowered  }
0x9b: {  	s22 =	simm.s32 $0x1BFF;
	s21 =	sshll.u32 s5, $0x1;
	s2 =	sadd.s32 s19, s18  }
0x9c: {  	s6 =	simm.s32 $0x0;
	s20 =	sshll.u32 s4, $0x1;
	s4 =	sadd.s32 s21, s2  }
0x9d: {  	[timem:s6], [sflag:s22] =	dma.local [hbm:s4], s20  }
0x9e: {  	_ =	swait.ge [sflag:s22], s20  }
0x9f: {  	s3 =	ssub.s32 $0x0, s20;
	[sflag:s22] =	ssyncset.done $0x0  }
0xa0: {  	[sflag:s22] =	ssyncadd.s32 s3;
	_ =	sdelay $0x1  }
0xa1: {  	s23 =	simm.s32 $0x1B8B  }
0xa2: {  	_ =	swait.ge [sflag:s23], $0x1  }
0xa3: {  	[sflag:s23] =	ssyncset.done $0x0  }
0xa4: {  	s25 =	simm.s32 $0x1B8E;
	s24 =	sld [smem:$0x3FFE];
	[sflag:s23] =	ssyncadd.s32 $0xFFFFFFFF  }
0xa5: {  	s26 =	simm.s32 $execute0_lowered;
	[smem:$0x3FD2] =	sst s25  }
0xa6: {  	s4 =	sshll.u32 s26, $0x1;
	_ =	strace $0x8000004C;
	[dreg:$0x1] =	wrdreg $0xFFFFFFFF  }
0xa7: {  	s28 =	simm.s32 $_size_execute0_lowered;
	s2 =	sadd.s32 s2, s4;
	[dreg:$0x0] =	wrdreg $0x0  }
0xa8: {  	s4 =	sshll.u32 s28, $0x1;
	[dreg:$0x2] =	wrdreg s2  }
0xa9: {  	[dreg:$0x3] =	wrdreg s4  }
0xaa: {  	[dreg:$0x4] =	wrdreg $0xC0  }
0xab: {  	_ =	task [dreg:s6], $0x5FFFF  }
0xac: {  	[dreg:$0x1] =	wrdreg $0xFFFFFFFF  }
0xad: {  	[dreg:$0x0] =	wrdreg $0x60  }
0xae: {  	[dreg:$0x2] =	wrdreg s24  }
0xaf: {  	[dreg:$0x3] =	wrdreg $0x6C000  }
0xb0: {  	[dreg:$0x4] =	wrdreg $0x9  }
0xb1: {  	_ =	task.clear_ibuf [dreg:s6], $0x5FFFF;
	_ =	strace $0x9000004C  }
0xb2: {  	s29 =	simm.s32 $0x9;
	_ =	strace $0x8000004E  }
0xb3: {  	_ =	swait.ge [sflag:s29], $0x1  }
0xb4: {  	[sflag:s29] =	ssyncadd.s32 $0xFFFFFFFF  }
0xb5: {  	_ =	strace $0x9000004E  }
0xb6: {  	_ =	sfence  }
0xb7: {  	s30 =	sld [smem:$0x0];
	_ =	sdelay $0x2  }
0xb8: {  	s31 =	sshll.u32 s1, $0xD;
	s1 =	sshrl.u32 s1, $0x2  }
0xb9: {  	s3 =	sand.u32 $0x4000, s31;
	s1 =	sadd.s32 s1, s30  }
0xba: {  	s0 =	sor.u32 s3, s0;
	s1 =	sshll.u32 s1, $0x11  }
0xbb: {  	s0 =	sor.u32 s1, s0  }
0xbc: {  	s0 =	sadd.s32 $0x8F2B, s0  }
0xbd: {  	[sflag:s0] =	ssyncadd.remote.s32 $0x1  }
0xbe: {  	_ =	sfence.sel $0xFFFF  }
0xbf: {  	[dreg:$0x0] =	wrdreg $0xFFFFFFFF;
	(pc) =	sbr.abs _section_cstart, $3  }
0xc0: {  	[dreg:$0x1] =	wrdreg $0xFFFFFFFF  }
0xc1: {  	_ =	task.clear_ibuf [dreg:s6], $0x2FFFF;
	_ =	strace $0x9FFFFFFF  }
0xc2: {  	(tm) =	ssettm $0x7FFFFFFF  }
0xc3: {  	_ =	shalt  }
tec
execute0_lowered:
.L_overlay_start_1:
0x0: {  	(tag) =	ssettag $0x1  }
0x1: {  	s0 =	srdreg.scid;
	s5 =	rddreg [dreg:$0x0]  }
0x2: {  	s9 =	stileid.u32;
	s2 =	rddreg [dreg:$0x1];
	s3 =	simm.s32 $0x0  }
0x3: {  	s12 =	simm.s32 $0xD;
	s14 =	simm.s32 $0x80;
	s15 =	simm.s32 $0x5400  }
0x4: {  	s16 =	simm.s32 $0x5800;
	s18 =	simm.s32 $0x5C00;
	s20 =	simm.s32 $0x6000  }
0x5: {  	s22 =	simm.s32 $0x6400;
	s28 =	simm.s32 $0x3;
	s29 =	simm.s32 $0x4  }
0x6: {  	s30 =	simm.s32 $0x5;
	s31 =	simm.s32 $0x6;
	s13 =	simm.s32 $0x9  }
0x7: {  	s17 =	simm.s32 $0xA;
	s19 =	simm.s32 $0xB;
	s21 =	simm.s32 $0xC  }
0x8: {  	s0 =	sand.u32 $0x1, s0;
	s6 =	smul.u32 $0x1400, s9;
	[smem:$0x7FF] =	sst s3  }
0x9: {  	s4 =	sadd.s32 $0x67000, s5;
	s25 =	sshll.u32 s9, $0x6;
	s1 =	sshll.u32 s0, $0x4  }
0xa: {  	s7 =	smul.u32 $0x14000, s0;
	_ =	strace $0x8000004D;
	s0 =	ssub.s32 $0x2, s0  }
0xb: {  	s1 =	sor.u32 s9, s1;
	s8 =	sshrl.u32 s6, $0x3;
	s23 =	sshrl.u32 s0, $0x1  }
0xc: {  	s24 =	sadd.s32 s6, s2;
	s1 =	smul.u32 $0x540, s1;
	s7 =	sadd.s32 s6, s7  }
0xd: {  	s8 =	sadd.s32 s8, s5;
	s0 =	ssub.s32 s0, s23;
	s6 =	sor.u32 $0x1C0D, s25  }
0xe: {  	s11 =	sshrl.u32 s24, $0x3;
	s24 =	simm.s32 $0x6800;
	s25 =	simm.s32 $0x1  }
0xf: {  	s23 =	simm.s32 $0x0;
	s7 =	sshrl.u32 s7, $0x3;
	s8 =	sadd.s32 $0x69800, s8  }
0x10: {  	s10 =	smax.u32 s0, $0x1;
	s0 =	simm.s32 $0x8;
	s1 =	sadd.s32 s1, s5  }
0x11: {  	s5 =	sadd.s32 s7, s5;
	[dreg:$0x3] =	wrdreg s8;
	s26 =	sadd.s32 $0xC800, s1  }
0x12: {  	s1 =	sadd.s32 $0x1600, s1;
	s9 =	sadd.s32 $0x6C000, s5;
	[dreg:$0x4] =	wrdreg s26  }
0x13: {  	[dreg:$0x5] =	wrdreg s1;
	s26 =	simm.s32 $0x2;
	s1 =	simm.s32 $0x7  }
.LBB2_1:
0x14: {  	s5 =	rddreg [dreg:$0x3]  }
0x15: {  	[spmem:s11], [sflag:s6] =	dma.local [hbm:s5], $0x280  }
0x16: {  	_ =	swait.ge [sflag:s12], $0x280  }
0x17: {  	[sflag:s12] =	ssyncset.done $0x0  }
0x18: {  	s7 =	rddreg [dreg:$0x4];
	[sflag:s12] =	ssyncadd.s32 $0xFFFFFD80  }
0x19: {  	[tilespmem:s3], [sflag:$0xD] =	stream.linear.gather [hbm4b:s7+s3], $0x2A00, $0x38;
	[tilespmem:$0x8000] =	vst v63  }
0x1a: {  	_ =	swait.ge [sflag:s12], $0x2A00  }
0x1b: {  	[sflag:s12] =	ssyncset.done $0x0  }
0x1c: {  	s7 =	simm.s32 $0x2A00;
	s8 =	rddreg [dreg:$0x5];
	[sflag:s12] =	ssyncadd.s32 $0xFFFFD600  }
0x1d: {  	[tilespmem:s7], [sflag:$0xD] =	stream.linear.gather [hbm4b:s8+s3], $0x2A00, $0x38;
	[tilespmem:$0x8000] =	vst v63  }
0x1e: {  	_ =	swait.ge [sflag:s12], $0x2A00  }
0x1f: {  	[sflag:s12] =	ssyncset.done $0x0  }
0x20: {  	[sflag:s12] =	ssyncadd.s32 $0xFFFFD600  }
0x21: {  	[bflag:$0x0] =	sbarrier.arrive $0xFFFF  }
0x22: {  	[tilespmem:s15], [sflag:$0x1] =	stream.indirect.gather [hbm4b:s4+s14], $0x8, s3, s14, $0xb8;
	[tilespmem:$0x8000] =	vst v63  }
0x23: {  	_ = 	snop  }
0x24: {  	[tilespmem:s16], [sflag:$0x2] =	stream.indirect.gather [hbm4b:s4+s14], $0x8, s14, s14, $0xb8;
	[tilespmem:$0x8000] =	vst v63  }
0x25: {  	s8 =	simm.s32 $0x100  }
0x26: {  	[tilespmem:s18], [sflag:$0x3] =	stream.indirect.gather [hbm4b:s4+s14], $0x8, s8, s14, $0xb8;
	[tilespmem:$0x8000] =	vst v63  }
0x27: {  	s7 =	simm.s32 $0x180  }
0x28: {  	[tilespmem:s20], [sflag:$0x4] =	stream.indirect.gather [hbm4b:s4+s14], $0x8, s7, s14, $0xb8;
	[tilespmem:$0x8000] =	vst v63  }
0x29: {  	s8 =	simm.s32 $0x200  }
0x2a: {  	[tilespmem:s22], [sflag:$0x5] =	stream.indirect.gather [hbm4b:s4+s14], $0x8, s8, s14, $0xb8;
	[tilespmem:$0x8000] =	vst v63  }
0x2b: {  	s7 =	simm.s32 $0x280  }
0x2c: {  	[tilespmem:s24], [sflag:$0x6] =	stream.indirect.gather [hbm4b:s4+s14], $0x8, s7, s14, $0xb8;
	[tilespmem:$0x8000] =	vst v63  }
0x2d: {  	_ =	swait.ge [sflag:s25], $0x400  }
0x2e: {  	[sflag:s25] =	ssyncset.done $0x0  }
0x2f: {  	s8 =	simm.s32 $0x2A00;
	[sflag:s25] =	ssyncadd.s32 $0xFFFFFC00  }
0x30: {  	[spmem:s2] =	stream.indirect.scatter.add.f32 [tilespmem:s15], [sflag:$0x7], $0x8, s8, s14, $0xb8;
	[tilespmem:$0x8000] =	vst v63  }
0x31: {  	_ =	swait.ge [sflag:s26], $0x400  }
0x32: {  	[sflag:s26] =	ssyncset.done $0x0  }
0x33: {  	s7 =	simm.s32 $0x2A80;
	[sflag:s26] =	ssyncadd.s32 $0xFFFFFC00  }
0x34: {  	[spmem:s2] =	stream.indirect.scatter.add.f32 [tilespmem:s16], [sflag:$0x8], $0x8, s7, s14, $0xb8;
	[tilespmem:$0x8000] =	vst v63  }
0x35: {  	_ =	swait.ge [sflag:s28], $0x400  }
0x36: {  	[sflag:s28] =	ssyncset.done $0x0  }
0x37: {  	s8 =	simm.s32 $0x2B00;
	[sflag:s28] =	ssyncadd.s32 $0xFFFFFC00  }
0x38: {  	[spmem:s2] =	stream.indirect.scatter.add.f32 [tilespmem:s18], [sflag:$0x9], $0x8, s8, s14, $0xb8;
	[tilespmem:$0x8000] =	vst v63  }
0x39: {  	_ =	swait.ge [sflag:s29], $0x400  }
0x3a: {  	[sflag:s29] =	ssyncset.done $0x0  }
0x3b: {  	s7 =	simm.s32 $0x2B80;
	[sflag:s29] =	ssyncadd.s32 $0xFFFFFC00  }
0x3c: {  	[spmem:s2] =	stream.indirect.scatter.add.f32 [tilespmem:s20], [sflag:$0xA], $0x8, s7, s14, $0xb8;
	[tilespmem:$0x8000] =	vst v63  }
0x3d: {  	_ =	swait.ge [sflag:s30], $0x400  }
0x3e: {  	[sflag:s30] =	ssyncset.done $0x0  }
0x3f: {  	s8 =	simm.s32 $0x2C00;
	[sflag:s30] =	ssyncadd.s32 $0xFFFFFC00  }
0x40: {  	[spmem:s2] =	stream.indirect.scatter.add.f32 [tilespmem:s22], [sflag:$0xB], $0x8, s8, s14, $0xb8;
	[tilespmem:$0x8000] =	vst v63  }
0x41: {  	_ =	swait.ge [sflag:s31], $0x400  }
0x42: {  	[sflag:s31] =	ssyncset.done $0x0  }
0x43: {  	s7 =	simm.s32 $0x2C80;
	[sflag:s31] =	ssyncadd.s32 $0xFFFFFC00  }
0x44: {  	[spmem:s2] =	stream.indirect.scatter.add.f32 [tilespmem:s24], [sflag:$0xC], $0x8, s7, s14, $0xb8;
	[tilespmem:$0x8000] =	vst v63  }
0x45: {  	_ =	swait.ge [sflag:s1], $0x400  }
0x46: {  	[sflag:s1] =	ssyncset.done $0x0  }
0x47: {  	s8 =	simm.s32 $0x300;
	[sflag:s1] =	ssyncadd.s32 $0xFFFFFC00  }
0x48: {  	[tilespmem:s15], [sflag:$0x1] =	stream.indirect.gather [hbm4b:s4+s14], $0x8, s8, s14, $0xb8;
	[tilespmem:$0x8000] =	vst v63  }
0x49: {  	_ =	swait.ge [sflag:s0], $0x400  }
0x4a: {  	[sflag:s0] =	ssyncset.done $0x0  }
0x4b: {  	s7 =	simm.s32 $0x380;
	[sflag:s0] =	ssyncadd.s32 $0xFFFFFC00  }
0x4c: {  	[tilespmem:s16], [sflag:$0x2] =	stream.indirect.gather [hbm4b:s4+s14], $0x8, s7, s14, $0xb8;
	[tilespmem:$0x8000] =	vst v63  }
0x4d: {  	_ =	swait.ge [sflag:s13], $0x400  }
0x4e: {  	[sflag:s13] =	ssyncset.done $0x0  }
0x4f: {  	s8 =	simm.s32 $0x400;
	[sflag:s13] =	ssyncadd.s32 $0xFFFFFC00  }
0x50: {  	[tilespmem:s18], [sflag:$0x3] =	stream.indirect.gather [hbm4b:s4+s14], $0x8, s8, s14, $0xb8;
	[tilespmem:$0x8000] =	vst v63  }
0x51: {  	_ =	swait.ge [sflag:s17], $0x400  }
0x52: {  	[sflag:s17] =	ssyncset.done $0x0  }
0x53: {  	s7 =	simm.s32 $0x480;
	[sflag:s17] =	ssyncadd.s32 $0xFFFFFC00  }
0x54: {  	[tilespmem:s20], [sflag:$0x4] =	stream.indirect.gather [hbm4b:s4+s14], $0x8, s7, s14, $0xb8;
	[tilespmem:$0x8000] =	vst v63  }
0x55: {  	_ =	swait.ge [sflag:s19], $0x400  }
0x56: {  	[sflag:s19] =	ssyncset.done $0x0  }
0x57: {  	s8 =	simm.s32 $0x500;
	[sflag:s19] =	ssyncadd.s32 $0xFFFFFC00  }
0x58: {  	[tilespmem:s22], [sflag:$0x5] =	stream.indirect.gather [hbm4b:s4+s14], $0x8, s8, s14, $0xb8;
	[tilespmem:$0x8000] =	vst v63  }
0x59: {  	_ =	swait.ge [sflag:s21], $0x400  }
0x5a: {  	[sflag:s21] =	ssyncset.done $0x0  }
0x5b: {  	s5 =	simm.s32 $0xC00;
	s7 =	simm.s32 $0x580;
	[sflag:s21] =	ssyncadd.s32 $0xFFFFFC00  }
.LBB2_2:
0x5c: {  	[tilespmem:s24], [sflag:$0x6] =	stream.indirect.gather [hbm4b:s4+s14], $0x8, s7, s14, $0xb8;
	[tilespmem:$0x8000] =	vst v63  }
0x5d: {  	s7 =	smov.u32 s5  }
0x5e: {  	p0 =	sne.s32 s5, $0x9000;
	s5 =	sadd.s32 $0xC00, s5;
	_ =	swait.ge [sflag:s25], $0x400  }
0x5f: {  	s7 =	sshra.s32 s7, $0x2;
	[sflag:s25] =	ssyncset.done $0x0  }
0x60: {  	s8 =	sadd.s32 $0x2A00, s7;
	[sflag:s25] =	ssyncadd.s32 $0xFFFFFC00  }
0x61: {  	[spmem:s2] =	stream.indirect.scatter.add.f32 [tilespmem:s15], [sflag:$0x7], $0x8, s8, s14, $0xb8;
	[tilespmem:$0x8000] =	vst v63  }
0x62: {  	_ =	swait.ge [sflag:s26], $0x400  }
0x63: {  	[sflag:s26] =	ssyncset.done $0x0  }
0x64: {  	s8 =	sadd.s32 $0x2A80, s7;
	[sflag:s26] =	ssyncadd.s32 $0xFFFFFC00  }
0x65: {  	[spmem:s2] =	stream.indirect.scatter.add.f32 [tilespmem:s16], [sflag:$0x8], $0x8, s8, s14, $0xb8;
	[tilespmem:$0x8000] =	vst v63  }
0x66: {  	_ =	swait.ge [sflag:s28], $0x400  }
0x67: {  	[sflag:s28] =	ssyncset.done $0x0  }
0x68: {  	s8 =	sadd.s32 $0x2B00, s7;
	[sflag:s28] =	ssyncadd.s32 $0xFFFFFC00  }
0x69: {  	[spmem:s2] =	stream.indirect.scatter.add.f32 [tilespmem:s18], [sflag:$0x9], $0x8, s8, s14, $0xb8;
	[tilespmem:$0x8000] =	vst v63  }
0x6a: {  	_ =	swait.ge [sflag:s29], $0x400  }
0x6b: {  	[sflag:s29] =	ssyncset.done $0x0  }
0x6c: {  	s8 =	sadd.s32 $0x2B80, s7;
	[sflag:s29] =	ssyncadd.s32 $0xFFFFFC00  }
0x6d: {  	[spmem:s2] =	stream.indirect.scatter.add.f32 [tilespmem:s20], [sflag:$0xA], $0x8, s8, s14, $0xb8;
	[tilespmem:$0x8000] =	vst v63  }
0x6e: {  	_ =	swait.ge [sflag:s30], $0x400  }
0x6f: {  	[sflag:s30] =	ssyncset.done $0x0  }
0x70: {  	s8 =	sadd.s32 $0x2C00, s7;
	[sflag:s30] =	ssyncadd.s32 $0xFFFFFC00  }
0x71: {  	[spmem:s2] =	stream.indirect.scatter.add.f32 [tilespmem:s22], [sflag:$0xB], $0x8, s8, s14, $0xb8;
	[tilespmem:$0x8000] =	vst v63  }
0x72: {  	_ =	swait.ge [sflag:s31], $0x400  }
0x73: {  	[sflag:s31] =	ssyncset.done $0x0  }
0x74: {  	s8 =	sadd.s32 $0x2C80, s7;
	[sflag:s31] =	ssyncadd.s32 $0xFFFFFC00  }
0x75: {  	[spmem:s2] =	stream.indirect.scatter.add.f32 [tilespmem:s24], [sflag:$0xC], $0x8, s8, s14, $0xb8;
	[tilespmem:$0x8000] =	vst v63  }
0x76: {  	_ =	swait.ge [sflag:s1], $0x400  }
0x77: {  	[sflag:s1] =	ssyncset.done $0x0  }
0x78: {  	s8 =	sadd.s32 $0x300, s7;
	[sflag:s1] =	ssyncadd.s32 $0xFFFFFC00  }
0x79: {  	[tilespmem:s15], [sflag:$0x1] =	stream.indirect.gather [hbm4b:s4+s14], $0x8, s8, s14, $0xb8;
	[tilespmem:$0x8000] =	vst v63  }
0x7a: {  	_ =	swait.ge [sflag:s0], $0x400  }
0x7b: {  	[sflag:s0] =	ssyncset.done $0x0  }
0x7c: {  	s8 =	sadd.s32 $0x380, s7;
	[sflag:s0] =	ssyncadd.s32 $0xFFFFFC00  }
0x7d: {  	[tilespmem:s16], [sflag:$0x2] =	stream.indirect.gather [hbm4b:s4+s14], $0x8, s8, s14, $0xb8;
	[tilespmem:$0x8000] =	vst v63  }
0x7e: {  	_ =	swait.ge [sflag:s13], $0x400  }
0x7f: {  	[sflag:s13] =	ssyncset.done $0x0  }
0x80: {  	s8 =	sadd.s32 $0x400, s7;
	[sflag:s13] =	ssyncadd.s32 $0xFFFFFC00  }
0x81: {  	[tilespmem:s18], [sflag:$0x3] =	stream.indirect.gather [hbm4b:s4+s14], $0x8, s8, s14, $0xb8;
	[tilespmem:$0x8000] =	vst v63  }
0x82: {  	_ =	swait.ge [sflag:s17], $0x400  }
0x83: {  	[sflag:s17] =	ssyncset.done $0x0  }
0x84: {  	s8 =	sadd.s32 $0x480, s7;
	[sflag:s17] =	ssyncadd.s32 $0xFFFFFC00  }
0x85: {  	[tilespmem:s20], [sflag:$0x4] =	stream.indirect.gather [hbm4b:s4+s14], $0x8, s8, s14, $0xb8;
	[tilespmem:$0x8000] =	vst v63  }
0x86: {  	_ =	swait.ge [sflag:s19], $0x400  }
0x87: {  	[sflag:s19] =	ssyncset.done $0x0  }
.Ltmp0:
0x88: {  	s8 =	sadd.s32 $0x500, s7;
	[sflag:s19] =	ssyncadd.s32 $0xFFFFFC00;
	(pc) =	sbr.rel @p0 .LBB2_2-.Ltmp0, $4  }
0x89: {  	[tilespmem:s22], [sflag:$0x5] =	stream.indirect.gather [hbm4b:s4+s14], $0x8, s8, s14, $0xb8;
	[tilespmem:$0x8000] =	vst v63  }
0x8a: {  	_ =	swait.ge [sflag:s21], $0x400  }
0x8b: {  	[sflag:s21] =	ssyncset.done $0x0  }
0x8c: {  	s7 =	sadd.s32 $0x580, s7;
	[sflag:s21] =	ssyncadd.s32 $0xFFFFFC00  }
0x8d: {  	[tilespmem:s24], [sflag:$0x6] =	stream.indirect.gather [hbm4b:s4+s14], $0x8, s7, s14, $0xb8;
	[tilespmem:$0x8000] =	vst v63  }
0x8e: {  	_ =	swait.ge [sflag:s25], $0x400  }
0x8f: {  	[sflag:s25] =	ssyncset.done $0x0  }
0x90: {  	s5 =	simm.s32 $0x5100;
	[sflag:s25] =	ssyncadd.s32 $0xFFFFFC00  }
0x91: {  	[spmem:s2] =	stream.indirect.scatter.add.f32 [tilespmem:s15], [sflag:$0x7], $0x8, s5, s14, $0xb8;
	[tilespmem:$0x8000] =	vst v63  }
0x92: {  	_ =	swait.ge [sflag:s26], $0x400  }
0x93: {  	[sflag:s26] =	ssyncset.done $0x0  }
0x94: {  	s8 =	simm.s32 $0x5180;
	[sflag:s26] =	ssyncadd.s32 $0xFFFFFC00  }
0x95: {  	[spmem:s2] =	stream.indirect.scatter.add.f32 [tilespmem:s16], [sflag:$0x8], $0x8, s8, s14, $0xb8;
	[tilespmem:$0x8000] =	vst v63  }
0x96: {  	_ =	swait.ge [sflag:s28], $0x400  }
0x97: {  	[sflag:s28] =	ssyncset.done $0x0  }
0x98: {  	s7 =	simm.s32 $0x5200;
	[sflag:s28] =	ssyncadd.s32 $0xFFFFFC00  }
0x99: {  	[spmem:s2] =	stream.indirect.scatter.add.f32 [tilespmem:s18], [sflag:$0x9], $0x8, s7, s14, $0xb8;
	[tilespmem:$0x8000] =	vst v63  }
0x9a: {  	_ =	swait.ge [sflag:s29], $0x400  }
0x9b: {  	[sflag:s29] =	ssyncset.done $0x0  }
0x9c: {  	s8 =	simm.s32 $0x5280;
	[sflag:s29] =	ssyncadd.s32 $0xFFFFFC00  }
0x9d: {  	[spmem:s2] =	stream.indirect.scatter.add.f32 [tilespmem:s20], [sflag:$0xA], $0x8, s8, s14, $0xb8;
	[tilespmem:$0x8000] =	vst v63  }
0x9e: {  	_ =	swait.ge [sflag:s30], $0x400  }
0x9f: {  	[sflag:s30] =	ssyncset.done $0x0  }
0xa0: {  	s7 =	simm.s32 $0x5300;
	[sflag:s30] =	ssyncadd.s32 $0xFFFFFC00  }
0xa1: {  	[spmem:s2] =	stream.indirect.scatter.add.f32 [tilespmem:s22], [sflag:$0xB], $0x8, s7, s14, $0xb8;
	[tilespmem:$0x8000] =	vst v63  }
0xa2: {  	_ =	swait.ge [sflag:s31], $0x400  }
0xa3: {  	[sflag:s31] =	ssyncset.done $0x0  }
0xa4: {  	s8 =	simm.s32 $0x5380;
	[sflag:s31] =	ssyncadd.s32 $0xFFFFFC00  }
0xa5: {  	[spmem:s2] =	stream.indirect.scatter.add.f32 [tilespmem:s24], [sflag:$0xC], $0x8, s8, s14, $0xb8;
	[tilespmem:$0x8000] =	vst v63  }
0xa6: {  	_ =	swait.ge [sflag:s1], $0x400  }
0xa7: {  	[sflag:s1] =	ssyncset.done $0x0  }
0xa8: {  	[sflag:s1] =	ssyncadd.s32 $0xFFFFFC00  }
0xa9: {  	_ =	swait.ge [sflag:s0], $0x400  }
0xaa: {  	[sflag:s0] =	ssyncset.done $0x0  }
0xab: {  	[sflag:s0] =	ssyncadd.s32 $0xFFFFFC00  }
0xac: {  	_ =	swait.ge [sflag:s13], $0x400  }
0xad: {  	[sflag:s13] =	ssyncset.done $0x0  }
0xae: {  	[sflag:s13] =	ssyncadd.s32 $0xFFFFFC00  }
0xaf: {  	_ =	swait.ge [sflag:s17], $0x400  }
0xb0: {  	[sflag:s17] =	ssyncset.done $0x0  }
0xb1: {  	[sflag:s17] =	ssyncadd.s32 $0xFFFFFC00  }
0xb2: {  	_ =	swait.ge [sflag:s19], $0x400  }
0xb3: {  	[sflag:s19] =	ssyncset.done $0x0  }
0xb4: {  	[sflag:s19] =	ssyncadd.s32 $0xFFFFFC00  }
0xb5: {  	_ =	swait.ge [sflag:s21], $0x400  }
0xb6: {  	s23 =	sadd.s32 $0x1, s23;
	[sflag:s21] =	ssyncset.done $0x0  }
0xb7: {  	p0 =	sne.s32 s23, s10;
	[sflag:s21] =	ssyncadd.s32 $0xFFFFFC00  }
.Ltmp1:
0xb8: {  	[bflag:$0x0] =	sbarrier.arrive $0xFFFF;
	(pc) =	sbr.rel @p0 .LBB2_1-.Ltmp1, $4  }
0xb9: {  	[hbm:s9], [sflag:s6] =	dma.local [spmem:s11], $0x280  }
0xba: {  	_ =	swait.ge [sflag:s12], $0x280  }
0xbb: {  	[sflag:s12] =	ssyncset.done $0x0  }
0xbc: {  	[sflag:s12] =	ssyncadd.s32 $0xFFFFFD80  }
0xbd: {  	_ =	sfence.sel $0x180000  }
0xbe: {  	[bflag:$0x0] =	sbarrier.arrive $0xFFFF  }
0xbf: {  	_ =	strace $0x9000004D  }
0xc0: {  	s0 =	stileid.u32;
	[bflag:$0x2] =	sbarrier.arrive $0xFFFF  }
0xc1: {  	p0 =	sne.s32 s0, $0x0;
	s0 =	rddreg [dreg:$0x2]  }
0xc2: {  	s0 =	sadd.s32 @!p0 $0x100000, s0  }
0xc3: {  	[sflag:s0] =	ssyncadd.tile.s32 @!p0 $0x1;
	_ =	shalt  }
.Lfunc_end2:
_tile_overlayer_lowered:
.L_overlay_start_2:
0xc4: {  	(tag) =	ssettag $0x2  }
0xc5: {  	s0 =	rddreg [dreg:$0x0];
	s2 =	stileid.u32  }
0xc6: {  	s1 =	rddreg [dreg:$0x1];
	p0 =	sne.s32 s2, $0x0  }
0xc7: {  	s3 =	rddreg [dreg:$0x2];
	[bflag:$0x3] =	sbarrier.arrive $0xFFFF;
	s2 =	simm.s32 @!p0 $0x1C0D  }
0xc8: {  	[timem:s3], [sflag:s2] =	dma.local @!p0 [hbm:s0], s1  }
0xc9: {  	s0 =	simm.s32 @!p0 $0xD  }
0xca: {  	_ =	swait.ge @!p0 [sflag:s0], s1  }
0xcb: {  	s1 =	ssub.s32 @!p0 $0x0, s1;
	[sflag:s0] =	ssyncset.done @!p0 $0x0  }
0xcc: {  	[sflag:s0] =	ssyncadd.s32 @!p0 s1  }
0xcd: {  	[bflag:$0x3] =	sbarrier.arrive $0xFFFF  }
0xce: {  	_ =	shalt  }

// kernel: kernel.8.cloned.1.call-start
scs
__scs_entry_jumppad:
0x0: {  	(pc) =	sbr.rel $0x88, $3  }
0x1: {  	(tag) =	ssettag $0x0;
	lr =	simm.s32 $0x1  }
0x2: {  	[smem:$0x3F9B] =	sst lr;
	_ =	strace $0xD0000000  }
0x3: {  	_ = 	snop  }
0x4: {  	_ = 	snop  }
0x5: {  	_ = 	snop  }
0x6: {  	_ = 	snop  }
0x7: {  	_ = 	snop  }
__scs_overlays_trampoline_lowered:
0x8: {  	[smem:$0x3FAA] =	sst s0  }
0x9: {  	[smem:$0x3FAB] =	sst s1  }
0xa: {  	[smem:$0x3FAC] =	sst s2  }
0xb: {  	[smem:$0x3FAD] =	sst s3  }
0xc: {  	[smem:$0x3FAE] =	sst s4  }
0xd: {  	[smem:$0x3FAF] =	sst s5  }
0xe: {  	[smem:$0x3FB0] =	sst s6  }
0xf: {  	[smem:$0x3FB1] =	sst s7  }
0x10: {  	[smem:$0x3FB2] =	sst s8  }
0x11: {  	[smem:$0x3FB3] =	sst s9;
	s0 =	simm.s32 @!p0 $0x0  }
0x12: {  	s1 =	sld [smem:$0x3F99];
	s0 =	simm.s32 @p0 $0x1  }
0x13: {  	[smem:$0x3FB4] =	sst s0;
	s0 =	simm.s32 @!p1 $0x0  }
0x14: {  	s2 =	sld [smem:$0x3F98];
	s0 =	simm.s32 @p1 $0x1  }
0x15: {  	[smem:$0x3FB5] =	sst s0;
	s0 =	simm.s32 @!p2 $0x0  }
0x16: {  	s3 =	sld [smem:$0x3FDB];
	s0 =	simm.s32 @p2 $0x1  }
0x17: {  	s4 =	simm.s32 $0x1BF5;
	[smem:$0x3FB7] =	sst s0  }
0x18: {  	s0 =	sld [smem:$0x3F9A];
	_ =	swait.ge [sflag:s4], $0x0  }
0x19: {  	s7 =	sld [smem:$0x3F9B]  }
0x1a: {  	s8 =	sadd.s32 $0xFFFFE003, lr  }
0x1b: {  	s9 =	sadd.s32 $0xFFFFFEF7, lr;
	s5 =	simm.s32 $0xFFFFFFFF;
	p2 =	slt.u32 s8, $0xFFFFF086  }
0x1c: {  	p1 =	slt.u32 s9, $0xF7A;
	s5 =	simm.s32 @!p2 $0x0  }
0x1d: {  	s5 =	simm.s32 @p1 $0x1;
	p0 =	seq.s32 s7, s2  }
0x1e: {  	s7 =	smul.u32 @!p0 $0xF7A, s2;
	p2 =	seq.s32 @!p0 s5, $0x0  }
0x1f: {  	s9 =	smul.u32 $0xF7A, s1;
	s8 =	simm.s32 @!p0 $0x1BF5;
	p2 =	por !p2, p0  }
0x20: {  	[sflag:s8] =	ssyncset.s32 @!p0 $0xFFFFF086;
	s6 =	sadd.s32 @!p0 s3, s7;
	s7 =	simm.s32 @!p0 $0x108  }
0x21: {  	s3 =	sadd.s32 s3, s9;
	s6 =	sadd.s32 @!p0 $0x88, s6;
	s7 =	simm.s32 @p2 $0x1082  }
0x22: {  	[simem:s7], [sflag:s8] =	dma.local @!p0 [hbm:s6], $0xF7A  }
0x23: {  	s9 =	sor.u32 $0xD0000000, s2;
	s6 =	simm.s32 $0x108;
	_ =	swait.ge @!p0 [sflag:s8], $0x0  }
0x24: {  	s3 =	sadd.s32 $0x88, s3;
	s6 =	simm.s32 @!p1 $0x1082;
	[sflag:s4] =	ssyncset.s32 $0xFFFFF086  }
0x25: {  	[simem:s6], [sflag:s4] =	dma.local [hbm:s3], $0xF7A  }
0x26: {  	[smem:$0x3F9B] =	sst s1;
	(tag) =	ssettag s2;
	_ =	strace s9  }
0x27: {  	s1 =	sld [smem:$0x3FAB]  }
0x28: {  	s2 =	sld [smem:$0x3FAC]  }
0x29: {  	s4 =	sld [smem:$0x3FAE]  }
0x2a: {  	p0 =	seq.s32 s5, $0x0;
	s5 =	sld [smem:$0x3FAF]  }
0x2b: {  	s6 =	sld [smem:$0x3FB0]  }
0x2c: {  	s7 =	sld [smem:$0x3FB1]  }
0x2d: {  	s3 =	simm.s32 $0x108;
	s8 =	sld [smem:$0x3FB2]  }
0x2e: {  	s3 =	simm.s32 @!p0 $0x1082;
	s9 =	sld [smem:$0x3FB3]  }
0x2f: {  	lr =	sadd.s32 s0, s3;
	s0 =	sld [smem:$0x3FAA]  }
0x30: {  	s3 =	sld [smem:$0x3FAD]  }
0x31: {  	[smem:$0x3FB6] =	sst s10  }
0x32: {  	s10 =	sld [smem:$0x3FB4];
	_ =	sdelay $0x3  }
0x33: {  	p0 =	seq.s32 s10, $0x1;
	s10 =	sld [smem:$0x3FB6];
	_ =	sdelay $0x3  }
0x34: {  	[smem:$0x3FB6] =	sst s10  }
0x35: {  	s10 =	sld [smem:$0x3FB5];
	_ =	sdelay $0x3  }
0x36: {  	p1 =	seq.s32 s10, $0x1;
	s10 =	sld [smem:$0x3FB6];
	_ =	sdelay $0x3  }
0x37: {  	[smem:$0x3FB6] =	sst s10  }
0x38: {  	s10 =	sld [smem:$0x3FB7]  }
0x39: {  	_ = 	snop;
	(pc) =	sbr.ind lr, $3  }
0x3a: {  	_ = 	snop  }
0x3b: {  	_ = 	snop  }
0x3c: {  	p2 =	seq.s32 s10, $0x1;
	s10 =	sld [smem:$0x3FB6]  }
0x3d: {  	_ =	shalt  }
0x3e: {  	_ =	shalt  }
0x3f: {  	_ =	shalt  }
0x40: {  	_ =	shalt  }
0x41: {  	_ =	shalt  }
0x42: {  	_ =	shalt  }
0x43: {  	_ =	shalt  }
0x44: {  	_ =	shalt  }
0x45: {  	_ =	shalt  }
0x46: {  	_ =	shalt  }
0x47: {  	_ =	shalt  }
0x48: {  	_ =	shalt  }
0x49: {  	_ =	shalt  }
0x4a: {  	_ =	shalt  }
0x4b: {  	_ =	shalt  }
0x4c: {  	_ =	shalt  }
0x4d: {  	_ =	shalt  }
0x4e: {  	_ =	shalt  }
0x4f: {  	_ =	shalt  }
0x50: {  	_ =	shalt  }
0x51: {  	_ =	shalt  }
0x52: {  	_ =	shalt  }
0x53: {  	_ =	shalt  }
0x54: {  	_ =	shalt  }
0x55: {  	_ =	shalt  }
0x56: {  	_ =	shalt  }
0x57: {  	_ =	shalt  }
0x58: {  	_ =	shalt  }
0x59: {  	_ =	shalt  }
0x5a: {  	_ =	shalt  }
0x5b: {  	_ =	shalt  }
0x5c: {  	_ =	shalt  }
0x5d: {  	_ =	shalt  }
0x5e: {  	_ =	shalt  }
0x5f: {  	_ =	shalt  }
0x60: {  	_ =	shalt  }
0x61: {  	_ =	shalt  }
0x62: {  	_ =	shalt  }
0x63: {  	_ =	shalt  }
0x64: {  	_ =	shalt  }
0x65: {  	_ =	shalt  }
0x66: {  	_ =	shalt  }
0x67: {  	_ =	shalt  }
0x68: {  	_ =	shalt  }
0x69: {  	_ =	shalt  }
0x6a: {  	_ =	shalt  }
0x6b: {  	_ =	shalt  }
0x6c: {  	_ =	shalt  }
0x6d: {  	_ =	shalt  }
0x6e: {  	_ =	shalt  }
0x6f: {  	_ =	shalt  }
0x70: {  	_ =	shalt  }
0x71: {  	_ =	shalt  }
0x72: {  	_ =	shalt  }
0x73: {  	_ =	shalt  }
0x74: {  	_ =	shalt  }
0x75: {  	_ =	shalt  }
0x76: {  	_ =	shalt  }
0x77: {  	_ =	shalt  }
0x78: {  	_ =	shalt  }
0x79: {  	_ =	shalt  }
0x7a: {  	_ =	shalt  }
0x7b: {  	_ =	shalt  }
0x7c: {  	_ =	shalt  }
0x7d: {  	_ =	shalt  }
0x7e: {  	_ =	shalt  }
0x7f: {  	_ =	shalt  }
0x80: {  	_ =	shalt  }
0x81: {  	_ =	shalt  }
0x82: {  	_ =	shalt  }
0x83: {  	_ =	shalt  }
0x84: {  	_ =	shalt  }
0x85: {  	_ =	shalt  }
0x86: {  	_ =	shalt  }
0x87: {  	_ =	shalt  }
.Lfunc_end0:
.L_simem_size_0:
called_computation_lowered:
.L_overlay_start_0:
0x88: {  	s2 =	sld [smem:$0x3FD9]  }
0x89: {  	s3 =	sld [smem:$0x3FFE];
	_ =	sdelay $0x1  }
0x8a: {  	s1 =	srdreg.scid  }
0x8b: {  	s0 =	sand.u32 $0x1, s1  }
0x8c: {  	s17 =	sshll.u32 s0, $0xA;
	s2 =	sadd.s32 s3, s2  }
0x8d: {  	s2 =	sadd.s32 s2, s17  }
0x8e: {  	[smem:$0x3FC2] =	sst s2  }
0x8f: {  	_ = 	snop  }
0x90: {  	s2 =	sld [smem:$0x3FD0];
	(tm) =	ssettm $0x1  }
0x91: {  	s18 =	sld [smem:$0x3FFB];
	_ =	sdelay $0x3  }
0x92: {  	_ =	strace s18  }
0x93: {  	s3 =	sld [smem:$0x3FFC];
	_ =	sdelay $0x3  }
0x94: {  	_ =	strace s3  }
0x95: {  	s3 =	sld [smem:$0x3FFD];
	_ =	sdelay $0x3  }
0x96: {  	_ =	strace s3  }
0x97: {  	_ =	strace $0x8FFFFFFF  }
0x98: {  	s19 =	sld [smem:$0x3FDB];
	_ =	sdelay $0x1  }
0x99: {  	s4 =	simm.s32 $_scs_section_size  }
0x9a: {  	s5 =	simm.s32 $_size__tile_overlayer_lowered;
	s6 =	simm.s32 $_tile_overlayer_lowered  }
0x9b: {  	s22 =	simm.s32 $0x1BFF;
	s21 =	sshll.u32 s6, $0x1;
	s3 =	sadd.s32 s4, s19  }
0x9c: {  	s7 =	simm.s32 $0x0;
	s20 =	sshll.u32 s5, $0x1;
	s5 =	sadd.s32 s21, s3  }
0x9d: {  	[timem:s7], [sflag:s22] =	dma.local [hbm:s5], s20  }
0x9e: {  	_ =	swait.ge [sflag:s22], s20  }
0x9f: {  	s4 =	ssub.s32 $0x0, s20;
	[sflag:s22] =	ssyncset.done $0x0  }
0xa0: {  	[sflag:s22] =	ssyncadd.s32 s4;
	_ =	sdelay $0x1  }
0xa1: {  	s23 =	simm.s32 $0x1B8B  }
0xa2: {  	_ =	swait.ge [sflag:s23], $0x1  }
0xa3: {  	[sflag:s23] =	ssyncset.done $0x0  }
0xa4: {  	s25 =	simm.s32 $0x1B8E;
	s24 =	sld [smem:$0x3FFE];
	[sflag:s23] =	ssyncadd.s32 $0xFFFFFFFF  }
0xa5: {  	s26 =	simm.s32 $execute0_lowered;
	[smem:$0x3FD2] =	sst s25  }
0xa6: {  	s5 =	sshll.u32 s26, $0x1;
	_ =	strace $0x80000046;
	[dreg:$0x1] =	wrdreg $0xFFFFFFFF  }
0xa7: {  	s28 =	simm.s32 $_size_execute0_lowered;
	s3 =	sadd.s32 s3, s5;
	[dreg:$0x0] =	wrdreg $0x0  }
0xa8: {  	s5 =	sshll.u32 s28, $0x1;
	[dreg:$0x2] =	wrdreg s3  }
0xa9: {  	[dreg:$0x3] =	wrdreg s5  }
0xaa: {  	[dreg:$0x4] =	wrdreg $0xC0  }
0xab: {  	_ =	task [dreg:s7], $0x5FFFF  }
0xac: {  	[dreg:$0x1] =	wrdreg $0xFFFFFFFF  }
0xad: {  	[dreg:$0x0] =	wrdreg $0x60  }
0xae: {  	[dreg:$0x2] =	wrdreg s24  }
0xaf: {  	[dreg:$0x3] =	wrdreg s2  }
0xb0: {  	[dreg:$0x4] =	wrdreg $0x2A800  }
0xb1: {  	[dreg:$0x5] =	wrdreg $0x9  }
0xb2: {  	_ =	task.clear_ibuf [dreg:s7], $0x6FFFF;
	_ =	strace $0x90000046  }
0xb3: {  	s29 =	simm.s32 $0x9;
	_ =	strace $0x80000048  }
0xb4: {  	_ =	swait.ge [sflag:s29], $0x1  }
0xb5: {  	[sflag:s29] =	ssyncadd.s32 $0xFFFFFFFF  }
0xb6: {  	_ =	strace $0x90000048  }
0xb7: {  	_ =	sfence  }
0xb8: {  	s30 =	sld [smem:$0x0];
	_ =	sdelay $0x2  }
0xb9: {  	s31 =	sshll.u32 s1, $0xD;
	s1 =	sshrl.u32 s1, $0x2  }
0xba: {  	s3 =	sand.u32 $0x4000, s31;
	s1 =	sadd.s32 s1, s30  }
0xbb: {  	s0 =	sor.u32 s3, s0;
	s1 =	sshll.u32 s1, $0x11  }
0xbc: {  	s0 =	sor.u32 s1, s0  }
0xbd: {  	s0 =	sadd.s32 $0x8F2B, s0  }
0xbe: {  	[sflag:s0] =	ssyncadd.remote.s32 $0x1  }
0xbf: {  	_ =	sfence.sel $0xFFFF  }
0xc0: {  	[dreg:$0x0] =	wrdreg $0xFFFFFFFF;
	(pc) =	sbr.abs _section_cstart, $3  }
0xc1: {  	[dreg:$0x1] =	wrdreg $0xFFFFFFFF  }
0xc2: {  	_ =	task.clear_ibuf [dreg:s7], $0x2FFFF;
	_ =	strace $0x9FFFFFFF  }
0xc3: {  	(tm) =	ssettm $0x7FFFFFFF  }
tec
execute0_lowered:
.L_overlay_start_1:
0x0: {  	(tag) =	ssettag $0x1  }
0x1: {  	s4 =	rddreg [dreg:$0x0]  }
0x2: {  	s1 =	srdreg.scid;
	s5 =	rddreg [dreg:$0x1]  }
0x3: {  	s0 =	stileid.u32;
	s2 =	rddreg [dreg:$0x2];
	s3 =	simm.s32 $0x0  }
0x4: {  	s12 =	simm.s32 $0x2A00;
	s13 =	simm.s32 $0x1;
	s14 =	simm.s32 $0x0  }
0x5: {  	s6 =	sand.u32 $0x1, s1;
	s7 =	smul.u32 $0x280, s0;
	s1 =	rddreg [dreg:$0x3]  }
0x6: {  	[smem:$0x7FF] =	sst s3;
	s31 =	sshll.u32 s0, $0x6;
	s8 =	sshll.u32 s6, $0x4  }
0x7: {  	s9 =	smul.u32 $0x2800, s6;
	s6 =	ssub.s32 $0x2, s6;
	s8 =	sor.u32 s0, s8  }
0x8: {  	_ =	strace $0x80000047;
	s29 =	sshrl.u32 s6, $0x1;
	s8 =	smul.u32 $0x540, s8  }
0x9: {  	s30 =	sshrl.u32 s7, $0x3;
	s11 =	sadd.s32 s7, s2;
	s9 =	sadd.s32 s7, s9  }
0xa: {  	s10 =	ssub.s32 s6, s29;
	s9 =	sshrl.u32 s9, $0x3;
	s8 =	sadd.s32 s8, s4  }
0xb: {  	s9 =	sadd.s32 s9, s4;
	s4 =	sadd.s32 s5, s30;
	s5 =	sor.u32 $0x1C02, s31  }
0xc: {  	s6 =	sadd.s32 $0x1600, s8;
	s7 =	sadd.s32 $0xBE00, s9;
	s8 =	smax.u32 s10, $0x1  }
0xd: {  	v0 =	vimm.f32 $1.000000000e+00;
	s9 =	sshrl.u32 s11, $0x3;
	s10 =	simm.s32 $0x2;
	s11 =	simm.s32 $0x80  }
.LBB2_1:
0xe: {  	[spmem:s9], [sflag:s5] =	dma.local [hbm:s4], $0x50  }
0xf: {  	_ =	swait.ge [sflag:s10], $0x50  }
0x10: {  	[sflag:s10] =	ssyncset.done $0x0  }
0x11: {  	[sflag:s10] =	ssyncadd.s32 $0xFFFFFFB0  }
0x12: {  	[tilespmem:s3], [sflag:$0x2] =	stream.linear.gather [hbm4b:s6+s3], $0x2A00, $0x38;
	[tilespmem:$0x2D00] =	vst v63  }
0x13: {  	_ =	swait.ge [sflag:s10], $0x2A00  }
0x14: {  	[sflag:s10] =	ssyncset.done $0x0  }
0x15: {  	[sflag:s10] =	ssyncadd.s32 $0xFFFFD600  }
0x16: {  	[tilespmem:$0x2A00] =	vst v0  }
0x17: {  	[tilespmem:$0x2A10] =	vst v0  }
0x18: {  	[tilespmem:$0x2A20] =	vst v0  }
0x19: {  	[tilespmem:$0x2A30] =	vst v0  }
0x1a: {  	[tilespmem:$0x2A40] =	vst v0  }
0x1b: {  	[tilespmem:$0x2A50] =	vst v0  }
0x1c: {  	[tilespmem:$0x2A60] =	vst v0  }
0x1d: {  	[tilespmem:$0x2A70] =	vst v0  }
0x1e: {  	s15 =	simm.s32 $0x0;
	[bflag:$0x0] =	sbarrier.arrive $0xFFFF  }
.LBB2_2:
0x1f: {  	p0 =	sne.s32 s15, $0xA600  }
.Ltmp0:
0x20: {  	_ = 	snop;
	(pc) =	sbr.rel @p0 .LBB2_2-.Ltmp0, $3  }
0x21: {  	_ =	sdelay $0x1  }
0x22: {  	s16 =	sshra.s32 s15, $0x2;
	s15 =	sadd.s32 $0x200, s15  }
0x23: {  	[spmem:s2] =	stream.indirect.scatter.add.f32 [tilespmem:s12], [sflag:$0x1], $0x1, s16, s11, $0xb8;
	[tilespmem:$0x2D00] =	vst v63  }
0x24: {  	_ =	swait.ge [sflag:s13], $0x80  }
0x25: {  	s15 =	simm.s32 $0x53;
	[sflag:s13] =	ssyncset.done $0x0  }
.LBB2_4:
0x26: {  	p0 =	sne.s32 s15, $0x1;
	s15 =	sadd.s32 $0xFFFFFFFF, s15;
	[sflag:s13] =	ssyncadd.s32 $0xFFFFFF80  }
.Ltmp1:
0x27: {  	(pc) =	sbr.rel @p0 .LBB2_4-.Ltmp1, $3  }
0x28: {  	_ =	sdelay $0x1  }
0x29: {  	_ =	swait.ge [sflag:s13], $0x80  }
0x2a: {  	[sflag:s13] =	ssyncset.done $0x0  }
0x2b: {  	s14 =	sadd.s32 $0x1, s14  }
0x2c: {  	[sflag:s13] =	ssyncadd.s32 $0xFFFFFF80;
	p0 =	sne.s32 s14, s8  }
.Ltmp2:
0x2d: {  	[bflag:$0x0] =	sbarrier.arrive $0xFFFF;
	(pc) =	sbr.rel @p0 .LBB2_1-.Ltmp2, $4  }
0x2e: {  	[hbm:s7], [sflag:s5] =	dma.local [spmem:s9], $0x50  }
0x2f: {  	_ =	swait.ge [sflag:s10], $0x50  }
0x30: {  	[sflag:s10] =	ssyncset.done $0x0  }
0x31: {  	[sflag:s10] =	ssyncadd.s32 $0xFFFFFFB0  }
0x32: {  	_ =	sfence.sel $0x180000  }
0x33: {  	[bflag:$0x0] =	sbarrier.arrive $0xFFFF  }
0x34: {  	p0 =	sne.s32 s0, $0x0;
	_ =	strace $0x90000047  }
0x35: {  	s0 =	sadd.s32 @!p0 $0x100000, s1;
	[bflag:$0x2] =	sbarrier.arrive $0xFFFF  }
0x36: {  	[sflag:s0] =	ssyncadd.tile.s32 @!p0 $0x1;
	_ =	shalt  }
.Lfunc_end2:
_tile_overlayer_lowered:
.L_overlay_start_2:
0x37: {  	(tag) =	ssettag $0x2  }
0x38: {  	s0 =	rddreg [dreg:$0x0];
	s2 =	stileid.u32  }
0x39: {  	s1 =	rddreg [dreg:$0x1];
	p0 =	sne.s32 s2, $0x0  }
0x3a: {  	s3 =	rddreg [dreg:$0x2];
	[bflag:$0x3] =	sbarrier.arrive $0xFFFF;
	s2 =	simm.s32 @!p0 $0x1C02  }
0x3b: {  	[timem:s3], [sflag:s2] =	dma.local @!p0 [hbm:s0], s1  }
0x3c: {  	s0 =	simm.s32 @!p0 $0x2  }
0x3d: {  	_ =	swait.ge @!p0 [sflag:s0], s1  }
0x3e: {  	s1 =	ssub.s32 @!p0 $0x0, s1;
	[sflag:s0] =	ssyncset.done @!p0 $0x0  }
0x3f: {  	[sflag:s0] =	ssyncadd.s32 @!p0 s1  }
0x40: {  	[bflag:$0x3] =	sbarrier.arrive $0xFFFF  }
0x41: {  	_ =	shalt  }

</sc_bundles>
